<compile_context>
chip_gen: v7x
topology: tpu7x:2x2x1
jax: 0.10.2.dev20260603
libtpu: 0.0.44.dev20260713+nightly
codegen_flags: <defaults>
</compile_context>

<pallas_src>
import jax
import jax.numpy as jnp
from jax import lax
from jax.experimental import pallas as pl
from jax.experimental.pallas import tpu as pltpu
from jax.experimental.pallas import tpu_sc as plsc

_N = 10000
_E = 320000
_NPAD = 10240
_NSUB = 16
_EC = _E // _NSUB
_ROWS = 160
_ECP = _ROWS * 128
_FULL = _EC // 128
_REM = _EC - _FULL * 128
_NS = _NPAD // _NSUB


def _rsqrt16(d):
    i = lax.bitcast_convert_type(d, jnp.int32)
    i = jnp.int32(0x5F3759DF) - lax.shift_right_arithmetic(i, 1)
    y = lax.bitcast_convert_type(i, jnp.float32)
    for _ in range(3):
        y = y * (1.5 - 0.5 * d * y * y)
    return y


def _drain_row(vals, idx2d, acc, sem, j):
    pltpu.make_async_copy(vals.at[pl.ds(j * 128, 128)],
                          acc.at[idx2d.at[j]], sem).wait()


def _gs_pass(vals, dst_flat, src2d, cfull, acc, sem):
    G = 8
    def body(g, _):
        j0 = g * G
        def grow(j, _):
            def gchunk(k, _):
                s = pl.ds(j * 128 + k * 16, 16)
                vals[s] = plsc.load_gather(cfull, [dst_flat[s]])
                return 0
            lax.fori_loop(0, 8, gchunk, 0)
            return 0
        lax.fori_loop(j0, j0 + G, grow, 0)
        for t in range(G):
            pltpu.async_copy(vals.at[pl.ds((j0 + t) * 128, 128)],
                             acc.at[src2d.at[j0 + t]], sem, add=True)
        @pl.when(g > 0)
        def _():
            for t in range(G):
                _drain_row(vals, src2d, acc, sem, j0 - G + t)
        return 0
    lax.fori_loop(0, _ROWS // G, body, 0)
    for t in range(G):
        _drain_row(vals, src2d, acc, sem, _ROWS - G + t)


def _sc_body(src_hbm, dst_hbm, v_hbm, w_hbm,
             src_flat, dst_flat, src2d, dst2d, vals, cfull, onebuf,
             zbuf, abuf, cbuf, sbuf, tbuf, sem,
             acc_a, acc_b, carr, vcarr):
    wid = lax.axis_index("s")
    ebase = wid * _EC
    nbase = wid * _NS
    nsl = pl.ds(nbase, _NS)

    def z16(i, _):
        zbuf[pl.ds(i * 16, 16)] = jnp.zeros((16,), jnp.float32)
        return 0
    lax.fori_loop(0, _NS // 16, z16, 0)
    pltpu.sync_copy(zbuf, acc_a.at[nsl])
    pltpu.sync_copy(zbuf, acc_b.at[nsl])

    d_src = pltpu.async_copy(src_hbm.at[pl.ds(ebase, _EC)],
                             src_flat.at[pl.ds(0, _EC)], sem)
    d_dst = pltpu.async_copy(dst_hbm.at[pl.ds(ebase, _EC)],
                             dst_flat.at[pl.ds(0, _EC)], sem)
    d_src.wait()
    d_dst.wait()

    def repack(j, _):
        def inner(k, _):
            s = pl.ds(j * 128 + k * 16, 16)
            d = pl.ds(k * 16, 16)
            src2d[j, d] = src_flat[s]
            dst2d[j, d] = dst_flat[s]
            return 0
        lax.fori_loop(0, 8, inner, 0)
        return 0
    lax.fori_loop(0, _FULL, repack, 0)
    pv = jnp.int32(_N) + (wid * 16 + lax.iota(jnp.int32, 16)) % (_NPAD - _N)
    for k in range(_REM // 16):
        s = pl.ds(_FULL * 128 + k * 16, 16)
        src2d[_FULL, pl.ds(k * 16, 16)] = src_flat[s]
        dst2d[_FULL, pl.ds(k * 16, 16)] = dst_flat[s]
    for j in range(_FULL, _ROWS):
        for k in range((_REM // 16) if j == _FULL else 0, 8):
            src2d[j, pl.ds(k * 16, 16)] = pv
            dst2d[j, pl.ds(k * 16, 16)] = pv
    def padfill(i, _):
        dst_flat[pl.ds(i * 16, 16)] = jnp.full((16,), _NPAD, jnp.int32)
        return 0
    lax.fori_loop(_EC // 16, _ECP // 16, padfill, 0)

    for k in range(8):
        onebuf[pl.ds(k * 16, 16)] = jnp.ones((16,), jnp.float32)
        onebuf[pl.ds(128 + k * 16, 16)] = (
            jnp.ones((16,), jnp.float32) if k < _REM // 16
            else jnp.zeros((16,), jnp.float32))
        onebuf[pl.ds(256 + k * 16, 16)] = jnp.zeros((16,), jnp.float32)

    def hrow(j):
        sel = jnp.where(j < _FULL, 0, jnp.where(j == _FULL, 128, 256))
        return onebuf.at[pl.ds(sel, 128)]

    plsc.subcore_barrier()

    def hist(g, _):
        j0 = g * 4
        for t in range(4):
            pltpu.async_copy(hrow(j0 + t), acc_a.at[src2d.at[j0 + t]],
                             sem, add=True)
            pltpu.async_copy(hrow(j0 + t), acc_b.at[dst2d.at[j0 + t]],
                             sem, add=True)
        @pl.when(g > 0)
        def _():
            for t in range(4):
                j = j0 - 4 + t
                pltpu.make_async_copy(hrow(j), acc_a.at[src2d.at[j]],
                                      sem).wait()
                pltpu.make_async_copy(hrow(j), acc_b.at[dst2d.at[j]],
                                      sem).wait()
        return 0
    lax.fori_loop(0, _ROWS // 4, hist, 0)
    for t in range(4):
        j = _ROWS - 4 + t
        pltpu.make_async_copy(hrow(j), acc_a.at[src2d.at[j]], sem).wait()
        pltpu.make_async_copy(hrow(j), acc_b.at[dst2d.at[j]], sem).wait()
    plsc.subcore_barrier()

    pltpu.sync_copy(acc_a.at[nsl], sbuf)
    def fin_a(i, _):
        s = pl.ds(i * 16, 16)
        abuf[s] = _rsqrt16(jnp.maximum(sbuf[s], 1.0))
        return 0
    lax.fori_loop(0, _NS // 16, fin_a, 0)
    pltpu.sync_copy(acc_b.at[nsl], sbuf)
    def fin_c(i, _):
        s = pl.ds(i * 16, 16)
        cbuf[s] = _rsqrt16(jnp.maximum(sbuf[s], 1.0))
        return 0
    lax.fori_loop(0, _NS // 16, fin_c, 0)
    pltpu.sync_copy(cbuf, carr.at[nsl])
    pltpu.sync_copy(zbuf, acc_a.at[nsl])
    pltpu.sync_copy(zbuf, acc_b.at[nsl])
    plsc.subcore_barrier()

    pltpu.sync_copy(carr, cfull.at[pl.ds(0, _NPAD)])
    cfull[pl.ds(_NPAD, 16)] = jnp.zeros((16,), jnp.float32)
    _gs_pass(vals, dst_flat, src2d, cfull, acc_a, sem)
    plsc.subcore_barrier()

    pltpu.sync_copy(acc_a.at[nsl], sbuf)
    def fin_v(i, _):
        s = pl.ds(i * 16, 16)
        vv = abuf[s] * sbuf[s]
        tbuf[s] = vv
        cbuf[s] = vv * cbuf[s]
        return 0
    lax.fori_loop(0, _NS // 16, fin_v, 0)
    pltpu.sync_copy(tbuf, v_hbm.at[nsl])
    pltpu.sync_copy(cbuf, vcarr.at[nsl])
    plsc.subcore_barrier()

    pltpu.sync_copy(vcarr, cfull.at[pl.ds(0, _NPAD)])
    cfull[pl.ds(_NPAD, 16)] = jnp.zeros((16,), jnp.float32)
    _gs_pass(vals, dst_flat, src2d, cfull, acc_b, sem)
    plsc.subcore_barrier()

    pltpu.sync_copy(acc_b.at[nsl], sbuf)
    def fin_w(i, _):
        s = pl.ds(i * 16, 16)
        tbuf[s] = abuf[s] * sbuf[s]
        return 0
    lax.fori_loop(0, _NS // 16, fin_w, 0)
    pltpu.sync_copy(tbuf, w_hbm.at[nsl])


_sc_fn = pl.kernel(
    _sc_body,
    out_type=(jax.ShapeDtypeStruct((_NPAD,), jnp.float32),
              jax.ShapeDtypeStruct((_NPAD,), jnp.float32)),
    mesh=plsc.VectorSubcoreMesh(core_axis_name="c", subcore_axis_name="s",
                                num_cores=1, num_subcores=_NSUB),
    compiler_params=pltpu.CompilerParams(needs_layout_passes=False),
    scratch_types=[
        pltpu.VMEM((_ECP,), jnp.int32),
        pltpu.VMEM((_ECP,), jnp.int32),
        pltpu.VMEM((_ROWS, 128), jnp.int32),
        pltpu.VMEM((_ROWS, 128), jnp.int32),
        pltpu.VMEM((_ECP,), jnp.float32),
        pltpu.VMEM((_NPAD + 16,), jnp.float32),
        pltpu.VMEM((384,), jnp.float32),
        pltpu.VMEM((_NS,), jnp.float32),
        pltpu.VMEM((_NS,), jnp.float32),
        pltpu.VMEM((_NS,), jnp.float32),
        pltpu.VMEM((_NS,), jnp.float32),
        pltpu.VMEM((_NS,), jnp.float32),
        pltpu.SemaphoreType.DMA,
        pltpu.VMEM_SHARED((_NPAD,), jnp.float32),
        pltpu.VMEM_SHARED((_NPAD,), jnp.float32),
        pltpu.VMEM_SHARED((_NPAD,), jnp.float32),
        pltpu.VMEM_SHARED((_NPAD,), jnp.float32),
    ],
)


def _tc_body(x_ref, w_ref, v_ref, w1_ref, b1_ref, w2_ref, b2_ref,
             wo_ref, bo_ref, o_ref):
    wx = jnp.sum(x_ref[...] * w_ref[...], axis=0, keepdims=True)
    sv = jnp.sum(v_ref[...])
    mm = lambda a, b: lax.dot_general(a, b, (((1,), (0,)), ((), ())),
                                      precision=lax.Precision.HIGHEST)
    t1 = mm(wx, w1_ref[...]) + sv * b1_ref[...]
    t2 = mm(t1, w2_ref[...]) + jnp.float32(_N) * b2_ref[...]
    o_ref[...] = mm(t2, wo_ref[...]) + jnp.float32(_N) * bo_ref[...]


_tc_fn = pl.pallas_call(
    _tc_body,
    out_shape=jax.ShapeDtypeStruct((1, 64), jnp.float32),
)


def kernel(x, edge_index, W1, b1, W2, b2, Wout, bout):
    src = edge_index[0]
    dst = edge_index[1]
    v_pad, w_pad = _sc_fn(src, dst)
    out = _tc_fn(x, w_pad[:_N].reshape(_N, 1), v_pad.reshape(_NPAD // 128, 128),
                 W1, b1.reshape(1, -1), W2, b2.reshape(1, -1),
                 Wout, bout.reshape(1, -1))
    return out[0]

# --- scband reference (transcript-rebuilt; emitter-appended) ---
"""Pipeline reference for scband-gcnmodel-vae-71863392796777 (READ-ONLY COPY).

The authoritative reference and input builder live on the scoring server;
editing this copy changes nothing except your own understanding.
"""

import jax, jax.numpy as jnp
import numpy as np

N = 10000
E = 320000
D_IN = 128
H1 = 256
H2 = 128
EMB = 64


def setup_inputs(seed: int = 0) -> dict:
    key = jax.random.key(seed)
    ks = jax.random.split(key, 10)
    x = jax.random.normal(ks[0], (N, D_IN), dtype=jnp.float32)
    edge_index = jax.random.randint(ks[1], (2, E), 0, N, dtype=jnp.int32)
    W1 = jax.random.normal(ks[2], (D_IN, H1), dtype=jnp.float32) * (1.0 / np.sqrt(D_IN))
    b1 = jnp.zeros((H1,), dtype=jnp.float32)
    W2 = jax.random.normal(ks[3], (H1, H2), dtype=jnp.float32) * (1.0 / np.sqrt(H1))
    b2 = jnp.zeros((H2,), dtype=jnp.float32)
    Wout = jax.random.normal(ks[4], (H2, EMB), dtype=jnp.float32) * (1.0 / np.sqrt(H2))
    bout = jnp.zeros((EMB,), dtype=jnp.float32)
    return {"x": x, "edge_index": edge_index, "W1": W1, "b1": b1, "W2": W2, "b2": b2, "Wout": Wout, "bout": bout}


def reference(x, edge_index, W1, b1, W2, b2, Wout, bout):
    # GCNModelVAE.forward: infer_node_representation (2 GraphConv layers),
    # then output_regression[0] linear, then dgl.sum_nodes aggregation (single graph).
    src = edge_index[0]
    dst = edge_index[1]
    ones_e = jnp.ones((E,), dtype=jnp.float32)
    deg_out = jnp.clip(jnp.zeros((N,), jnp.float32).at[src].add(ones_e), 1.0, None)
    deg_in = jnp.clip(jnp.zeros((N,), jnp.float32).at[dst].add(ones_e), 1.0, None)
    norm_src = (deg_out ** -0.5)[:, None]
    norm_dst = (deg_in ** -0.5)[:, None]

    def gcn_layer(h, W, b):
        # DGL GraphConv with norm='both': D_dst^{-1/2} A D_src^{-1/2} h W + b
        h = h @ W
        h = h * norm_src
        msgs = h[src]  # gather per-edge source features
        agg = jnp.zeros((N, h.shape[1]), dtype=h.dtype).at[dst].add(msgs)  # scatter-add
        agg = agg * norm_dst
        return agg + b

    z = gcn_layer(x, W1, b1)
    z = gcn_layer(z, W2, b2)
    z = z @ Wout + bout  # output_regression[0]
    # aggregation_function: dgl.sum_nodes(g, 'h') -> sum over all nodes (single graph)
    return jnp.sum(z, axis=0)

if __name__ == "__main__":
    import jax
    _d = setup_inputs()
    print(jax.jit(kernel)(*tuple(_d.values())))

</pallas_src>

<mosaic_0001>
#map = affine_map<(d0, d1) -> (0)>
module attributes {stable_mosaic.version = 14 : i64} {
  func.func @_sc_body(%arg0: i32, %arg1: i32, %arg2: memref<320000xi32, #tpu.memory_space<hbm>>, %arg3: memref<320000xi32, #tpu.memory_space<hbm>>, %arg4: memref<10240xf32, #tpu.memory_space<hbm>>, %arg5: memref<10240xf32, #tpu.memory_space<hbm>>, %arg6: memref<20480xi32, #tpu.memory_space<vmem>>, %arg7: memref<20480xi32, #tpu.memory_space<vmem>>, %arg8: memref<160x128xi32, #tpu.memory_space<vmem>>, %arg9: memref<160x128xi32, #tpu.memory_space<vmem>>, %arg10: memref<20480xf32, #tpu.memory_space<vmem>>, %arg11: memref<10256xf32, #tpu.memory_space<vmem>>, %arg12: memref<384xf32, #tpu.memory_space<vmem>>, %arg13: memref<640xf32, #tpu.memory_space<vmem>>, %arg14: memref<640xf32, #tpu.memory_space<vmem>>, %arg15: memref<640xf32, #tpu.memory_space<vmem>>, %arg16: memref<640xf32, #tpu.memory_space<vmem>>, %arg17: memref<640xf32, #tpu.memory_space<vmem>>, %arg18: memref<!tpu.dma_semaphore, #tpu.memory_space<semaphore_mem>>, %arg19: memref<10240xf32, #tpu.memory_space<vmem_shared>>, %arg20: memref<10240xf32, #tpu.memory_space<vmem_shared>>, %arg21: memref<10240xf32, #tpu.memory_space<vmem_shared>>, %arg22: memref<10240xf32, #tpu.memory_space<vmem_shared>>) attributes {dimension_semantics = [#tpu.dimension_semantics<core_parallel>, #tpu.dimension_semantics<subcore_parallel>], iteration_bounds = array<i64: 1, 16>, scalar_prefetch = 0 : i64, scratch_operands = 17 : i64, tpu.core_type = #tpu.core_type<sc_vector_subcore>, window_params = [{transform_indices = #map}, {transform_indices = #map}, {transform_indices = #map}, {transform_indices = #map}]} {
    %mul3A = arith.constant 20000 : i32
    %mul3A_0 = arith.muli %arg1, %mul3A : i32
    %mul3A_1 = arith.constant 640 : i32
    %mul3A_2 = arith.muli %arg1, %mul3A_1 : i32
    %scan3A = arith.constant 0 : i32
    %scan3A_3 = arith.constant 0 : i32
    %scan3A_4 = arith.constant 40 : i32
    %scan3A_5 = arith.addi %scan3A_3, %scan3A_4 : i32
    %scan3A_6 = arith.constant 1 : i32
    %scan3A_7 = scf.for %scan3A_725 = %scan3A_3 to %scan3A_5 step %scan3A_6 iter_args(%scan3A_726 = %scan3A) -> (i32)  : i32 {
      %broadcast_in_dim3A_727 = arith.constant 0.000000e+00 : f32
      %broadcast_in_dim3A_728 = vector.broadcast %broadcast_in_dim3A_727 : f32 to vector<16xf32>
      %mul3A_729 = arith.constant 16 : i32
      %mul3A_730 = arith.muli %scan3A_725, %mul3A_729 : i32
      %swap3A_731 = arith.index_cast %mul3A_730 : i32 to index
      %swap3A_732 = tpu.vector_load %arg13[%swap3A_731] {strides = array<i32>} : memref<640xf32, #tpu.memory_space<vmem>>, vector<16xf32>,
      tpu.vector_store %arg13[%swap3A_731], %broadcast_in_dim3A_728 {strides = array<i32>} : memref<640xf32, #tpu.memory_space<vmem>>, vector<16xf32>,
      %scan3A_733 = arith.constant 0 : i32
      scf.yield %scan3A_733 : i32
    }
    %scan3A_8 = arith.constant 40 : i32
    "tpu.region"() ({
      %run_scoped3A = tpu.sem_alloc : memref<!tpu.dma_semaphore, #tpu.memory_space<semaphore_mem>>
      %dma_start3A_725 = tpu.memref_slice %arg19[%mul3A_2] : memref<10240xf32, #tpu.memory_space<vmem_shared>> -> memref<640xf32, #tpu.memory_space<vmem_shared>>
      %dma_start3A_726 = tpu.memref_slice %arg19[%mul3A_2] : memref<10240xf32, #tpu.memory_space<vmem_shared>> -> memref<640xf32, #tpu.memory_space<vmem_shared>>
      tpu.enqueue_dma source(%arg13 : memref<640xf32, #tpu.memory_space<vmem>>) target(%dma_start3A_726 : memref<640xf32, #tpu.memory_space<vmem_shared>>) target_semaphore(%run_scoped3A : memref<!tpu.dma_semaphore, #tpu.memory_space<semaphore_mem>>)
      %dma_wait3A_727 = tpu.memref_slice %arg19[%mul3A_2] : memref<10240xf32, #tpu.memory_space<vmem_shared>> -> memref<640xf32, #tpu.memory_space<vmem_shared>>
      %dma_wait3A_728 = tpu.memref_slice %arg19[%mul3A_2] : memref<10240xf32, #tpu.memory_space<vmem_shared>> -> memref<640xf32, #tpu.memory_space<vmem_shared>>
      tpu.wait_dma2 semaphore(%run_scoped3A : memref<!tpu.dma_semaphore, #tpu.memory_space<semaphore_mem>>) src(%arg13 : memref<640xf32, #tpu.memory_space<vmem>>) dst(%dma_wait3A_728 : memref<640xf32, #tpu.memory_space<vmem_shared>>)
      tpu.yield
    }) : () -> ()
    "tpu.region"() ({
      %run_scoped3A = tpu.sem_alloc : memref<!tpu.dma_semaphore, #tpu.memory_space<semaphore_mem>>
      %dma_start3A_725 = tpu.memref_slice %arg20[%mul3A_2] : memref<10240xf32, #tpu.memory_space<vmem_shared>> -> memref<640xf32, #tpu.memory_space<vmem_shared>>
      %dma_start3A_726 = tpu.memref_slice %arg20[%mul3A_2] : memref<10240xf32, #tpu.memory_space<vmem_shared>> -> memref<640xf32, #tpu.memory_space<vmem_shared>>
      tpu.enqueue_dma source(%arg13 : memref<640xf32, #tpu.memory_space<vmem>>) target(%dma_start3A_726 : memref<640xf32, #tpu.memory_space<vmem_shared>>) target_semaphore(%run_scoped3A : memref<!tpu.dma_semaphore, #tpu.memory_space<semaphore_mem>>)
      %dma_wait3A_727 = tpu.memref_slice %arg20[%mul3A_2] : memref<10240xf32, #tpu.memory_space<vmem_shared>> -> memref<640xf32, #tpu.memory_space<vmem_shared>>
      %dma_wait3A_728 = tpu.memref_slice %arg20[%mul3A_2] : memref<10240xf32, #tpu.memory_space<vmem_shared>> -> memref<640xf32, #tpu.memory_space<vmem_shared>>
      tpu.wait_dma2 semaphore(%run_scoped3A : memref<!tpu.dma_semaphore, #tpu.memory_space<semaphore_mem>>) src(%arg13 : memref<640xf32, #tpu.memory_space<vmem>>) dst(%dma_wait3A_728 : memref<640xf32, #tpu.memory_space<vmem_shared>>)
      tpu.yield
    }) : () -> ()
    %dma_start3A = arith.constant 0 : i32
    %dma_start3A_9 = tpu.memref_slice %arg6[%dma_start3A] : memref<20480xi32, #tpu.memory_space<vmem>> -> memref<20000xi32, #tpu.memory_space<vmem>>
    %dma_start3A_10 = tpu.memref_slice %arg2[%mul3A_0] : memref<320000xi32, #tpu.memory_space<hbm>> -> memref<20000xi32, #tpu.memory_space<hbm>>
    %dma_start3A_11 = arith.constant 0 : i32
    %dma_start3A_12 = tpu.memref_slice %arg6[%dma_start3A_11] : memref<20480xi32, #tpu.memory_space<vmem>> -> memref<20000xi32, #tpu.memory_space<vmem>>
    %dma_start3A_13 = tpu.memref_slice %arg2[%mul3A_0] : memref<320000xi32, #tpu.memory_space<hbm>> -> memref<20000xi32, #tpu.memory_space<hbm>>
    tpu.enqueue_dma source(%dma_start3A_13 : memref<20000xi32, #tpu.memory_space<hbm>>) target(%dma_start3A_12 : memref<20000xi32, #tpu.memory_space<vmem>>) target_semaphore(%arg18 : memref<!tpu.dma_semaphore, #tpu.memory_space<semaphore_mem>>)
    %dma_start3A_14 = arith.constant 0 : i32
    %dma_start3A_15 = tpu.memref_slice %arg7[%dma_start3A_14] : memref<20480xi32, #tpu.memory_space<vmem>> -> memref<20000xi32, #tpu.memory_space<vmem>>
    %dma_start3A_16 = tpu.memref_slice %arg3[%mul3A_0] : memref<320000xi32, #tpu.memory_space<hbm>> -> memref<20000xi32, #tpu.memory_space<hbm>>
    %dma_start3A_17 = arith.constant 0 : i32
    %dma_start3A_18 = tpu.memref_slice %arg7[%dma_start3A_17] : memref<20480xi32, #tpu.memory_space<vmem>> -> memref<20000xi32, #tpu.memory_space<vmem>>
    %dma_start3A_19 = tpu.memref_slice %arg3[%mul3A_0] : memref<320000xi32, #tpu.memory_space<hbm>> -> memref<20000xi32, #tpu.memory_space<hbm>>
    tpu.enqueue_dma source(%dma_start3A_19 : memref<20000xi32, #tpu.memory_space<hbm>>) target(%dma_start3A_18 : memref<20000xi32, #tpu.memory_space<vmem>>) target_semaphore(%arg18 : memref<!tpu.dma_semaphore, #tpu.memory_space<semaphore_mem>>)
    %dma_wait3A = arith.constant 0 : i32
    %dma_wait3A_20 = tpu.memref_slice %arg6[%dma_wait3A] : memref<20480xi32, #tpu.memory_space<vmem>> -> memref<20000xi32, #tpu.memory_space<vmem>>
    %dma_wait3A_21 = tpu.memref_slice %arg2[%mul3A_0] : memref<320000xi32, #tpu.memory_space<hbm>> -> memref<20000xi32, #tpu.memory_space<hbm>>
    %dma_wait3A_22 = arith.constant 0 : i32
    %dma_wait3A_23 = tpu.memref_slice %arg6[%dma_wait3A_22] : memref<20480xi32, #tpu.memory_space<vmem>> -> memref<20000xi32, #tpu.memory_space<vmem>>
    %dma_wait3A_24 = tpu.memref_slice %arg2[%mul3A_0] : memref<320000xi32, #tpu.memory_space<hbm>> -> memref<20000xi32, #tpu.memory_space<hbm>>
    tpu.wait_dma2 semaphore(%arg18 : memref<!tpu.dma_semaphore, #tpu.memory_space<semaphore_mem>>) src(%dma_wait3A_24 : memref<20000xi32, #tpu.memory_space<hbm>>) dst(%dma_wait3A_23 : memref<20000xi32, #tpu.memory_space<vmem>>)
    %dma_wait3A_25 = arith.constant 0 : i32
    %dma_wait3A_26 = tpu.memref_slice %arg7[%dma_wait3A_25] : memref<20480xi32, #tpu.memory_space<vmem>> -> memref<20000xi32, #tpu.memory_space<vmem>>
    %dma_wait3A_27 = tpu.memref_slice %arg3[%mul3A_0] : memref<320000xi32, #tpu.memory_space<hbm>> -> memref<20000xi32, #tpu.memory_space<hbm>>
    %dma_wait3A_28 = arith.constant 0 : i32
    %dma_wait3A_29 = tpu.memref_slice %arg7[%dma_wait3A_28] : memref<20480xi32, #tpu.memory_space<vmem>> -> memref<20000xi32, #tpu.memory_space<vmem>>
    %dma_wait3A_30 = tpu.memref_slice %arg3[%mul3A_0] : memref<320000xi32, #tpu.memory_space<hbm>> -> memref<20000xi32, #tpu.memory_space<hbm>>
    tpu.wait_dma2 semaphore(%arg18 : memref<!tpu.dma_semaphore, #tpu.memory_space<semaphore_mem>>) src(%dma_wait3A_30 : memref<20000xi32, #tpu.memory_space<hbm>>) dst(%dma_wait3A_29 : memref<20000xi32, #tpu.memory_space<vmem>>)
    %scan3A_31 = arith.constant 0 : i32
    %scan3A_32 = arith.constant 0 : i32
    %scan3A_33 = arith.constant 156 : i32
    %scan3A_34 = arith.addi %scan3A_32, %scan3A_33 : i32
    %scan3A_35 = arith.constant 1 : i32
    %scan3A_36 = scf.for %scan3A_725 = %scan3A_32 to %scan3A_34 step %scan3A_35 iter_args(%scan3A_726 = %scan3A_31) -> (i32)  : i32 {
      %scan3A_727 = arith.constant 0 : i32
      %scan3A_728 = arith.constant 0 : i32
      %scan3A_729 = arith.constant 8 : i32
      %scan3A_730 = arith.addi %scan3A_728, %scan3A_729 : i32
      %scan3A_731 = arith.constant 1 : i32
      %scan3A_732 = scf.for %scan3A_735 = %scan3A_728 to %scan3A_730 step %scan3A_731 iter_args(%scan3A_736 = %scan3A_727) -> (i32)  : i32 {
        %mul3A_737 = arith.constant 128 : i32
        %mul3A_738 = arith.muli %scan3A_725, %mul3A_737 : i32
        %mul3A_739 = arith.constant 16 : i32
        %mul3A_740 = arith.muli %scan3A_735, %mul3A_739 : i32
        %add3A_741 = arith.addi %mul3A_738, %mul3A_740 : i32
        %mul3A_742 = arith.constant 16 : i32
        %mul3A_743 = arith.muli %scan3A_735, %mul3A_742 : i32
        %get3A_744 = arith.index_cast %add3A_741 : i32 to index
        %get3A_745 = tpu.vector_load %arg6[%get3A_744] {strides = array<i32>} : memref<20480xi32, #tpu.memory_space<vmem>>, vector<16xi32>,
        %swap3A_746 = arith.index_cast %scan3A_725 : i32 to index
        %swap3A_747 = arith.index_cast %mul3A_743 : i32 to index
        %swap3A_748 = tpu.vector_load %arg8[%swap3A_746, %swap3A_747] {strides = array<i32>} : memref<160x128xi32, #tpu.memory_space<vmem>>, vector<16xi32>,
        tpu.vector_store %arg8[%swap3A_746, %swap3A_747], %get3A_745 {strides = array<i32>} : memref<160x128xi32, #tpu.memory_space<vmem>>, vector<16xi32>,
        %get3A_749 = arith.index_cast %add3A_741 : i32 to index
        %get3A_750 = tpu.vector_load %arg7[%get3A_749] {strides = array<i32>} : memref<20480xi32, #tpu.memory_space<vmem>>, vector<16xi32>,
        %swap3A_751 = arith.index_cast %scan3A_725 : i32 to index
        %swap3A_752 = arith.index_cast %mul3A_743 : i32 to index
        %swap3A_753 = tpu.vector_load %arg9[%swap3A_751, %swap3A_752] {strides = array<i32>} : memref<160x128xi32, #tpu.memory_space<vmem>>, vector<16xi32>,
        tpu.vector_store %arg9[%swap3A_751, %swap3A_752], %get3A_750 {strides = array<i32>} : memref<160x128xi32, #tpu.memory_space<vmem>>, vector<16xi32>,
        %scan3A_754 = arith.constant 0 : i32
        scf.yield %scan3A_754 : i32
      }
      %scan3A_733 = arith.constant 8 : i32
      %scan3A_734 = arith.constant 0 : i32
      scf.yield %scan3A_734 : i32
    }
    %scan3A_37 = arith.constant 156 : i32
    %mul3A_38 = arith.constant 16 : i32
    %mul3A_39 = arith.muli %arg1, %mul3A_38 : i32
    %iota3A = tpu.iota {dimensions = array<i32: 0>} : vector<16xi32>
    %add3A = vector.broadcast %mul3A_39 : i32 to vector<16xi32>
    %add3A_40 = arith.addi %add3A, %iota3A : vector<16xi32>
    %jit3A = arith.constant 240 : i32
    %eq3A = arith.constant 0 : i32
    %eq3A_41 = arith.cmpi eq, %jit3A, %eq3A : i32
    %jit3A_42 = arith.constant 1 : i32
    %select_n3A = arith.select %eq3A_41, %jit3A_42, %jit3A : i32
    %rem3A = vector.broadcast %select_n3A : i32 to vector<16xi32>
    %rem3A_43 = arith.remsi %add3A_40, %rem3A : vector<16xi32>
    %ne3A = arith.constant 0 : i32
    %ne3A_44 = vector.broadcast %ne3A : i32 to vector<16xi32>
    %ne3A_45 = arith.cmpi ne, %rem3A_43, %ne3A_44 : vector<16xi32>
    %lt3A = arith.constant 0 : i32
    %lt3A_46 = vector.broadcast %lt3A : i32 to vector<16xi32>
    %lt3A_47 = arith.cmpi slt, %rem3A_43, %lt3A_46 : vector<16xi32>
    %lt3A_48 = arith.constant 0 : i32
    %lt3A_49 = arith.cmpi slt, %select_n3A, %lt3A_48 : i32
    %ne3A_50 = vector.broadcast %lt3A_49 : i1 to vector<16xi1>
    %ne3A_51 = vector.broadcast %ne3A_50 : vector<16xi1> to vector<16xi1>
    %ne3A_52 = arith.xori %lt3A_47, %ne3A_51 : vector<16xi1>
    %and3A = arith.andi %ne3A_52, %ne3A_45 : vector<16xi1>
    %add3A_53 = vector.broadcast %select_n3A : i32 to vector<16xi32>
    %add3A_54 = arith.addi %rem3A_43, %add3A_53 : vector<16xi32>
    %select_n3A_55 = arith.select %and3A, %add3A_54, %rem3A_43 : vector<16xi1>, vector<16xi32>
    %add3A_56 = arith.constant 10000 : i32
    %add3A_57 = vector.broadcast %add3A_56 : i32 to vector<16xi32>
    %add3A_58 = arith.addi %add3A_57, %select_n3A_55 : vector<16xi32>
    %get3A = arith.constant 19968 : index
    %get3A_59 = tpu.vector_load %arg6[%get3A] {strides = array<i32>} : memref<20480xi32, #tpu.memory_space<vmem>>, vector<16xi32>,
    %swap3A = arith.constant 156 : i32
    %swap3A_60 = arith.index_cast %swap3A : i32 to index
    %swap3A_61 = arith.constant 0 : index
    %swap3A_62 = tpu.vector_load %arg8[%swap3A_60, %swap3A_61] {strides = array<i32>} : memref<160x128xi32, #tpu.memory_space<vmem>>, vector<16xi32>,
    tpu.vector_store %arg8[%swap3A_60, %swap3A_61], %get3A_59 {strides = array<i32>} : memref<160x128xi32, #tpu.memory_space<vmem>>, vector<16xi32>,
    %get3A_63 = arith.constant 19968 : index
    %get3A_64 = tpu.vector_load %arg7[%get3A_63] {strides = array<i32>} : memref<20480xi32, #tpu.memory_space<vmem>>, vector<16xi32>,
    %swap3A_65 = arith.constant 156 : i32
    %swap3A_66 = arith.index_cast %swap3A_65 : i32 to index
    %swap3A_67 = arith.constant 0 : index
    %swap3A_68 = tpu.vector_load %arg9[%swap3A_66, %swap3A_67] {strides = array<i32>} : memref<160x128xi32, #tpu.memory_space<vmem>>, vector<16xi32>,
    tpu.vector_store %arg9[%swap3A_66, %swap3A_67], %get3A_64 {strides = array<i32>} : memref<160x128xi32, #tpu.memory_space<vmem>>, vector<16xi32>,
    %get3A_69 = arith.constant 19984 : index
    %get3A_70 = tpu.vector_load %arg6[%get3A_69] {strides = array<i32>} : memref<20480xi32, #tpu.memory_space<vmem>>, vector<16xi32>,
    %swap3A_71 = arith.constant 156 : i32
    %swap3A_72 = arith.index_cast %swap3A_71 : i32 to index
    %swap3A_73 = arith.constant 16 : index
    %swap3A_74 = tpu.vector_load %arg8[%swap3A_72, %swap3A_73] {strides = array<i32>} : memref<160x128xi32, #tpu.memory_space<vmem>>, vector<16xi32>,
    tpu.vector_store %arg8[%swap3A_72, %swap3A_73], %get3A_70 {strides = array<i32>} : memref<160x128xi32, #tpu.memory_space<vmem>>, vector<16xi32>,
    %get3A_75 = arith.constant 19984 : index
    %get3A_76 = tpu.vector_load %arg7[%get3A_75] {strides = array<i32>} : memref<20480xi32, #tpu.memory_space<vmem>>, vector<16xi32>,
    %swap3A_77 = arith.constant 156 : i32
    %swap3A_78 = arith.index_cast %swap3A_77 : i32 to index
    %swap3A_79 = arith.constant 16 : index
    %swap3A_80 = tpu.vector_load %arg9[%swap3A_78, %swap3A_79] {strides = array<i32>} : memref<160x128xi32, #tpu.memory_space<vmem>>, vector<16xi32>,
    tpu.vector_store %arg9[%swap3A_78, %swap3A_79], %get3A_76 {strides = array<i32>} : memref<160x128xi32, #tpu.memory_space<vmem>>, vector<16xi32>,
    %swap3A_81 = arith.constant 156 : i32
    %swap3A_82 = arith.index_cast %swap3A_81 : i32 to index
    %swap3A_83 = arith.constant 32 : index
    %swap3A_84 = tpu.vector_load %arg8[%swap3A_82, %swap3A_83] {strides = array<i32>} : memref<160x128xi32, #tpu.memory_space<vmem>>, vector<16xi32>,
    tpu.vector_store %arg8[%swap3A_82, %swap3A_83], %add3A_58 {strides = array<i32>} : memref<160x128xi32, #tpu.memory_space<vmem>>, vector<16xi32>,
    %swap3A_85 = arith.constant 156 : i32
    %swap3A_86 = arith.index_cast %swap3A_85 : i32 to index
    %swap3A_87 = arith.constant 32 : index
    %swap3A_88 = tpu.vector_load %arg9[%swap3A_86, %swap3A_87] {strides = array<i32>} : memref<160x128xi32, #tpu.memory_space<vmem>>, vector<16xi32>,
    tpu.vector_store %arg9[%swap3A_86, %swap3A_87], %add3A_58 {strides = array<i32>} : memref<160x128xi32, #tpu.memory_space<vmem>>, vector<16xi32>,
    %swap3A_89 = arith.constant 156 : i32
    %swap3A_90 = arith.index_cast %swap3A_89 : i32 to index
    %swap3A_91 = arith.constant 48 : index
    %swap3A_92 = tpu.vector_load %arg8[%swap3A_90, %swap3A_91] {strides = array<i32>} : memref<160x128xi32, #tpu.memory_space<vmem>>, vector<16xi32>,
    tpu.vector_store %arg8[%swap3A_90, %swap3A_91], %add3A_58 {strides = array<i32>} : memref<160x128xi32, #tpu.memory_space<vmem>>, vector<16xi32>,
    %swap3A_93 = arith.constant 156 : i32
    %swap3A_94 = arith.index_cast %swap3A_93 : i32 to index
    %swap3A_95 = arith.constant 48 : index
    %swap3A_96 = tpu.vector_load %arg9[%swap3A_94, %swap3A_95] {strides = array<i32>} : memref<160x128xi32, #tpu.memory_space<vmem>>, vector<16xi32>,
    tpu.vector_store %arg9[%swap3A_94, %swap3A_95], %add3A_58 {strides = array<i32>} : memref<160x128xi32, #tpu.memory_space<vmem>>, vector<16xi32>,
    %swap3A_97 = arith.constant 156 : i32
    %swap3A_98 = arith.index_cast %swap3A_97 : i32 to index
    %swap3A_99 = arith.constant 64 : index
    %swap3A_100 = tpu.vector_load %arg8[%swap3A_98, %swap3A_99] {strides = array<i32>} : memref<160x128xi32, #tpu.memory_space<vmem>>, vector<16xi32>,
    tpu.vector_store %arg8[%swap3A_98, %swap3A_99], %add3A_58 {strides = array<i32>} : memref<160x128xi32, #tpu.memory_space<vmem>>, vector<16xi32>,
    %swap3A_101 = arith.constant 156 : i32
    %swap3A_102 = arith.index_cast %swap3A_101 : i32 to index
    %swap3A_103 = arith.constant 64 : index
    %swap3A_104 = tpu.vector_load %arg9[%swap3A_102, %swap3A_103] {strides = array<i32>} : memref<160x128xi32, #tpu.memory_space<vmem>>, vector<16xi32>,
    tpu.vector_store %arg9[%swap3A_102, %swap3A_103], %add3A_58 {strides = array<i32>} : memref<160x128xi32, #tpu.memory_space<vmem>>, vector<16xi32>,
    %swap3A_105 = arith.constant 156 : i32
    %swap3A_106 = arith.index_cast %swap3A_105 : i32 to index
    %swap3A_107 = arith.constant 80 : index
    %swap3A_108 = tpu.vector_load %arg8[%swap3A_106, %swap3A_107] {strides = array<i32>} : memref<160x128xi32, #tpu.memory_space<vmem>>, vector<16xi32>,
    tpu.vector_store %arg8[%swap3A_106, %swap3A_107], %add3A_58 {strides = array<i32>} : memref<160x128xi32, #tpu.memory_space<vmem>>, vector<16xi32>,
    %swap3A_109 = arith.constant 156 : i32
    %swap3A_110 = arith.index_cast %swap3A_109 : i32 to index
    %swap3A_111 = arith.constant 80 : index
    %swap3A_112 = tpu.vector_load %arg9[%swap3A_110, %swap3A_111] {strides = array<i32>} : memref<160x128xi32, #tpu.memory_space<vmem>>, vector<16xi32>,
    tpu.vector_store %arg9[%swap3A_110, %swap3A_111], %add3A_58 {strides = array<i32>} : memref<160x128xi32, #tpu.memory_space<vmem>>, vector<16xi32>,
    %swap3A_113 = arith.constant 156 : i32
    %swap3A_114 = arith.index_cast %swap3A_113 : i32 to index
    %swap3A_115 = arith.constant 96 : index
    %swap3A_116 = tpu.vector_load %arg8[%swap3A_114, %swap3A_115] {strides = array<i32>} : memref<160x128xi32, #tpu.memory_space<vmem>>, vector<16xi32>,
    tpu.vector_store %arg8[%swap3A_114, %swap3A_115], %add3A_58 {strides = array<i32>} : memref<160x128xi32, #tpu.memory_space<vmem>>, vector<16xi32>,
    %swap3A_117 = arith.constant 156 : i32
    %swap3A_118 = arith.index_cast %swap3A_117 : i32 to index
    %swap3A_119 = arith.constant 96 : index
    %swap3A_120 = tpu.vector_load %arg9[%swap3A_118, %swap3A_119] {strides = array<i32>} : memref<160x128xi32, #tpu.memory_space<vmem>>, vector<16xi32>,
    tpu.vector_store %arg9[%swap3A_118, %swap3A_119], %add3A_58 {strides = array<i32>} : memref<160x128xi32, #tpu.memory_space<vmem>>, vector<16xi32>,
    %swap3A_121 = arith.constant 156 : i32
    %swap3A_122 = arith.index_cast %swap3A_121 : i32 to index
    %swap3A_123 = arith.constant 112 : index
    %swap3A_124 = tpu.vector_load %arg8[%swap3A_122, %swap3A_123] {strides = array<i32>} : memref<160x128xi32, #tpu.memory_space<vmem>>, vector<16xi32>,
    tpu.vector_store %arg8[%swap3A_122, %swap3A_123], %add3A_58 {strides = array<i32>} : memref<160x128xi32, #tpu.memory_space<vmem>>, vector<16xi32>,
    %swap3A_125 = arith.constant 156 : i32
    %swap3A_126 = arith.index_cast %swap3A_125 : i32 to index
    %swap3A_127 = arith.constant 112 : index
    %swap3A_128 = tpu.vector_load %arg9[%swap3A_126, %swap3A_127] {strides = array<i32>} : memref<160x128xi32, #tpu.memory_space<vmem>>, vector<16xi32>,
    tpu.vector_store %arg9[%swap3A_126, %swap3A_127], %add3A_58 {strides = array<i32>} : memref<160x128xi32, #tpu.memory_space<vmem>>, vector<16xi32>,
    %swap3A_129 = arith.constant 157 : i32
    %swap3A_130 = arith.index_cast %swap3A_129 : i32 to index
    %swap3A_131 = arith.constant 0 : index
    %swap3A_132 = tpu.vector_load %arg8[%swap3A_130, %swap3A_131] {strides = array<i32>} : memref<160x128xi32, #tpu.memory_space<vmem>>, vector<16xi32>,
    tpu.vector_store %arg8[%swap3A_130, %swap3A_131], %add3A_58 {strides = array<i32>} : memref<160x128xi32, #tpu.memory_space<vmem>>, vector<16xi32>,
    %swap3A_133 = arith.constant 157 : i32
    %swap3A_134 = arith.index_cast %swap3A_133 : i32 to index
    %swap3A_135 = arith.constant 0 : index
    %swap3A_136 = tpu.vector_load %arg9[%swap3A_134, %swap3A_135] {strides = array<i32>} : memref<160x128xi32, #tpu.memory_space<vmem>>, vector<16xi32>,
    tpu.vector_store %arg9[%swap3A_134, %swap3A_135], %add3A_58 {strides = array<i32>} : memref<160x128xi32, #tpu.memory_space<vmem>>, vector<16xi32>,
    %swap3A_137 = arith.constant 157 : i32
    %swap3A_138 = arith.index_cast %swap3A_137 : i32 to index
    %swap3A_139 = arith.constant 16 : index
    %swap3A_140 = tpu.vector_load %arg8[%swap3A_138, %swap3A_139] {strides = array<i32>} : memref<160x128xi32, #tpu.memory_space<vmem>>, vector<16xi32>,
    tpu.vector_store %arg8[%swap3A_138, %swap3A_139], %add3A_58 {strides = array<i32>} : memref<160x128xi32, #tpu.memory_space<vmem>>, vector<16xi32>,
    %swap3A_141 = arith.constant 157 : i32
    %swap3A_142 = arith.index_cast %swap3A_141 : i32 to index
    %swap3A_143 = arith.constant 16 : index
    %swap3A_144 = tpu.vector_load %arg9[%swap3A_142, %swap3A_143] {strides = array<i32>} : memref<160x128xi32, #tpu.memory_space<vmem>>, vector<16xi32>,
    tpu.vector_store %arg9[%swap3A_142, %swap3A_143], %add3A_58 {strides = array<i32>} : memref<160x128xi32, #tpu.memory_space<vmem>>, vector<16xi32>,
    %swap3A_145 = arith.constant 157 : i32
    %swap3A_146 = arith.index_cast %swap3A_145 : i32 to index
    %swap3A_147 = arith.constant 32 : index
    %swap3A_148 = tpu.vector_load %arg8[%swap3A_146, %swap3A_147] {strides = array<i32>} : memref<160x128xi32, #tpu.memory_space<vmem>>, vector<16xi32>,
    tpu.vector_store %arg8[%swap3A_146, %swap3A_147], %add3A_58 {strides = array<i32>} : memref<160x128xi32, #tpu.memory_space<vmem>>, vector<16xi32>,
    %swap3A_149 = arith.constant 157 : i32
    %swap3A_150 = arith.index_cast %swap3A_149 : i32 to index
    %swap3A_151 = arith.constant 32 : index
    %swap3A_152 = tpu.vector_load %arg9[%swap3A_150, %swap3A_151] {strides = array<i32>} : memref<160x128xi32, #tpu.memory_space<vmem>>, vector<16xi32>,
    tpu.vector_store %arg9[%swap3A_150, %swap3A_151], %add3A_58 {strides = array<i32>} : memref<160x128xi32, #tpu.memory_space<vmem>>, vector<16xi32>,
    %swap3A_153 = arith.constant 157 : i32
    %swap3A_154 = arith.index_cast %swap3A_153 : i32 to index
    %swap3A_155 = arith.constant 48 : index
    %swap3A_156 = tpu.vector_load %arg8[%swap3A_154, %swap3A_155] {strides = array<i32>} : memref<160x128xi32, #tpu.memory_space<vmem>>, vector<16xi32>,
    tpu.vector_store %arg8[%swap3A_154, %swap3A_155], %add3A_58 {strides = array<i32>} : memref<160x128xi32, #tpu.memory_space<vmem>>, vector<16xi32>,
    %swap3A_157 = arith.constant 157 : i32
    %swap3A_158 = arith.index_cast %swap3A_157 : i32 to index
    %swap3A_159 = arith.constant 48 : index
    %swap3A_160 = tpu.vector_load %arg9[%swap3A_158, %swap3A_159] {strides = array<i32>} : memref<160x128xi32, #tpu.memory_space<vmem>>, vector<16xi32>,
    tpu.vector_store %arg9[%swap3A_158, %swap3A_159], %add3A_58 {strides = array<i32>} : memref<160x128xi32, #tpu.memory_space<vmem>>, vector<16xi32>,
    %swap3A_161 = arith.constant 157 : i32
    %swap3A_162 = arith.index_cast %swap3A_161 : i32 to index
    %swap3A_163 = arith.constant 64 : index
    %swap3A_164 = tpu.vector_load %arg8[%swap3A_162, %swap3A_163] {strides = array<i32>} : memref<160x128xi32, #tpu.memory_space<vmem>>, vector<16xi32>,
    tpu.vector_store %arg8[%swap3A_162, %swap3A_163], %add3A_58 {strides = array<i32>} : memref<160x128xi32, #tpu.memory_space<vmem>>, vector<16xi32>,
    %swap3A_165 = arith.constant 157 : i32
    %swap3A_166 = arith.index_cast %swap3A_165 : i32 to index
    %swap3A_167 = arith.constant 64 : index
    %swap3A_168 = tpu.vector_load %arg9[%swap3A_166, %swap3A_167] {strides = array<i32>} : memref<160x128xi32, #tpu.memory_space<vmem>>, vector<16xi32>,
    tpu.vector_store %arg9[%swap3A_166, %swap3A_167], %add3A_58 {strides = array<i32>} : memref<160x128xi32, #tpu.memory_space<vmem>>, vector<16xi32>,
    %swap3A_169 = arith.constant 157 : i32
    %swap3A_170 = arith.index_cast %swap3A_169 : i32 to index
    %swap3A_171 = arith.constant 80 : index
    %swap3A_172 = tpu.vector_load %arg8[%swap3A_170, %swap3A_171] {strides = array<i32>} : memref<160x128xi32, #tpu.memory_space<vmem>>, vector<16xi32>,
    tpu.vector_store %arg8[%swap3A_170, %swap3A_171], %add3A_58 {strides = array<i32>} : memref<160x128xi32, #tpu.memory_space<vmem>>, vector<16xi32>,
    %swap3A_173 = arith.constant 157 : i32
    %swap3A_174 = arith.index_cast %swap3A_173 : i32 to index
    %swap3A_175 = arith.constant 80 : index
    %swap3A_176 = tpu.vector_load %arg9[%swap3A_174, %swap3A_175] {strides = array<i32>} : memref<160x128xi32, #tpu.memory_space<vmem>>, vector<16xi32>,
    tpu.vector_store %arg9[%swap3A_174, %swap3A_175], %add3A_58 {strides = array<i32>} : memref<160x128xi32, #tpu.memory_space<vmem>>, vector<16xi32>,
    %swap3A_177 = arith.constant 157 : i32
    %swap3A_178 = arith.index_cast %swap3A_177 : i32 to index
    %swap3A_179 = arith.constant 96 : index
    %swap3A_180 = tpu.vector_load %arg8[%swap3A_178, %swap3A_179] {strides = array<i32>} : memref<160x128xi32, #tpu.memory_space<vmem>>, vector<16xi32>,
    tpu.vector_store %arg8[%swap3A_178, %swap3A_179], %add3A_58 {strides = array<i32>} : memref<160x128xi32, #tpu.memory_space<vmem>>, vector<16xi32>,
    %swap3A_181 = arith.constant 157 : i32
    %swap3A_182 = arith.index_cast %swap3A_181 : i32 to index
    %swap3A_183 = arith.constant 96 : index
    %swap3A_184 = tpu.vector_load %arg9[%swap3A_182, %swap3A_183] {strides = array<i32>} : memref<160x128xi32, #tpu.memory_space<vmem>>, vector<16xi32>,
    tpu.vector_store %arg9[%swap3A_182, %swap3A_183], %add3A_58 {strides = array<i32>} : memref<160x128xi32, #tpu.memory_space<vmem>>, vector<16xi32>,
    %swap3A_185 = arith.constant 157 : i32
    %swap3A_186 = arith.index_cast %swap3A_185 : i32 to index
    %swap3A_187 = arith.constant 112 : index
    %swap3A_188 = tpu.vector_load %arg8[%swap3A_186, %swap3A_187] {strides = array<i32>} : memref<160x128xi32, #tpu.memory_space<vmem>>, vector<16xi32>,
    tpu.vector_store %arg8[%swap3A_186, %swap3A_187], %add3A_58 {strides = array<i32>} : memref<160x128xi32, #tpu.memory_space<vmem>>, vector<16xi32>,
    %swap3A_189 = arith.constant 157 : i32
    %swap3A_190 = arith.index_cast %swap3A_189 : i32 to index
    %swap3A_191 = arith.constant 112 : index
    %swap3A_192 = tpu.vector_load %arg9[%swap3A_190, %swap3A_191] {strides = array<i32>} : memref<160x128xi32, #tpu.memory_space<vmem>>, vector<16xi32>,
    tpu.vector_store %arg9[%swap3A_190, %swap3A_191], %add3A_58 {strides = array<i32>} : memref<160x128xi32, #tpu.memory_space<vmem>>, vector<16xi32>,
    %swap3A_193 = arith.constant 158 : i32
    %swap3A_194 = arith.index_cast %swap3A_193 : i32 to index
    %swap3A_195 = arith.constant 0 : index
    %swap3A_196 = tpu.vector_load %arg8[%swap3A_194, %swap3A_195] {strides = array<i32>} : memref<160x128xi32, #tpu.memory_space<vmem>>, vector<16xi32>,
    tpu.vector_store %arg8[%swap3A_194, %swap3A_195], %add3A_58 {strides = array<i32>} : memref<160x128xi32, #tpu.memory_space<vmem>>, vector<16xi32>,
    %swap3A_197 = arith.constant 158 : i32
    %swap3A_198 = arith.index_cast %swap3A_197 : i32 to index
    %swap3A_199 = arith.constant 0 : index
    %swap3A_200 = tpu.vector_load %arg9[%swap3A_198, %swap3A_199] {strides = array<i32>} : memref<160x128xi32, #tpu.memory_space<vmem>>, vector<16xi32>,
    tpu.vector_store %arg9[%swap3A_198, %swap3A_199], %add3A_58 {strides = array<i32>} : memref<160x128xi32, #tpu.memory_space<vmem>>, vector<16xi32>,
    %swap3A_201 = arith.constant 158 : i32
    %swap3A_202 = arith.index_cast %swap3A_201 : i32 to index
    %swap3A_203 = arith.constant 16 : index
    %swap3A_204 = tpu.vector_load %arg8[%swap3A_202, %swap3A_203] {strides = array<i32>} : memref<160x128xi32, #tpu.memory_space<vmem>>, vector<16xi32>,
    tpu.vector_store %arg8[%swap3A_202, %swap3A_203], %add3A_58 {strides = array<i32>} : memref<160x128xi32, #tpu.memory_space<vmem>>, vector<16xi32>,
    %swap3A_205 = arith.constant 158 : i32
    %swap3A_206 = arith.index_cast %swap3A_205 : i32 to index
    %swap3A_207 = arith.constant 16 : index
    %swap3A_208 = tpu.vector_load %arg9[%swap3A_206, %swap3A_207] {strides = array<i32>} : memref<160x128xi32, #tpu.memory_space<vmem>>, vector<16xi32>,
    tpu.vector_store %arg9[%swap3A_206, %swap3A_207], %add3A_58 {strides = array<i32>} : memref<160x128xi32, #tpu.memory_space<vmem>>, vector<16xi32>,
    %swap3A_209 = arith.constant 158 : i32
    %swap3A_210 = arith.index_cast %swap3A_209 : i32 to index
    %swap3A_211 = arith.constant 32 : index
    %swap3A_212 = tpu.vector_load %arg8[%swap3A_210, %swap3A_211] {strides = array<i32>} : memref<160x128xi32, #tpu.memory_space<vmem>>, vector<16xi32>,
    tpu.vector_store %arg8[%swap3A_210, %swap3A_211], %add3A_58 {strides = array<i32>} : memref<160x128xi32, #tpu.memory_space<vmem>>, vector<16xi32>,
    %swap3A_213 = arith.constant 158 : i32
    %swap3A_214 = arith.index_cast %swap3A_213 : i32 to index
    %swap3A_215 = arith.constant 32 : index
    %swap3A_216 = tpu.vector_load %arg9[%swap3A_214, %swap3A_215] {strides = array<i32>} : memref<160x128xi32, #tpu.memory_space<vmem>>, vector<16xi32>,
    tpu.vector_store %arg9[%swap3A_214, %swap3A_215], %add3A_58 {strides = array<i32>} : memref<160x128xi32, #tpu.memory_space<vmem>>, vector<16xi32>,
    %swap3A_217 = arith.constant 158 : i32
    %swap3A_218 = arith.index_cast %swap3A_217 : i32 to index
    %swap3A_219 = arith.constant 48 : index
    %swap3A_220 = tpu.vector_load %arg8[%swap3A_218, %swap3A_219] {strides = array<i32>} : memref<160x128xi32, #tpu.memory_space<vmem>>, vector<16xi32>,
    tpu.vector_store %arg8[%swap3A_218, %swap3A_219], %add3A_58 {strides = array<i32>} : memref<160x128xi32, #tpu.memory_space<vmem>>, vector<16xi32>,
    %swap3A_221 = arith.constant 158 : i32
    %swap3A_222 = arith.index_cast %swap3A_221 : i32 to index
    %swap3A_223 = arith.constant 48 : index
    %swap3A_224 = tpu.vector_load %arg9[%swap3A_222, %swap3A_223] {strides = array<i32>} : memref<160x128xi32, #tpu.memory_space<vmem>>, vector<16xi32>,
    tpu.vector_store %arg9[%swap3A_222, %swap3A_223], %add3A_58 {strides = array<i32>} : memref<160x128xi32, #tpu.memory_space<vmem>>, vector<16xi32>,
    %swap3A_225 = arith.constant 158 : i32
    %swap3A_226 = arith.index_cast %swap3A_225 : i32 to index
    %swap3A_227 = arith.constant 64 : index
    %swap3A_228 = tpu.vector_load %arg8[%swap3A_226, %swap3A_227] {strides = array<i32>} : memref<160x128xi32, #tpu.memory_space<vmem>>, vector<16xi32>,
    tpu.vector_store %arg8[%swap3A_226, %swap3A_227], %add3A_58 {strides = array<i32>} : memref<160x128xi32, #tpu.memory_space<vmem>>, vector<16xi32>,
    %swap3A_229 = arith.constant 158 : i32
    %swap3A_230 = arith.index_cast %swap3A_229 : i32 to index
    %swap3A_231 = arith.constant 64 : index
    %swap3A_232 = tpu.vector_load %arg9[%swap3A_230, %swap3A_231] {strides = array<i32>} : memref<160x128xi32, #tpu.memory_space<vmem>>, vector<16xi32>,
    tpu.vector_store %arg9[%swap3A_230, %swap3A_231], %add3A_58 {strides = array<i32>} : memref<160x128xi32, #tpu.memory_space<vmem>>, vector<16xi32>,
    %swap3A_233 = arith.constant 158 : i32
    %swap3A_234 = arith.index_cast %swap3A_233 : i32 to index
    %swap3A_235 = arith.constant 80 : index
    %swap3A_236 = tpu.vector_load %arg8[%swap3A_234, %swap3A_235] {strides = array<i32>} : memref<160x128xi32, #tpu.memory_space<vmem>>, vector<16xi32>,
    tpu.vector_store %arg8[%swap3A_234, %swap3A_235], %add3A_58 {strides = array<i32>} : memref<160x128xi32, #tpu.memory_space<vmem>>, vector<16xi32>,
    %swap3A_237 = arith.constant 158 : i32
    %swap3A_238 = arith.index_cast %swap3A_237 : i32 to index
    %swap3A_239 = arith.constant 80 : index
    %swap3A_240 = tpu.vector_load %arg9[%swap3A_238, %swap3A_239] {strides = array<i32>} : memref<160x128xi32, #tpu.memory_space<vmem>>, vector<16xi32>,
    tpu.vector_store %arg9[%swap3A_238, %swap3A_239], %add3A_58 {strides = array<i32>} : memref<160x128xi32, #tpu.memory_space<vmem>>, vector<16xi32>,
    %swap3A_241 = arith.constant 158 : i32
    %swap3A_242 = arith.index_cast %swap3A_241 : i32 to index
    %swap3A_243 = arith.constant 96 : index
    %swap3A_244 = tpu.vector_load %arg8[%swap3A_242, %swap3A_243] {strides = array<i32>} : memref<160x128xi32, #tpu.memory_space<vmem>>, vector<16xi32>,
    tpu.vector_store %arg8[%swap3A_242, %swap3A_243], %add3A_58 {strides = array<i32>} : memref<160x128xi32, #tpu.memory_space<vmem>>, vector<16xi32>,
    %swap3A_245 = arith.constant 158 : i32
    %swap3A_246 = arith.index_cast %swap3A_245 : i32 to index
    %swap3A_247 = arith.constant 96 : index
    %swap3A_248 = tpu.vector_load %arg9[%swap3A_246, %swap3A_247] {strides = array<i32>} : memref<160x128xi32, #tpu.memory_space<vmem>>, vector<16xi32>,
    tpu.vector_store %arg9[%swap3A_246, %swap3A_247], %add3A_58 {strides = array<i32>} : memref<160x128xi32, #tpu.memory_space<vmem>>, vector<16xi32>,
    %swap3A_249 = arith.constant 158 : i32
    %swap3A_250 = arith.index_cast %swap3A_249 : i32 to index
    %swap3A_251 = arith.constant 112 : index
    %swap3A_252 = tpu.vector_load %arg8[%swap3A_250, %swap3A_251] {strides = array<i32>} : memref<160x128xi32, #tpu.memory_space<vmem>>, vector<16xi32>,
    tpu.vector_store %arg8[%swap3A_250, %swap3A_251], %add3A_58 {strides = array<i32>} : memref<160x128xi32, #tpu.memory_space<vmem>>, vector<16xi32>,
    %swap3A_253 = arith.constant 158 : i32
    %swap3A_254 = arith.index_cast %swap3A_253 : i32 to index
    %swap3A_255 = arith.constant 112 : index
    %swap3A_256 = tpu.vector_load %arg9[%swap3A_254, %swap3A_255] {strides = array<i32>} : memref<160x128xi32, #tpu.memory_space<vmem>>, vector<16xi32>,
    tpu.vector_store %arg9[%swap3A_254, %swap3A_255], %add3A_58 {strides = array<i32>} : memref<160x128xi32, #tpu.memory_space<vmem>>, vector<16xi32>,
    %swap3A_257 = arith.constant 159 : i32
    %swap3A_258 = arith.index_cast %swap3A_257 : i32 to index
    %swap3A_259 = arith.constant 0 : index
    %swap3A_260 = tpu.vector_load %arg8[%swap3A_258, %swap3A_259] {strides = array<i32>} : memref<160x128xi32, #tpu.memory_space<vmem>>, vector<16xi32>,
    tpu.vector_store %arg8[%swap3A_258, %swap3A_259], %add3A_58 {strides = array<i32>} : memref<160x128xi32, #tpu.memory_space<vmem>>, vector<16xi32>,
    %swap3A_261 = arith.constant 159 : i32
    %swap3A_262 = arith.index_cast %swap3A_261 : i32 to index
    %swap3A_263 = arith.constant 0 : index
    %swap3A_264 = tpu.vector_load %arg9[%swap3A_262, %swap3A_263] {strides = array<i32>} : memref<160x128xi32, #tpu.memory_space<vmem>>, vector<16xi32>,
    tpu.vector_store %arg9[%swap3A_262, %swap3A_263], %add3A_58 {strides = array<i32>} : memref<160x128xi32, #tpu.memory_space<vmem>>, vector<16xi32>,
    %swap3A_265 = arith.constant 159 : i32
    %swap3A_266 = arith.index_cast %swap3A_265 : i32 to index
    %swap3A_267 = arith.constant 16 : index
    %swap3A_268 = tpu.vector_load %arg8[%swap3A_266, %swap3A_267] {strides = array<i32>} : memref<160x128xi32, #tpu.memory_space<vmem>>, vector<16xi32>,
    tpu.vector_store %arg8[%swap3A_266, %swap3A_267], %add3A_58 {strides = array<i32>} : memref<160x128xi32, #tpu.memory_space<vmem>>, vector<16xi32>,
    %swap3A_269 = arith.constant 159 : i32
    %swap3A_270 = arith.index_cast %swap3A_269 : i32 to index
    %swap3A_271 = arith.constant 16 : index
    %swap3A_272 = tpu.vector_load %arg9[%swap3A_270, %swap3A_271] {strides = array<i32>} : memref<160x128xi32, #tpu.memory_space<vmem>>, vector<16xi32>,
    tpu.vector_store %arg9[%swap3A_270, %swap3A_271], %add3A_58 {strides = array<i32>} : memref<160x128xi32, #tpu.memory_space<vmem>>, vector<16xi32>,
    %swap3A_273 = arith.constant 159 : i32
    %swap3A_274 = arith.index_cast %swap3A_273 : i32 to index
    %swap3A_275 = arith.constant 32 : index
    %swap3A_276 = tpu.vector_load %arg8[%swap3A_274, %swap3A_275] {strides = array<i32>} : memref<160x128xi32, #tpu.memory_space<vmem>>, vector<16xi32>,
    tpu.vector_store %arg8[%swap3A_274, %swap3A_275], %add3A_58 {strides = array<i32>} : memref<160x128xi32, #tpu.memory_space<vmem>>, vector<16xi32>,
    %swap3A_277 = arith.constant 159 : i32
    %swap3A_278 = arith.index_cast %swap3A_277 : i32 to index
    %swap3A_279 = arith.constant 32 : index
    %swap3A_280 = tpu.vector_load %arg9[%swap3A_278, %swap3A_279] {strides = array<i32>} : memref<160x128xi32, #tpu.memory_space<vmem>>, vector<16xi32>,
    tpu.vector_store %arg9[%swap3A_278, %swap3A_279], %add3A_58 {strides = array<i32>} : memref<160x128xi32, #tpu.memory_space<vmem>>, vector<16xi32>,
    %swap3A_281 = arith.constant 159 : i32
    %swap3A_282 = arith.index_cast %swap3A_281 : i32 to index
    %swap3A_283 = arith.constant 48 : index
    %swap3A_284 = tpu.vector_load %arg8[%swap3A_282, %swap3A_283] {strides = array<i32>} : memref<160x128xi32, #tpu.memory_space<vmem>>, vector<16xi32>,
    tpu.vector_store %arg8[%swap3A_282, %swap3A_283], %add3A_58 {strides = array<i32>} : memref<160x128xi32, #tpu.memory_space<vmem>>, vector<16xi32>,
    %swap3A_285 = arith.constant 159 : i32
    %swap3A_286 = arith.index_cast %swap3A_285 : i32 to index
    %swap3A_287 = arith.constant 48 : index
    %swap3A_288 = tpu.vector_load %arg9[%swap3A_286, %swap3A_287] {strides = array<i32>} : memref<160x128xi32, #tpu.memory_space<vmem>>, vector<16xi32>,
    tpu.vector_store %arg9[%swap3A_286, %swap3A_287], %add3A_58 {strides = array<i32>} : memref<160x128xi32, #tpu.memory_space<vmem>>, vector<16xi32>,
    %swap3A_289 = arith.constant 159 : i32
    %swap3A_290 = arith.index_cast %swap3A_289 : i32 to index
    %swap3A_291 = arith.constant 64 : index
    %swap3A_292 = tpu.vector_load %arg8[%swap3A_290, %swap3A_291] {strides = array<i32>} : memref<160x128xi32, #tpu.memory_space<vmem>>, vector<16xi32>,
    tpu.vector_store %arg8[%swap3A_290, %swap3A_291], %add3A_58 {strides = array<i32>} : memref<160x128xi32, #tpu.memory_space<vmem>>, vector<16xi32>,
    %swap3A_293 = arith.constant 159 : i32
    %swap3A_294 = arith.index_cast %swap3A_293 : i32 to index
    %swap3A_295 = arith.constant 64 : index
    %swap3A_296 = tpu.vector_load %arg9[%swap3A_294, %swap3A_295] {strides = array<i32>} : memref<160x128xi32, #tpu.memory_space<vmem>>, vector<16xi32>,
    tpu.vector_store %arg9[%swap3A_294, %swap3A_295], %add3A_58 {strides = array<i32>} : memref<160x128xi32, #tpu.memory_space<vmem>>, vector<16xi32>,
    %swap3A_297 = arith.constant 159 : i32
    %swap3A_298 = arith.index_cast %swap3A_297 : i32 to index
    %swap3A_299 = arith.constant 80 : index
    %swap3A_300 = tpu.vector_load %arg8[%swap3A_298, %swap3A_299] {strides = array<i32>} : memref<160x128xi32, #tpu.memory_space<vmem>>, vector<16xi32>,
    tpu.vector_store %arg8[%swap3A_298, %swap3A_299], %add3A_58 {strides = array<i32>} : memref<160x128xi32, #tpu.memory_space<vmem>>, vector<16xi32>,
    %swap3A_301 = arith.constant 159 : i32
    %swap3A_302 = arith.index_cast %swap3A_301 : i32 to index
    %swap3A_303 = arith.constant 80 : index
    %swap3A_304 = tpu.vector_load %arg9[%swap3A_302, %swap3A_303] {strides = array<i32>} : memref<160x128xi32, #tpu.memory_space<vmem>>, vector<16xi32>,
    tpu.vector_store %arg9[%swap3A_302, %swap3A_303], %add3A_58 {strides = array<i32>} : memref<160x128xi32, #tpu.memory_space<vmem>>, vector<16xi32>,
    %swap3A_305 = arith.constant 159 : i32
    %swap3A_306 = arith.index_cast %swap3A_305 : i32 to index
    %swap3A_307 = arith.constant 96 : index
    %swap3A_308 = tpu.vector_load %arg8[%swap3A_306, %swap3A_307] {strides = array<i32>} : memref<160x128xi32, #tpu.memory_space<vmem>>, vector<16xi32>,
    tpu.vector_store %arg8[%swap3A_306, %swap3A_307], %add3A_58 {strides = array<i32>} : memref<160x128xi32, #tpu.memory_space<vmem>>, vector<16xi32>,
    %swap3A_309 = arith.constant 159 : i32
    %swap3A_310 = arith.index_cast %swap3A_309 : i32 to index
    %swap3A_311 = arith.constant 96 : index
    %swap3A_312 = tpu.vector_load %arg9[%swap3A_310, %swap3A_311] {strides = array<i32>} : memref<160x128xi32, #tpu.memory_space<vmem>>, vector<16xi32>,
    tpu.vector_store %arg9[%swap3A_310, %swap3A_311], %add3A_58 {strides = array<i32>} : memref<160x128xi32, #tpu.memory_space<vmem>>, vector<16xi32>,
    %swap3A_313 = arith.constant 159 : i32
    %swap3A_314 = arith.index_cast %swap3A_313 : i32 to index
    %swap3A_315 = arith.constant 112 : index
    %swap3A_316 = tpu.vector_load %arg8[%swap3A_314, %swap3A_315] {strides = array<i32>} : memref<160x128xi32, #tpu.memory_space<vmem>>, vector<16xi32>,
    tpu.vector_store %arg8[%swap3A_314, %swap3A_315], %add3A_58 {strides = array<i32>} : memref<160x128xi32, #tpu.memory_space<vmem>>, vector<16xi32>,
    %swap3A_317 = arith.constant 159 : i32
    %swap3A_318 = arith.index_cast %swap3A_317 : i32 to index
    %swap3A_319 = arith.constant 112 : index
    %swap3A_320 = tpu.vector_load %arg9[%swap3A_318, %swap3A_319] {strides = array<i32>} : memref<160x128xi32, #tpu.memory_space<vmem>>, vector<16xi32>,
    tpu.vector_store %arg9[%swap3A_318, %swap3A_319], %add3A_58 {strides = array<i32>} : memref<160x128xi32, #tpu.memory_space<vmem>>, vector<16xi32>,
    %scan3A_321 = arith.constant 0 : i32
    %scan3A_322 = arith.constant 1250 : i32
    %scan3A_323 = arith.constant 30 : i32
    %scan3A_324 = arith.addi %scan3A_322, %scan3A_323 : i32
    %scan3A_325 = arith.constant 1 : i32
    %scan3A_326 = scf.for %scan3A_725 = %scan3A_322 to %scan3A_324 step %scan3A_325 iter_args(%scan3A_726 = %scan3A_321) -> (i32)  : i32 {
      %broadcast_in_dim3A_727 = arith.constant 10240 : i32
      %broadcast_in_dim3A_728 = vector.broadcast %broadcast_in_dim3A_727 : i32 to vector<16xi32>
      %mul3A_729 = arith.constant 16 : i32
      %mul3A_730 = arith.muli %scan3A_725, %mul3A_729 : i32
      %swap3A_731 = arith.index_cast %mul3A_730 : i32 to index
      %swap3A_732 = tpu.vector_load %arg7[%swap3A_731] {strides = array<i32>} : memref<20480xi32, #tpu.memory_space<vmem>>, vector<16xi32>,
      tpu.vector_store %arg7[%swap3A_731], %broadcast_in_dim3A_728 {strides = array<i32>} : memref<20480xi32, #tpu.memory_space<vmem>>, vector<16xi32>,
      %scan3A_733 = arith.constant 0 : i32
      scf.yield %scan3A_733 : i32
    }
    %scan3A_327 = arith.constant 30 : i32
    %broadcast_in_dim3A = arith.constant 1.000000e+00 : f32
    %broadcast_in_dim3A_328 = vector.broadcast %broadcast_in_dim3A : f32 to vector<16xf32>
    %swap3A_329 = arith.constant 0 : index
    %swap3A_330 = tpu.vector_load %arg12[%swap3A_329] {strides = array<i32>} : memref<384xf32, #tpu.memory_space<vmem>>, vector<16xf32>,
    tpu.vector_store %arg12[%swap3A_329], %broadcast_in_dim3A_328 {strides = array<i32>} : memref<384xf32, #tpu.memory_space<vmem>>, vector<16xf32>,
    %broadcast_in_dim3A_331 = arith.constant 1.000000e+00 : f32
    %broadcast_in_dim3A_332 = vector.broadcast %broadcast_in_dim3A_331 : f32 to vector<16xf32>
    %swap3A_333 = arith.constant 128 : index
    %swap3A_334 = tpu.vector_load %arg12[%swap3A_333] {strides = array<i32>} : memref<384xf32, #tpu.memory_space<vmem>>, vector<16xf32>,
    tpu.vector_store %arg12[%swap3A_333], %broadcast_in_dim3A_332 {strides = array<i32>} : memref<384xf32, #tpu.memory_space<vmem>>, vector<16xf32>,
    %broadcast_in_dim3A_335 = arith.constant 0.000000e+00 : f32
    %broadcast_in_dim3A_336 = vector.broadcast %broadcast_in_dim3A_335 : f32 to vector<16xf32>
    %swap3A_337 = arith.constant 256 : index
    %swap3A_338 = tpu.vector_load %arg12[%swap3A_337] {strides = array<i32>} : memref<384xf32, #tpu.memory_space<vmem>>, vector<16xf32>,
    tpu.vector_store %arg12[%swap3A_337], %broadcast_in_dim3A_336 {strides = array<i32>} : memref<384xf32, #tpu.memory_space<vmem>>, vector<16xf32>,
    %broadcast_in_dim3A_339 = arith.constant 1.000000e+00 : f32
    %broadcast_in_dim3A_340 = vector.broadcast %broadcast_in_dim3A_339 : f32 to vector<16xf32>
    %swap3A_341 = arith.constant 16 : index
    %swap3A_342 = tpu.vector_load %arg12[%swap3A_341] {strides = array<i32>} : memref<384xf32, #tpu.memory_space<vmem>>, vector<16xf32>,
    tpu.vector_store %arg12[%swap3A_341], %broadcast_in_dim3A_340 {strides = array<i32>} : memref<384xf32, #tpu.memory_space<vmem>>, vector<16xf32>,
    %broadcast_in_dim3A_343 = arith.constant 1.000000e+00 : f32
    %broadcast_in_dim3A_344 = vector.broadcast %broadcast_in_dim3A_343 : f32 to vector<16xf32>
    %swap3A_345 = arith.constant 144 : index
    %swap3A_346 = tpu.vector_load %arg12[%swap3A_345] {strides = array<i32>} : memref<384xf32, #tpu.memory_space<vmem>>, vector<16xf32>,
    tpu.vector_store %arg12[%swap3A_345], %broadcast_in_dim3A_344 {strides = array<i32>} : memref<384xf32, #tpu.memory_space<vmem>>, vector<16xf32>,
    %broadcast_in_dim3A_347 = arith.constant 0.000000e+00 : f32
    %broadcast_in_dim3A_348 = vector.broadcast %broadcast_in_dim3A_347 : f32 to vector<16xf32>
    %swap3A_349 = arith.constant 272 : index
    %swap3A_350 = tpu.vector_load %arg12[%swap3A_349] {strides = array<i32>} : memref<384xf32, #tpu.memory_space<vmem>>, vector<16xf32>,
    tpu.vector_store %arg12[%swap3A_349], %broadcast_in_dim3A_348 {strides = array<i32>} : memref<384xf32, #tpu.memory_space<vmem>>, vector<16xf32>,
    %broadcast_in_dim3A_351 = arith.constant 1.000000e+00 : f32
    %broadcast_in_dim3A_352 = vector.broadcast %broadcast_in_dim3A_351 : f32 to vector<16xf32>
    %swap3A_353 = arith.constant 32 : index
    %swap3A_354 = tpu.vector_load %arg12[%swap3A_353] {strides = array<i32>} : memref<384xf32, #tpu.memory_space<vmem>>, vector<16xf32>,
    tpu.vector_store %arg12[%swap3A_353], %broadcast_in_dim3A_352 {strides = array<i32>} : memref<384xf32, #tpu.memory_space<vmem>>, vector<16xf32>,
    %broadcast_in_dim3A_355 = arith.constant 0.000000e+00 : f32
    %broadcast_in_dim3A_356 = vector.broadcast %broadcast_in_dim3A_355 : f32 to vector<16xf32>
    %swap3A_357 = arith.constant 160 : index
    %swap3A_358 = tpu.vector_load %arg12[%swap3A_357] {strides = array<i32>} : memref<384xf32, #tpu.memory_space<vmem>>, vector<16xf32>,
    tpu.vector_store %arg12[%swap3A_357], %broadcast_in_dim3A_356 {strides = array<i32>} : memref<384xf32, #tpu.memory_space<vmem>>, vector<16xf32>,
    %broadcast_in_dim3A_359 = arith.constant 0.000000e+00 : f32
    %broadcast_in_dim3A_360 = vector.broadcast %broadcast_in_dim3A_359 : f32 to vector<16xf32>
    %swap3A_361 = arith.constant 288 : index
    %swap3A_362 = tpu.vector_load %arg12[%swap3A_361] {strides = array<i32>} : memref<384xf32, #tpu.memory_space<vmem>>, vector<16xf32>,
    tpu.vector_store %arg12[%swap3A_361], %broadcast_in_dim3A_360 {strides = array<i32>} : memref<384xf32, #tpu.memory_space<vmem>>, vector<16xf32>,
    %broadcast_in_dim3A_363 = arith.constant 1.000000e+00 : f32
    %broadcast_in_dim3A_364 = vector.broadcast %broadcast_in_dim3A_363 : f32 to vector<16xf32>
    %swap3A_365 = arith.constant 48 : index
    %swap3A_366 = tpu.vector_load %arg12[%swap3A_365] {strides = array<i32>} : memref<384xf32, #tpu.memory_space<vmem>>, vector<16xf32>,
    tpu.vector_store %arg12[%swap3A_365], %broadcast_in_dim3A_364 {strides = array<i32>} : memref<384xf32, #tpu.memory_space<vmem>>, vector<16xf32>,
    %broadcast_in_dim3A_367 = arith.constant 0.000000e+00 : f32
    %broadcast_in_dim3A_368 = vector.broadcast %broadcast_in_dim3A_367 : f32 to vector<16xf32>
    %swap3A_369 = arith.constant 176 : index
    %swap3A_370 = tpu.vector_load %arg12[%swap3A_369] {strides = array<i32>} : memref<384xf32, #tpu.memory_space<vmem>>, vector<16xf32>,
    tpu.vector_store %arg12[%swap3A_369], %broadcast_in_dim3A_368 {strides = array<i32>} : memref<384xf32, #tpu.memory_space<vmem>>, vector<16xf32>,
    %broadcast_in_dim3A_371 = arith.constant 0.000000e+00 : f32
    %broadcast_in_dim3A_372 = vector.broadcast %broadcast_in_dim3A_371 : f32 to vector<16xf32>
    %swap3A_373 = arith.constant 304 : index
    %swap3A_374 = tpu.vector_load %arg12[%swap3A_373] {strides = array<i32>} : memref<384xf32, #tpu.memory_space<vmem>>, vector<16xf32>,
    tpu.vector_store %arg12[%swap3A_373], %broadcast_in_dim3A_372 {strides = array<i32>} : memref<384xf32, #tpu.memory_space<vmem>>, vector<16xf32>,
    %broadcast_in_dim3A_375 = arith.constant 1.000000e+00 : f32
    %broadcast_in_dim3A_376 = vector.broadcast %broadcast_in_dim3A_375 : f32 to vector<16xf32>
    %swap3A_377 = arith.constant 64 : index
    %swap3A_378 = tpu.vector_load %arg12[%swap3A_377] {strides = array<i32>} : memref<384xf32, #tpu.memory_space<vmem>>, vector<16xf32>,
    tpu.vector_store %arg12[%swap3A_377], %broadcast_in_dim3A_376 {strides = array<i32>} : memref<384xf32, #tpu.memory_space<vmem>>, vector<16xf32>,
    %broadcast_in_dim3A_379 = arith.constant 0.000000e+00 : f32
    %broadcast_in_dim3A_380 = vector.broadcast %broadcast_in_dim3A_379 : f32 to vector<16xf32>
    %swap3A_381 = arith.constant 192 : index
    %swap3A_382 = tpu.vector_load %arg12[%swap3A_381] {strides = array<i32>} : memref<384xf32, #tpu.memory_space<vmem>>, vector<16xf32>,
    tpu.vector_store %arg12[%swap3A_381], %broadcast_in_dim3A_380 {strides = array<i32>} : memref<384xf32, #tpu.memory_space<vmem>>, vector<16xf32>,
    %broadcast_in_dim3A_383 = arith.constant 0.000000e+00 : f32
    %broadcast_in_dim3A_384 = vector.broadcast %broadcast_in_dim3A_383 : f32 to vector<16xf32>
    %swap3A_385 = arith.constant 320 : index
    %swap3A_386 = tpu.vector_load %arg12[%swap3A_385] {strides = array<i32>} : memref<384xf32, #tpu.memory_space<vmem>>, vector<16xf32>,
    tpu.vector_store %arg12[%swap3A_385], %broadcast_in_dim3A_384 {strides = array<i32>} : memref<384xf32, #tpu.memory_space<vmem>>, vector<16xf32>,
    %broadcast_in_dim3A_387 = arith.constant 1.000000e+00 : f32
    %broadcast_in_dim3A_388 = vector.broadcast %broadcast_in_dim3A_387 : f32 to vector<16xf32>
    %swap3A_389 = arith.constant 80 : index
    %swap3A_390 = tpu.vector_load %arg12[%swap3A_389] {strides = array<i32>} : memref<384xf32, #tpu.memory_space<vmem>>, vector<16xf32>,
    tpu.vector_store %arg12[%swap3A_389], %broadcast_in_dim3A_388 {strides = array<i32>} : memref<384xf32, #tpu.memory_space<vmem>>, vector<16xf32>,
    %broadcast_in_dim3A_391 = arith.constant 0.000000e+00 : f32
    %broadcast_in_dim3A_392 = vector.broadcast %broadcast_in_dim3A_391 : f32 to vector<16xf32>
    %swap3A_393 = arith.constant 208 : index
    %swap3A_394 = tpu.vector_load %arg12[%swap3A_393] {strides = array<i32>} : memref<384xf32, #tpu.memory_space<vmem>>, vector<16xf32>,
    tpu.vector_store %arg12[%swap3A_393], %broadcast_in_dim3A_392 {strides = array<i32>} : memref<384xf32, #tpu.memory_space<vmem>>, vector<16xf32>,
    %broadcast_in_dim3A_395 = arith.constant 0.000000e+00 : f32
    %broadcast_in_dim3A_396 = vector.broadcast %broadcast_in_dim3A_395 : f32 to vector<16xf32>
    %swap3A_397 = arith.constant 336 : index
    %swap3A_398 = tpu.vector_load %arg12[%swap3A_397] {strides = array<i32>} : memref<384xf32, #tpu.memory_space<vmem>>, vector<16xf32>,
    tpu.vector_store %arg12[%swap3A_397], %broadcast_in_dim3A_396 {strides = array<i32>} : memref<384xf32, #tpu.memory_space<vmem>>, vector<16xf32>,
    %broadcast_in_dim3A_399 = arith.constant 1.000000e+00 : f32
    %broadcast_in_dim3A_400 = vector.broadcast %broadcast_in_dim3A_399 : f32 to vector<16xf32>
    %swap3A_401 = arith.constant 96 : index
    %swap3A_402 = tpu.vector_load %arg12[%swap3A_401] {strides = array<i32>} : memref<384xf32, #tpu.memory_space<vmem>>, vector<16xf32>,
    tpu.vector_store %arg12[%swap3A_401], %broadcast_in_dim3A_400 {strides = array<i32>} : memref<384xf32, #tpu.memory_space<vmem>>, vector<16xf32>,
    %broadcast_in_dim3A_403 = arith.constant 0.000000e+00 : f32
    %broadcast_in_dim3A_404 = vector.broadcast %broadcast_in_dim3A_403 : f32 to vector<16xf32>
    %swap3A_405 = arith.constant 224 : index
    %swap3A_406 = tpu.vector_load %arg12[%swap3A_405] {strides = array<i32>} : memref<384xf32, #tpu.memory_space<vmem>>, vector<16xf32>,
    tpu.vector_store %arg12[%swap3A_405], %broadcast_in_dim3A_404 {strides = array<i32>} : memref<384xf32, #tpu.memory_space<vmem>>, vector<16xf32>,
    %broadcast_in_dim3A_407 = arith.constant 0.000000e+00 : f32
    %broadcast_in_dim3A_408 = vector.broadcast %broadcast_in_dim3A_407 : f32 to vector<16xf32>
    %swap3A_409 = arith.constant 352 : index
    %swap3A_410 = tpu.vector_load %arg12[%swap3A_409] {strides = array<i32>} : memref<384xf32, #tpu.memory_space<vmem>>, vector<16xf32>,
    tpu.vector_store %arg12[%swap3A_409], %broadcast_in_dim3A_408 {strides = array<i32>} : memref<384xf32, #tpu.memory_space<vmem>>, vector<16xf32>,
    %broadcast_in_dim3A_411 = arith.constant 1.000000e+00 : f32
    %broadcast_in_dim3A_412 = vector.broadcast %broadcast_in_dim3A_411 : f32 to vector<16xf32>
    %swap3A_413 = arith.constant 112 : index
    %swap3A_414 = tpu.vector_load %arg12[%swap3A_413] {strides = array<i32>} : memref<384xf32, #tpu.memory_space<vmem>>, vector<16xf32>,
    tpu.vector_store %arg12[%swap3A_413], %broadcast_in_dim3A_412 {strides = array<i32>} : memref<384xf32, #tpu.memory_space<vmem>>, vector<16xf32>,
    %broadcast_in_dim3A_415 = arith.constant 0.000000e+00 : f32
    %broadcast_in_dim3A_416 = vector.broadcast %broadcast_in_dim3A_415 : f32 to vector<16xf32>
    %swap3A_417 = arith.constant 240 : index
    %swap3A_418 = tpu.vector_load %arg12[%swap3A_417] {strides = array<i32>} : memref<384xf32, #tpu.memory_space<vmem>>, vector<16xf32>,
    tpu.vector_store %arg12[%swap3A_417], %broadcast_in_dim3A_416 {strides = array<i32>} : memref<384xf32, #tpu.memory_space<vmem>>, vector<16xf32>,
    %broadcast_in_dim3A_419 = arith.constant 0.000000e+00 : f32
    %broadcast_in_dim3A_420 = vector.broadcast %broadcast_in_dim3A_419 : f32 to vector<16xf32>
    %swap3A_421 = arith.constant 368 : index
    %swap3A_422 = tpu.vector_load %arg12[%swap3A_421] {strides = array<i32>} : memref<384xf32, #tpu.memory_space<vmem>>, vector<16xf32>,
    tpu.vector_store %arg12[%swap3A_421], %broadcast_in_dim3A_420 {strides = array<i32>} : memref<384xf32, #tpu.memory_space<vmem>>, vector<16xf32>,
    %barrier3A = arith.constant 0 : index
    tpu.barrier barrier_id(%barrier3A)
    %scan3A_423 = arith.constant 0 : i32
    %scan3A_424 = arith.constant 0 : i32
    %scan3A_425 = arith.constant 40 : i32
    %scan3A_426 = arith.addi %scan3A_424, %scan3A_425 : i32
    %scan3A_427 = arith.constant 1 : i32
    %scan3A_428 = scf.for %scan3A_725 = %scan3A_424 to %scan3A_426 step %scan3A_427 iter_args(%scan3A_726 = %scan3A_423) -> (i32)  : i32 {
      %mul3A_727 = arith.constant 4 : i32
      %mul3A_728 = arith.muli %scan3A_725, %mul3A_727 : i32
      %add3A_729 = arith.constant 0 : i32
      %add3A_730 = arith.addi %mul3A_728, %add3A_729 : i32
      %lt3A_731 = arith.constant 156 : i32
      %lt3A_732 = arith.cmpi slt, %add3A_730, %lt3A_731 : i32
      %eq3A_733 = arith.constant 156 : i32
      %eq3A_734 = arith.cmpi eq, %add3A_730, %eq3A_733 : i32
      %jit3A_735 = arith.constant 128 : i32
      %jit3A_736 = arith.constant 256 : i32
      %select_n3A_737 = arith.select %eq3A_734, %jit3A_735, %jit3A_736 : i32
      %jit3A_738 = arith.constant 0 : i32
      %select_n3A_739 = arith.select %lt3A_732, %jit3A_738, %select_n3A_737 : i32
      %add3A_740 = arith.constant 0 : i32
      %add3A_741 = arith.addi %mul3A_728, %add3A_740 : i32
      %dma_start3A_742 = tpu.memref_slice %arg12[%select_n3A_739] : memref<384xf32, #tpu.memory_space<vmem>> -> memref<128xf32, #tpu.memory_space<vmem>>
      %dma_start3A_743 = arith.constant 0 : i32
      %dma_start3A_744 = tpu.memref_slice %arg8[%add3A_741, %dma_start3A_743] : memref<160x128xi32, #tpu.memory_space<vmem>> -> memref<1x128xi32, #tpu.memory_space<vmem>>
      %dma_start3A_745 = tpu.memref_squeeze %dma_start3A_744 : memref<1x128xi32, #tpu.memory_space<vmem>> -> memref<128xi32, #tpu.memory_space<vmem>>
      %dma_start3A_746 = arith.constant 0 : i32
      %dma_start3A_747 = tpu.memref_slice %arg19[%dma_start3A_746] : memref<10240xf32, #tpu.memory_space<vmem_shared>> -> memref<10240xf32, #tpu.memory_space<vmem_shared>>
      tpu.enqueue_indirect_dma source(%dma_start3A_742 : memref<128xf32, #tpu.memory_space<vmem>>) target(%dma_start3A_747 : memref<10240xf32, #tpu.memory_space<vmem_shared>>) offsets(%dma_start3A_745 : memref<128xi32, #tpu.memory_space<vmem>>) semaphore(%arg18 : memref<!tpu.dma_semaphore, #tpu.memory_space<semaphore_mem>>) {add = true}
      %add3A_748 = arith.constant 0 : i32
      %add3A_749 = arith.addi %mul3A_728, %add3A_748 : i32
      %lt3A_750 = arith.constant 156 : i32
      %lt3A_751 = arith.cmpi slt, %add3A_749, %lt3A_750 : i32
      %eq3A_752 = arith.constant 156 : i32
      %eq3A_753 = arith.cmpi eq, %add3A_749, %eq3A_752 : i32
      %jit3A_754 = arith.constant 128 : i32
      %jit3A_755 = arith.constant 256 : i32
      %select_n3A_756 = arith.select %eq3A_753, %jit3A_754, %jit3A_755 : i32
      %jit3A_757 = arith.constant 0 : i32
      %select_n3A_758 = arith.select %lt3A_751, %jit3A_757, %select_n3A_756 : i32
      %add3A_759 = arith.constant 0 : i32
      %add3A_760 = arith.addi %mul3A_728, %add3A_759 : i32
      %dma_start3A_761 = tpu.memref_slice %arg12[%select_n3A_758] : memref<384xf32, #tpu.memory_space<vmem>> -> memref<128xf32, #tpu.memory_space<vmem>>
      %dma_start3A_762 = arith.constant 0 : i32
      %dma_start3A_763 = tpu.memref_slice %arg9[%add3A_760, %dma_start3A_762] : memref<160x128xi32, #tpu.memory_space<vmem>> -> memref<1x128xi32, #tpu.memory_space<vmem>>
      %dma_start3A_764 = tpu.memref_squeeze %dma_start3A_763 : memref<1x128xi32, #tpu.memory_space<vmem>> -> memref<128xi32, #tpu.memory_space<vmem>>
      %dma_start3A_765 = arith.constant 0 : i32
      %dma_start3A_766 = tpu.memref_slice %arg20[%dma_start3A_765] : memref<10240xf32, #tpu.memory_space<vmem_shared>> -> memref<10240xf32, #tpu.memory_space<vmem_shared>>
      tpu.enqueue_indirect_dma source(%dma_start3A_761 : memref<128xf32, #tpu.memory_space<vmem>>) target(%dma_start3A_766 : memref<10240xf32, #tpu.memory_space<vmem_shared>>) offsets(%dma_start3A_764 : memref<128xi32, #tpu.memory_space<vmem>>) semaphore(%arg18 : memref<!tpu.dma_semaphore, #tpu.memory_space<semaphore_mem>>) {add = true}
      %add3A_767 = arith.constant 1 : i32
      %add3A_768 = arith.addi %mul3A_728, %add3A_767 : i32
      %lt3A_769 = arith.constant 156 : i32
      %lt3A_770 = arith.cmpi slt, %add3A_768, %lt3A_769 : i32
      %eq3A_771 = arith.constant 156 : i32
      %eq3A_772 = arith.cmpi eq, %add3A_768, %eq3A_771 : i32
      %jit3A_773 = arith.constant 128 : i32
      %jit3A_774 = arith.constant 256 : i32
      %select_n3A_775 = arith.select %eq3A_772, %jit3A_773, %jit3A_774 : i32
      %jit3A_776 = arith.constant 0 : i32
      %select_n3A_777 = arith.select %lt3A_770, %jit3A_776, %select_n3A_775 : i32
      %add3A_778 = arith.constant 1 : i32
      %add3A_779 = arith.addi %mul3A_728, %add3A_778 : i32
      %dma_start3A_780 = tpu.memref_slice %arg12[%select_n3A_777] : memref<384xf32, #tpu.memory_space<vmem>> -> memref<128xf32, #tpu.memory_space<vmem>>
      %dma_start3A_781 = arith.constant 0 : i32
      %dma_start3A_782 = tpu.memref_slice %arg8[%add3A_779, %dma_start3A_781] : memref<160x128xi32, #tpu.memory_space<vmem>> -> memref<1x128xi32, #tpu.memory_space<vmem>>
      %dma_start3A_783 = tpu.memref_squeeze %dma_start3A_782 : memref<1x128xi32, #tpu.memory_space<vmem>> -> memref<128xi32, #tpu.memory_space<vmem>>
      %dma_start3A_784 = arith.constant 0 : i32
      %dma_start3A_785 = tpu.memref_slice %arg19[%dma_start3A_784] : memref<10240xf32, #tpu.memory_space<vmem_shared>> -> memref<10240xf32, #tpu.memory_space<vmem_shared>>
      tpu.enqueue_indirect_dma source(%dma_start3A_780 : memref<128xf32, #tpu.memory_space<vmem>>) target(%dma_start3A_785 : memref<10240xf32, #tpu.memory_space<vmem_shared>>) offsets(%dma_start3A_783 : memref<128xi32, #tpu.memory_space<vmem>>) semaphore(%arg18 : memref<!tpu.dma_semaphore, #tpu.memory_space<semaphore_mem>>) {add = true}
      %add3A_786 = arith.constant 1 : i32
      %add3A_787 = arith.addi %mul3A_728, %add3A_786 : i32
      %lt3A_788 = arith.constant 156 : i32
      %lt3A_789 = arith.cmpi slt, %add3A_787, %lt3A_788 : i32
      %eq3A_790 = arith.constant 156 : i32
      %eq3A_791 = arith.cmpi eq, %add3A_787, %eq3A_790 : i32
      %jit3A_792 = arith.constant 128 : i32
      %jit3A_793 = arith.constant 256 : i32
      %select_n3A_794 = arith.select %eq3A_791, %jit3A_792, %jit3A_793 : i32
      %jit3A_795 = arith.constant 0 : i32
      %select_n3A_796 = arith.select %lt3A_789, %jit3A_795, %select_n3A_794 : i32
      %add3A_797 = arith.constant 1 : i32
      %add3A_798 = arith.addi %mul3A_728, %add3A_797 : i32
      %dma_start3A_799 = tpu.memref_slice %arg12[%select_n3A_796] : memref<384xf32, #tpu.memory_space<vmem>> -> memref<128xf32, #tpu.memory_space<vmem>>
      %dma_start3A_800 = arith.constant 0 : i32
      %dma_start3A_801 = tpu.memref_slice %arg9[%add3A_798, %dma_start3A_800] : memref<160x128xi32, #tpu.memory_space<vmem>> -> memref<1x128xi32, #tpu.memory_space<vmem>>
      %dma_start3A_802 = tpu.memref_squeeze %dma_start3A_801 : memref<1x128xi32, #tpu.memory_space<vmem>> -> memref<128xi32, #tpu.memory_space<vmem>>
      %dma_start3A_803 = arith.constant 0 : i32
      %dma_start3A_804 = tpu.memref_slice %arg20[%dma_start3A_803] : memref<10240xf32, #tpu.memory_space<vmem_shared>> -> memref<10240xf32, #tpu.memory_space<vmem_shared>>
      tpu.enqueue_indirect_dma source(%dma_start3A_799 : memref<128xf32, #tpu.memory_space<vmem>>) target(%dma_start3A_804 : memref<10240xf32, #tpu.memory_space<vmem_shared>>) offsets(%dma_start3A_802 : memref<128xi32, #tpu.memory_space<vmem>>) semaphore(%arg18 : memref<!tpu.dma_semaphore, #tpu.memory_space<semaphore_mem>>) {add = true}
      %add3A_805 = arith.constant 2 : i32
      %add3A_806 = arith.addi %mul3A_728, %add3A_805 : i32
      %lt3A_807 = arith.constant 156 : i32
      %lt3A_808 = arith.cmpi slt, %add3A_806, %lt3A_807 : i32
      %eq3A_809 = arith.constant 156 : i32
      %eq3A_810 = arith.cmpi eq, %add3A_806, %eq3A_809 : i32
      %jit3A_811 = arith.constant 128 : i32
      %jit3A_812 = arith.constant 256 : i32
      %select_n3A_813 = arith.select %eq3A_810, %jit3A_811, %jit3A_812 : i32
      %jit3A_814 = arith.constant 0 : i32
      %select_n3A_815 = arith.select %lt3A_808, %jit3A_814, %select_n3A_813 : i32
      %add3A_816 = arith.constant 2 : i32
      %add3A_817 = arith.addi %mul3A_728, %add3A_816 : i32
      %dma_start3A_818 = tpu.memref_slice %arg12[%select_n3A_815] : memref<384xf32, #tpu.memory_space<vmem>> -> memref<128xf32, #tpu.memory_space<vmem>>
      %dma_start3A_819 = arith.constant 0 : i32
      %dma_start3A_820 = tpu.memref_slice %arg8[%add3A_817, %dma_start3A_819] : memref<160x128xi32, #tpu.memory_space<vmem>> -> memref<1x128xi32, #tpu.memory_space<vmem>>
      %dma_start3A_821 = tpu.memref_squeeze %dma_start3A_820 : memref<1x128xi32, #tpu.memory_space<vmem>> -> memref<128xi32, #tpu.memory_space<vmem>>
      %dma_start3A_822 = arith.constant 0 : i32
      %dma_start3A_823 = tpu.memref_slice %arg19[%dma_start3A_822] : memref<10240xf32, #tpu.memory_space<vmem_shared>> -> memref<10240xf32, #tpu.memory_space<vmem_shared>>
      tpu.enqueue_indirect_dma source(%dma_start3A_818 : memref<128xf32, #tpu.memory_space<vmem>>) target(%dma_start3A_823 : memref<10240xf32, #tpu.memory_space<vmem_shared>>) offsets(%dma_start3A_821 : memref<128xi32, #tpu.memory_space<vmem>>) semaphore(%arg18 : memref<!tpu.dma_semaphore, #tpu.memory_space<semaphore_mem>>) {add = true}
      %add3A_824 = arith.constant 2 : i32
      %add3A_825 = arith.addi %mul3A_728, %add3A_824 : i32
      %lt3A_826 = arith.constant 156 : i32
      %lt3A_827 = arith.cmpi slt, %add3A_825, %lt3A_826 : i32
      %eq3A_828 = arith.constant 156 : i32
      %eq3A_829 = arith.cmpi eq, %add3A_825, %eq3A_828 : i32
      %jit3A_830 = arith.constant 128 : i32
      %jit3A_831 = arith.constant 256 : i32
      %select_n3A_832 = arith.select %eq3A_829, %jit3A_830, %jit3A_831 : i32
      %jit3A_833 = arith.constant 0 : i32
      %select_n3A_834 = arith.select %lt3A_827, %jit3A_833, %select_n3A_832 : i32
      %add3A_835 = arith.constant 2 : i32
      %add3A_836 = arith.addi %mul3A_728, %add3A_835 : i32
      %dma_start3A_837 = tpu.memref_slice %arg12[%select_n3A_834] : memref<384xf32, #tpu.memory_space<vmem>> -> memref<128xf32, #tpu.memory_space<vmem>>
      %dma_start3A_838 = arith.constant 0 : i32
      %dma_start3A_839 = tpu.memref_slice %arg9[%add3A_836, %dma_start3A_838] : memref<160x128xi32, #tpu.memory_space<vmem>> -> memref<1x128xi32, #tpu.memory_space<vmem>>
      %dma_start3A_840 = tpu.memref_squeeze %dma_start3A_839 : memref<1x128xi32, #tpu.memory_space<vmem>> -> memref<128xi32, #tpu.memory_space<vmem>>
      %dma_start3A_841 = arith.constant 0 : i32
      %dma_start3A_842 = tpu.memref_slice %arg20[%dma_start3A_841] : memref<10240xf32, #tpu.memory_space<vmem_shared>> -> memref<10240xf32, #tpu.memory_space<vmem_shared>>
      tpu.enqueue_indirect_dma source(%dma_start3A_837 : memref<128xf32, #tpu.memory_space<vmem>>) target(%dma_start3A_842 : memref<10240xf32, #tpu.memory_space<vmem_shared>>) offsets(%dma_start3A_840 : memref<128xi32, #tpu.memory_space<vmem>>) semaphore(%arg18 : memref<!tpu.dma_semaphore, #tpu.memory_space<semaphore_mem>>) {add = true}
      %add3A_843 = arith.constant 3 : i32
      %add3A_844 = arith.addi %mul3A_728, %add3A_843 : i32
      %lt3A_845 = arith.constant 156 : i32
      %lt3A_846 = arith.cmpi slt, %add3A_844, %lt3A_845 : i32
      %eq3A_847 = arith.constant 156 : i32
      %eq3A_848 = arith.cmpi eq, %add3A_844, %eq3A_847 : i32
      %jit3A_849 = arith.constant 128 : i32
      %jit3A_850 = arith.constant 256 : i32
      %select_n3A_851 = arith.select %eq3A_848, %jit3A_849, %jit3A_850 : i32
      %jit3A_852 = arith.constant 0 : i32
      %select_n3A_853 = arith.select %lt3A_846, %jit3A_852, %select_n3A_851 : i32
      %add3A_854 = arith.constant 3 : i32
      %add3A_855 = arith.addi %mul3A_728, %add3A_854 : i32
      %dma_start3A_856 = tpu.memref_slice %arg12[%select_n3A_853] : memref<384xf32, #tpu.memory_space<vmem>> -> memref<128xf32, #tpu.memory_space<vmem>>
      %dma_start3A_857 = arith.constant 0 : i32
      %dma_start3A_858 = tpu.memref_slice %arg8[%add3A_855, %dma_start3A_857] : memref<160x128xi32, #tpu.memory_space<vmem>> -> memref<1x128xi32, #tpu.memory_space<vmem>>
      %dma_start3A_859 = tpu.memref_squeeze %dma_start3A_858 : memref<1x128xi32, #tpu.memory_space<vmem>> -> memref<128xi32, #tpu.memory_space<vmem>>
      %dma_start3A_860 = arith.constant 0 : i32
      %dma_start3A_861 = tpu.memref_slice %arg19[%dma_start3A_860] : memref<10240xf32, #tpu.memory_space<vmem_shared>> -> memref<10240xf32, #tpu.memory_space<vmem_shared>>
      tpu.enqueue_indirect_dma source(%dma_start3A_856 : memref<128xf32, #tpu.memory_space<vmem>>) target(%dma_start3A_861 : memref<10240xf32, #tpu.memory_space<vmem_shared>>) offsets(%dma_start3A_859 : memref<128xi32, #tpu.memory_space<vmem>>) semaphore(%arg18 : memref<!tpu.dma_semaphore, #tpu.memory_space<semaphore_mem>>) {add = true}
      %add3A_862 = arith.constant 3 : i32
      %add3A_863 = arith.addi %mul3A_728, %add3A_862 : i32
      %lt3A_864 = arith.constant 156 : i32
      %lt3A_865 = arith.cmpi slt, %add3A_863, %lt3A_864 : i32
      %eq3A_866 = arith.constant 156 : i32
      %eq3A_867 = arith.cmpi eq, %add3A_863, %eq3A_866 : i32
      %jit3A_868 = arith.constant 128 : i32
      %jit3A_869 = arith.constant 256 : i32
      %select_n3A_870 = arith.select %eq3A_867, %jit3A_868, %jit3A_869 : i32
      %jit3A_871 = arith.constant 0 : i32
      %select_n3A_872 = arith.select %lt3A_865, %jit3A_871, %select_n3A_870 : i32
      %add3A_873 = arith.constant 3 : i32
      %add3A_874 = arith.addi %mul3A_728, %add3A_873 : i32
      %dma_start3A_875 = tpu.memref_slice %arg12[%select_n3A_872] : memref<384xf32, #tpu.memory_space<vmem>> -> memref<128xf32, #tpu.memory_space<vmem>>
      %dma_start3A_876 = arith.constant 0 : i32
      %dma_start3A_877 = tpu.memref_slice %arg9[%add3A_874, %dma_start3A_876] : memref<160x128xi32, #tpu.memory_space<vmem>> -> memref<1x128xi32, #tpu.memory_space<vmem>>
      %dma_start3A_878 = tpu.memref_squeeze %dma_start3A_877 : memref<1x128xi32, #tpu.memory_space<vmem>> -> memref<128xi32, #tpu.memory_space<vmem>>
      %dma_start3A_879 = arith.constant 0 : i32
      %dma_start3A_880 = tpu.memref_slice %arg20[%dma_start3A_879] : memref<10240xf32, #tpu.memory_space<vmem_shared>> -> memref<10240xf32, #tpu.memory_space<vmem_shared>>
      tpu.enqueue_indirect_dma source(%dma_start3A_875 : memref<128xf32, #tpu.memory_space<vmem>>) target(%dma_start3A_880 : memref<10240xf32, #tpu.memory_space<vmem_shared>>) offsets(%dma_start3A_878 : memref<128xi32, #tpu.memory_space<vmem>>) semaphore(%arg18 : memref<!tpu.dma_semaphore, #tpu.memory_space<semaphore_mem>>) {add = true}
      %gt3A = arith.constant 0 : i32
      %gt3A_881 = arith.cmpi sgt, %scan3A_725, %gt3A : i32
      %convert_element_type3A = arith.extui %gt3A_881 : i1 to i32
      %cond3A = arith.constant 0 : i32
      %cond3A_882 = arith.cmpi ne, %convert_element_type3A, %cond3A : i32
      scf.if %cond3A_882 {
        %sub3A = arith.constant 4 : i32
        %sub3A_884 = arith.subi %mul3A_728, %sub3A : i32
        %add3A_885 = arith.constant 0 : i32
        %add3A_886 = arith.addi %sub3A_884, %add3A_885 : i32
        %lt3A_887 = arith.constant 156 : i32
        %lt3A_888 = arith.cmpi slt, %add3A_886, %lt3A_887 : i32
        %eq3A_889 = arith.constant 156 : i32
        %eq3A_890 = arith.cmpi eq, %add3A_886, %eq3A_889 : i32
        %jit3A_891 = arith.constant 128 : i32
        %jit3A_892 = arith.constant 256 : i32
        %select_n3A_893 = arith.select %eq3A_890, %jit3A_891, %jit3A_892 : i32
        %jit3A_894 = arith.constant 0 : i32
        %select_n3A_895 = arith.select %lt3A_888, %jit3A_894, %select_n3A_893 : i32
        %dma_wait3A_896 = tpu.memref_slice %arg12[%select_n3A_895] : memref<384xf32, #tpu.memory_space<vmem>> -> memref<128xf32, #tpu.memory_space<vmem>>
        %dma_wait3A_897 = arith.constant 0 : i32
        %dma_wait3A_898 = tpu.memref_slice %arg8[%add3A_886, %dma_wait3A_897] : memref<160x128xi32, #tpu.memory_space<vmem>> -> memref<1x128xi32, #tpu.memory_space<vmem>>
        %dma_wait3A_899 = tpu.memref_squeeze %dma_wait3A_898 : memref<1x128xi32, #tpu.memory_space<vmem>> -> memref<128xi32, #tpu.memory_space<vmem>>
        %dma_wait3A_900 = arith.constant 0 : i32
        %dma_wait3A_901 = tpu.memref_slice %arg19[%dma_wait3A_900] : memref<10240xf32, #tpu.memory_space<vmem_shared>> -> memref<10240xf32, #tpu.memory_space<vmem_shared>>
        tpu.wait_indirect_dma semaphore(%arg18 : memref<!tpu.dma_semaphore, #tpu.memory_space<semaphore_mem>>) src(%dma_wait3A_896 : memref<128xf32, #tpu.memory_space<vmem>>) dst(%dma_wait3A_901 : memref<10240xf32, #tpu.memory_space<vmem_shared>>)
        %lt3A_902 = arith.constant 156 : i32
        %lt3A_903 = arith.cmpi slt, %add3A_886, %lt3A_902 : i32
        %eq3A_904 = arith.constant 156 : i32
        %eq3A_905 = arith.cmpi eq, %add3A_886, %eq3A_904 : i32
        %jit3A_906 = arith.constant 128 : i32
        %jit3A_907 = arith.constant 256 : i32
        %select_n3A_908 = arith.select %eq3A_905, %jit3A_906, %jit3A_907 : i32
        %jit3A_909 = arith.constant 0 : i32
        %select_n3A_910 = arith.select %lt3A_903, %jit3A_909, %select_n3A_908 : i32
        %dma_wait3A_911 = tpu.memref_slice %arg12[%select_n3A_910] : memref<384xf32, #tpu.memory_space<vmem>> -> memref<128xf32, #tpu.memory_space<vmem>>
        %dma_wait3A_912 = arith.constant 0 : i32
        %dma_wait3A_913 = tpu.memref_slice %arg9[%add3A_886, %dma_wait3A_912] : memref<160x128xi32, #tpu.memory_space<vmem>> -> memref<1x128xi32, #tpu.memory_space<vmem>>
        %dma_wait3A_914 = tpu.memref_squeeze %dma_wait3A_913 : memref<1x128xi32, #tpu.memory_space<vmem>> -> memref<128xi32, #tpu.memory_space<vmem>>
        %dma_wait3A_915 = arith.constant 0 : i32
        %dma_wait3A_916 = tpu.memref_slice %arg20[%dma_wait3A_915] : memref<10240xf32, #tpu.memory_space<vmem_shared>> -> memref<10240xf32, #tpu.memory_space<vmem_shared>>
        tpu.wait_indirect_dma semaphore(%arg18 : memref<!tpu.dma_semaphore, #tpu.memory_space<semaphore_mem>>) src(%dma_wait3A_911 : memref<128xf32, #tpu.memory_space<vmem>>) dst(%dma_wait3A_916 : memref<10240xf32, #tpu.memory_space<vmem_shared>>)
        %sub3A_917 = arith.constant 4 : i32
        %sub3A_918 = arith.subi %mul3A_728, %sub3A_917 : i32
        %add3A_919 = arith.constant 1 : i32
        %add3A_920 = arith.addi %sub3A_918, %add3A_919 : i32
        %lt3A_921 = arith.constant 156 : i32
        %lt3A_922 = arith.cmpi slt, %add3A_920, %lt3A_921 : i32
        %eq3A_923 = arith.constant 156 : i32
        %eq3A_924 = arith.cmpi eq, %add3A_920, %eq3A_923 : i32
        %jit3A_925 = arith.constant 128 : i32
        %jit3A_926 = arith.constant 256 : i32
        %select_n3A_927 = arith.select %eq3A_924, %jit3A_925, %jit3A_926 : i32
        %jit3A_928 = arith.constant 0 : i32
        %select_n3A_929 = arith.select %lt3A_922, %jit3A_928, %select_n3A_927 : i32
        %dma_wait3A_930 = tpu.memref_slice %arg12[%select_n3A_929] : memref<384xf32, #tpu.memory_space<vmem>> -> memref<128xf32, #tpu.memory_space<vmem>>
        %dma_wait3A_931 = arith.constant 0 : i32
        %dma_wait3A_932 = tpu.memref_slice %arg8[%add3A_920, %dma_wait3A_931] : memref<160x128xi32, #tpu.memory_space<vmem>> -> memref<1x128xi32, #tpu.memory_space<vmem>>
        %dma_wait3A_933 = tpu.memref_squeeze %dma_wait3A_932 : memref<1x128xi32, #tpu.memory_space<vmem>> -> memref<128xi32, #tpu.memory_space<vmem>>
        %dma_wait3A_934 = arith.constant 0 : i32
        %dma_wait3A_935 = tpu.memref_slice %arg19[%dma_wait3A_934] : memref<10240xf32, #tpu.memory_space<vmem_shared>> -> memref<10240xf32, #tpu.memory_space<vmem_shared>>
        tpu.wait_indirect_dma semaphore(%arg18 : memref<!tpu.dma_semaphore, #tpu.memory_space<semaphore_mem>>) src(%dma_wait3A_930 : memref<128xf32, #tpu.memory_space<vmem>>) dst(%dma_wait3A_935 : memref<10240xf32, #tpu.memory_space<vmem_shared>>)
        %lt3A_936 = arith.constant 156 : i32
        %lt3A_937 = arith.cmpi slt, %add3A_920, %lt3A_936 : i32
        %eq3A_938 = arith.constant 156 : i32
        %eq3A_939 = arith.cmpi eq, %add3A_920, %eq3A_938 : i32
        %jit3A_940 = arith.constant 128 : i32
        %jit3A_941 = arith.constant 256 : i32
        %select_n3A_942 = arith.select %eq3A_939, %jit3A_940, %jit3A_941 : i32
        %jit3A_943 = arith.constant 0 : i32
        %select_n3A_944 = arith.select %lt3A_937, %jit3A_943, %select_n3A_942 : i32
        %dma_wait3A_945 = tpu.memref_slice %arg12[%select_n3A_944] : memref<384xf32, #tpu.memory_space<vmem>> -> memref<128xf32, #tpu.memory_space<vmem>>
        %dma_wait3A_946 = arith.constant 0 : i32
        %dma_wait3A_947 = tpu.memref_slice %arg9[%add3A_920, %dma_wait3A_946] : memref<160x128xi32, #tpu.memory_space<vmem>> -> memref<1x128xi32, #tpu.memory_space<vmem>>
        %dma_wait3A_948 = tpu.memref_squeeze %dma_wait3A_947 : memref<1x128xi32, #tpu.memory_space<vmem>> -> memref<128xi32, #tpu.memory_space<vmem>>
        %dma_wait3A_949 = arith.constant 0 : i32
        %dma_wait3A_950 = tpu.memref_slice %arg20[%dma_wait3A_949] : memref<10240xf32, #tpu.memory_space<vmem_shared>> -> memref<10240xf32, #tpu.memory_space<vmem_shared>>
        tpu.wait_indirect_dma semaphore(%arg18 : memref<!tpu.dma_semaphore, #tpu.memory_space<semaphore_mem>>) src(%dma_wait3A_945 : memref<128xf32, #tpu.memory_space<vmem>>) dst(%dma_wait3A_950 : memref<10240xf32, #tpu.memory_space<vmem_shared>>)
        %sub3A_951 = arith.constant 4 : i32
        %sub3A_952 = arith.subi %mul3A_728, %sub3A_951 : i32
        %add3A_953 = arith.constant 2 : i32
        %add3A_954 = arith.addi %sub3A_952, %add3A_953 : i32
        %lt3A_955 = arith.constant 156 : i32
        %lt3A_956 = arith.cmpi slt, %add3A_954, %lt3A_955 : i32
        %eq3A_957 = arith.constant 156 : i32
        %eq3A_958 = arith.cmpi eq, %add3A_954, %eq3A_957 : i32
        %jit3A_959 = arith.constant 128 : i32
        %jit3A_960 = arith.constant 256 : i32
        %select_n3A_961 = arith.select %eq3A_958, %jit3A_959, %jit3A_960 : i32
        %jit3A_962 = arith.constant 0 : i32
        %select_n3A_963 = arith.select %lt3A_956, %jit3A_962, %select_n3A_961 : i32
        %dma_wait3A_964 = tpu.memref_slice %arg12[%select_n3A_963] : memref<384xf32, #tpu.memory_space<vmem>> -> memref<128xf32, #tpu.memory_space<vmem>>
        %dma_wait3A_965 = arith.constant 0 : i32
        %dma_wait3A_966 = tpu.memref_slice %arg8[%add3A_954, %dma_wait3A_965] : memref<160x128xi32, #tpu.memory_space<vmem>> -> memref<1x128xi32, #tpu.memory_space<vmem>>
        %dma_wait3A_967 = tpu.memref_squeeze %dma_wait3A_966 : memref<1x128xi32, #tpu.memory_space<vmem>> -> memref<128xi32, #tpu.memory_space<vmem>>
        %dma_wait3A_968 = arith.constant 0 : i32
        %dma_wait3A_969 = tpu.memref_slice %arg19[%dma_wait3A_968] : memref<10240xf32, #tpu.memory_space<vmem_shared>> -> memref<10240xf32, #tpu.memory_space<vmem_shared>>
        tpu.wait_indirect_dma semaphore(%arg18 : memref<!tpu.dma_semaphore, #tpu.memory_space<semaphore_mem>>) src(%dma_wait3A_964 : memref<128xf32, #tpu.memory_space<vmem>>) dst(%dma_wait3A_969 : memref<10240xf32, #tpu.memory_space<vmem_shared>>)
        %lt3A_970 = arith.constant 156 : i32
        %lt3A_971 = arith.cmpi slt, %add3A_954, %lt3A_970 : i32
        %eq3A_972 = arith.constant 156 : i32
        %eq3A_973 = arith.cmpi eq, %add3A_954, %eq3A_972 : i32
        %jit3A_974 = arith.constant 128 : i32
        %jit3A_975 = arith.constant 256 : i32
        %select_n3A_976 = arith.select %eq3A_973, %jit3A_974, %jit3A_975 : i32
        %jit3A_977 = arith.constant 0 : i32
        %select_n3A_978 = arith.select %lt3A_971, %jit3A_977, %select_n3A_976 : i32
        %dma_wait3A_979 = tpu.memref_slice %arg12[%select_n3A_978] : memref<384xf32, #tpu.memory_space<vmem>> -> memref<128xf32, #tpu.memory_space<vmem>>
        %dma_wait3A_980 = arith.constant 0 : i32
        %dma_wait3A_981 = tpu.memref_slice %arg9[%add3A_954, %dma_wait3A_980] : memref<160x128xi32, #tpu.memory_space<vmem>> -> memref<1x128xi32, #tpu.memory_space<vmem>>
        %dma_wait3A_982 = tpu.memref_squeeze %dma_wait3A_981 : memref<1x128xi32, #tpu.memory_space<vmem>> -> memref<128xi32, #tpu.memory_space<vmem>>
        %dma_wait3A_983 = arith.constant 0 : i32
        %dma_wait3A_984 = tpu.memref_slice %arg20[%dma_wait3A_983] : memref<10240xf32, #tpu.memory_space<vmem_shared>> -> memref<10240xf32, #tpu.memory_space<vmem_shared>>
        tpu.wait_indirect_dma semaphore(%arg18 : memref<!tpu.dma_semaphore, #tpu.memory_space<semaphore_mem>>) src(%dma_wait3A_979 : memref<128xf32, #tpu.memory_space<vmem>>) dst(%dma_wait3A_984 : memref<10240xf32, #tpu.memory_space<vmem_shared>>)
        %sub3A_985 = arith.constant 4 : i32
        %sub3A_986 = arith.subi %mul3A_728, %sub3A_985 : i32
        %add3A_987 = arith.constant 3 : i32
        %add3A_988 = arith.addi %sub3A_986, %add3A_987 : i32
        %lt3A_989 = arith.constant 156 : i32
        %lt3A_990 = arith.cmpi slt, %add3A_988, %lt3A_989 : i32
        %eq3A_991 = arith.constant 156 : i32
        %eq3A_992 = arith.cmpi eq, %add3A_988, %eq3A_991 : i32
        %jit3A_993 = arith.constant 128 : i32
        %jit3A_994 = arith.constant 256 : i32
        %select_n3A_995 = arith.select %eq3A_992, %jit3A_993, %jit3A_994 : i32
        %jit3A_996 = arith.constant 0 : i32
        %select_n3A_997 = arith.select %lt3A_990, %jit3A_996, %select_n3A_995 : i32
        %dma_wait3A_998 = tpu.memref_slice %arg12[%select_n3A_997] : memref<384xf32, #tpu.memory_space<vmem>> -> memref<128xf32, #tpu.memory_space<vmem>>
        %dma_wait3A_999 = arith.constant 0 : i32
        %dma_wait3A_1000 = tpu.memref_slice %arg8[%add3A_988, %dma_wait3A_999] : memref<160x128xi32, #tpu.memory_space<vmem>> -> memref<1x128xi32, #tpu.memory_space<vmem>>
        %dma_wait3A_1001 = tpu.memref_squeeze %dma_wait3A_1000 : memref<1x128xi32, #tpu.memory_space<vmem>> -> memref<128xi32, #tpu.memory_space<vmem>>
        %dma_wait3A_1002 = arith.constant 0 : i32
        %dma_wait3A_1003 = tpu.memref_slice %arg19[%dma_wait3A_1002] : memref<10240xf32, #tpu.memory_space<vmem_shared>> -> memref<10240xf32, #tpu.memory_space<vmem_shared>>
        tpu.wait_indirect_dma semaphore(%arg18 : memref<!tpu.dma_semaphore, #tpu.memory_space<semaphore_mem>>) src(%dma_wait3A_998 : memref<128xf32, #tpu.memory_space<vmem>>) dst(%dma_wait3A_1003 : memref<10240xf32, #tpu.memory_space<vmem_shared>>)
        %lt3A_1004 = arith.constant 156 : i32
        %lt3A_1005 = arith.cmpi slt, %add3A_988, %lt3A_1004 : i32
        %eq3A_1006 = arith.constant 156 : i32
        %eq3A_1007 = arith.cmpi eq, %add3A_988, %eq3A_1006 : i32
        %jit3A_1008 = arith.constant 128 : i32
        %jit3A_1009 = arith.constant 256 : i32
        %select_n3A_1010 = arith.select %eq3A_1007, %jit3A_1008, %jit3A_1009 : i32
        %jit3A_1011 = arith.constant 0 : i32
        %select_n3A_1012 = arith.select %lt3A_1005, %jit3A_1011, %select_n3A_1010 : i32
        %dma_wait3A_1013 = tpu.memref_slice %arg12[%select_n3A_1012] : memref<384xf32, #tpu.memory_space<vmem>> -> memref<128xf32, #tpu.memory_space<vmem>>
        %dma_wait3A_1014 = arith.constant 0 : i32
        %dma_wait3A_1015 = tpu.memref_slice %arg9[%add3A_988, %dma_wait3A_1014] : memref<160x128xi32, #tpu.memory_space<vmem>> -> memref<1x128xi32, #tpu.memory_space<vmem>>
        %dma_wait3A_1016 = tpu.memref_squeeze %dma_wait3A_1015 : memref<1x128xi32, #tpu.memory_space<vmem>> -> memref<128xi32, #tpu.memory_space<vmem>>
        %dma_wait3A_1017 = arith.constant 0 : i32
        %dma_wait3A_1018 = tpu.memref_slice %arg20[%dma_wait3A_1017] : memref<10240xf32, #tpu.memory_space<vmem_shared>> -> memref<10240xf32, #tpu.memory_space<vmem_shared>>
        tpu.wait_indirect_dma semaphore(%arg18 : memref<!tpu.dma_semaphore, #tpu.memory_space<semaphore_mem>>) src(%dma_wait3A_1013 : memref<128xf32, #tpu.memory_space<vmem>>) dst(%dma_wait3A_1018 : memref<10240xf32, #tpu.memory_space<vmem_shared>>)
      } else {
      }
      %scan3A_883 = arith.constant 0 : i32
      scf.yield %scan3A_883 : i32
    }
    %scan3A_429 = arith.constant 40 : i32
    %jit3A_430 = arith.constant true
    %jit3A_431 = arith.constant 128 : i32
    %jit3A_432 = arith.constant 256 : i32
    %select_n3A_433 = arith.select %jit3A_430, %jit3A_431, %jit3A_432 : i32
    %jit3A_434 = arith.constant false
    %jit3A_435 = arith.constant 0 : i32
    %select_n3A_436 = arith.select %jit3A_434, %jit3A_435, %select_n3A_433 : i32
    %dma_wait3A_437 = arith.constant 156 : i32
    %dma_wait3A_438 = tpu.memref_slice %arg12[%select_n3A_436] : memref<384xf32, #tpu.memory_space<vmem>> -> memref<128xf32, #tpu.memory_space<vmem>>
    %dma_wait3A_439 = arith.constant 0 : i32
    %dma_wait3A_440 = tpu.memref_slice %arg8[%dma_wait3A_437, %dma_wait3A_439] : memref<160x128xi32, #tpu.memory_space<vmem>> -> memref<1x128xi32, #tpu.memory_space<vmem>>
    %dma_wait3A_441 = tpu.memref_squeeze %dma_wait3A_440 : memref<1x128xi32, #tpu.memory_space<vmem>> -> memref<128xi32, #tpu.memory_space<vmem>>
    %dma_wait3A_442 = arith.constant 0 : i32
    %dma_wait3A_443 = tpu.memref_slice %arg19[%dma_wait3A_442] : memref<10240xf32, #tpu.memory_space<vmem_shared>> -> memref<10240xf32, #tpu.memory_space<vmem_shared>>
    tpu.wait_indirect_dma semaphore(%arg18 : memref<!tpu.dma_semaphore, #tpu.memory_space<semaphore_mem>>) src(%dma_wait3A_438 : memref<128xf32, #tpu.memory_space<vmem>>) dst(%dma_wait3A_443 : memref<10240xf32, #tpu.memory_space<vmem_shared>>)
    %jit3A_444 = arith.constant true
    %jit3A_445 = arith.constant 128 : i32
    %jit3A_446 = arith.constant 256 : i32
    %select_n3A_447 = arith.select %jit3A_444, %jit3A_445, %jit3A_446 : i32
    %jit3A_448 = arith.constant false
    %jit3A_449 = arith.constant 0 : i32
    %select_n3A_450 = arith.select %jit3A_448, %jit3A_449, %select_n3A_447 : i32
    %dma_wait3A_451 = arith.constant 156 : i32
    %dma_wait3A_452 = tpu.memref_slice %arg12[%select_n3A_450] : memref<384xf32, #tpu.memory_space<vmem>> -> memref<128xf32, #tpu.memory_space<vmem>>
    %dma_wait3A_453 = arith.constant 0 : i32
    %dma_wait3A_454 = tpu.memref_slice %arg9[%dma_wait3A_451, %dma_wait3A_453] : memref<160x128xi32, #tpu.memory_space<vmem>> -> memref<1x128xi32, #tpu.memory_space<vmem>>
    %dma_wait3A_455 = tpu.memref_squeeze %dma_wait3A_454 : memref<1x128xi32, #tpu.memory_space<vmem>> -> memref<128xi32, #tpu.memory_space<vmem>>
    %dma_wait3A_456 = arith.constant 0 : i32
    %dma_wait3A_457 = tpu.memref_slice %arg20[%dma_wait3A_456] : memref<10240xf32, #tpu.memory_space<vmem_shared>> -> memref<10240xf32, #tpu.memory_space<vmem_shared>>
    tpu.wait_indirect_dma semaphore(%arg18 : memref<!tpu.dma_semaphore, #tpu.memory_space<semaphore_mem>>) src(%dma_wait3A_452 : memref<128xf32, #tpu.memory_space<vmem>>) dst(%dma_wait3A_457 : memref<10240xf32, #tpu.memory_space<vmem_shared>>)
    %jit3A_458 = arith.constant false
    %jit3A_459 = arith.constant 128 : i32
    %jit3A_460 = arith.constant 256 : i32
    %select_n3A_461 = arith.select %jit3A_458, %jit3A_459, %jit3A_460 : i32
    %jit3A_462 = arith.constant false
    %jit3A_463 = arith.constant 0 : i32
    %select_n3A_464 = arith.select %jit3A_462, %jit3A_463, %select_n3A_461 : i32
    %dma_wait3A_465 = arith.constant 157 : i32
    %dma_wait3A_466 = tpu.memref_slice %arg12[%select_n3A_464] : memref<384xf32, #tpu.memory_space<vmem>> -> memref<128xf32, #tpu.memory_space<vmem>>
    %dma_wait3A_467 = arith.constant 0 : i32
    %dma_wait3A_468 = tpu.memref_slice %arg8[%dma_wait3A_465, %dma_wait3A_467] : memref<160x128xi32, #tpu.memory_space<vmem>> -> memref<1x128xi32, #tpu.memory_space<vmem>>
    %dma_wait3A_469 = tpu.memref_squeeze %dma_wait3A_468 : memref<1x128xi32, #tpu.memory_space<vmem>> -> memref<128xi32, #tpu.memory_space<vmem>>
    %dma_wait3A_470 = arith.constant 0 : i32
    %dma_wait3A_471 = tpu.memref_slice %arg19[%dma_wait3A_470] : memref<10240xf32, #tpu.memory_space<vmem_shared>> -> memref<10240xf32, #tpu.memory_space<vmem_shared>>
    tpu.wait_indirect_dma semaphore(%arg18 : memref<!tpu.dma_semaphore, #tpu.memory_space<semaphore_mem>>) src(%dma_wait3A_466 : memref<128xf32, #tpu.memory_space<vmem>>) dst(%dma_wait3A_471 : memref<10240xf32, #tpu.memory_space<vmem_shared>>)
    %jit3A_472 = arith.constant false
    %jit3A_473 = arith.constant 128 : i32
    %jit3A_474 = arith.constant 256 : i32
    %select_n3A_475 = arith.select %jit3A_472, %jit3A_473, %jit3A_474 : i32
    %jit3A_476 = arith.constant false
    %jit3A_477 = arith.constant 0 : i32
    %select_n3A_478 = arith.select %jit3A_476, %jit3A_477, %select_n3A_475 : i32
    %dma_wait3A_479 = arith.constant 157 : i32
    %dma_wait3A_480 = tpu.memref_slice %arg12[%select_n3A_478] : memref<384xf32, #tpu.memory_space<vmem>> -> memref<128xf32, #tpu.memory_space<vmem>>
    %dma_wait3A_481 = arith.constant 0 : i32
    %dma_wait3A_482 = tpu.memref_slice %arg9[%dma_wait3A_479, %dma_wait3A_481] : memref<160x128xi32, #tpu.memory_space<vmem>> -> memref<1x128xi32, #tpu.memory_space<vmem>>
    %dma_wait3A_483 = tpu.memref_squeeze %dma_wait3A_482 : memref<1x128xi32, #tpu.memory_space<vmem>> -> memref<128xi32, #tpu.memory_space<vmem>>
    %dma_wait3A_484 = arith.constant 0 : i32
    %dma_wait3A_485 = tpu.memref_slice %arg20[%dma_wait3A_484] : memref<10240xf32, #tpu.memory_space<vmem_shared>> -> memref<10240xf32, #tpu.memory_space<vmem_shared>>
    tpu.wait_indirect_dma semaphore(%arg18 : memref<!tpu.dma_semaphore, #tpu.memory_space<semaphore_mem>>) src(%dma_wait3A_480 : memref<128xf32, #tpu.memory_space<vmem>>) dst(%dma_wait3A_485 : memref<10240xf32, #tpu.memory_space<vmem_shared>>)
    %jit3A_486 = arith.constant false
    %jit3A_487 = arith.constant 128 : i32
    %jit3A_488 = arith.constant 256 : i32
    %select_n3A_489 = arith.select %jit3A_486, %jit3A_487, %jit3A_488 : i32
    %jit3A_490 = arith.constant false
    %jit3A_491 = arith.constant 0 : i32
    %select_n3A_492 = arith.select %jit3A_490, %jit3A_491, %select_n3A_489 : i32
    %dma_wait3A_493 = arith.constant 158 : i32
    %dma_wait3A_494 = tpu.memref_slice %arg12[%select_n3A_492] : memref<384xf32, #tpu.memory_space<vmem>> -> memref<128xf32, #tpu.memory_space<vmem>>
    %dma_wait3A_495 = arith.constant 0 : i32
    %dma_wait3A_496 = tpu.memref_slice %arg8[%dma_wait3A_493, %dma_wait3A_495] : memref<160x128xi32, #tpu.memory_space<vmem>> -> memref<1x128xi32, #tpu.memory_space<vmem>>
    %dma_wait3A_497 = tpu.memref_squeeze %dma_wait3A_496 : memref<1x128xi32, #tpu.memory_space<vmem>> -> memref<128xi32, #tpu.memory_space<vmem>>
    %dma_wait3A_498 = arith.constant 0 : i32
    %dma_wait3A_499 = tpu.memref_slice %arg19[%dma_wait3A_498] : memref<10240xf32, #tpu.memory_space<vmem_shared>> -> memref<10240xf32, #tpu.memory_space<vmem_shared>>
    tpu.wait_indirect_dma semaphore(%arg18 : memref<!tpu.dma_semaphore, #tpu.memory_space<semaphore_mem>>) src(%dma_wait3A_494 : memref<128xf32, #tpu.memory_space<vmem>>) dst(%dma_wait3A_499 : memref<10240xf32, #tpu.memory_space<vmem_shared>>)
    %jit3A_500 = arith.constant false
    %jit3A_501 = arith.constant 128 : i32
    %jit3A_502 = arith.constant 256 : i32
    %select_n3A_503 = arith.select %jit3A_500, %jit3A_501, %jit3A_502 : i32
    %jit3A_504 = arith.constant false
    %jit3A_505 = arith.constant 0 : i32
    %select_n3A_506 = arith.select %jit3A_504, %jit3A_505, %select_n3A_503 : i32
    %dma_wait3A_507 = arith.constant 158 : i32
    %dma_wait3A_508 = tpu.memref_slice %arg12[%select_n3A_506] : memref<384xf32, #tpu.memory_space<vmem>> -> memref<128xf32, #tpu.memory_space<vmem>>
    %dma_wait3A_509 = arith.constant 0 : i32
    %dma_wait3A_510 = tpu.memref_slice %arg9[%dma_wait3A_507, %dma_wait3A_509] : memref<160x128xi32, #tpu.memory_space<vmem>> -> memref<1x128xi32, #tpu.memory_space<vmem>>
    %dma_wait3A_511 = tpu.memref_squeeze %dma_wait3A_510 : memref<1x128xi32, #tpu.memory_space<vmem>> -> memref<128xi32, #tpu.memory_space<vmem>>
    %dma_wait3A_512 = arith.constant 0 : i32
    %dma_wait3A_513 = tpu.memref_slice %arg20[%dma_wait3A_512] : memref<10240xf32, #tpu.memory_space<vmem_shared>> -> memref<10240xf32, #tpu.memory_space<vmem_shared>>
    tpu.wait_indirect_dma semaphore(%arg18 : memref<!tpu.dma_semaphore, #tpu.memory_space<semaphore_mem>>) src(%dma_wait3A_508 : memref<128xf32, #tpu.memory_space<vmem>>) dst(%dma_wait3A_513 : memref<10240xf32, #tpu.memory_space<vmem_shared>>)
    %jit3A_514 = arith.constant false
    %jit3A_515 = arith.constant 128 : i32
    %jit3A_516 = arith.constant 256 : i32
    %select_n3A_517 = arith.select %jit3A_514, %jit3A_515, %jit3A_516 : i32
    %jit3A_518 = arith.constant false
    %jit3A_519 = arith.constant 0 : i32
    %select_n3A_520 = arith.select %jit3A_518, %jit3A_519, %select_n3A_517 : i32
    %dma_wait3A_521 = arith.constant 159 : i32
    %dma_wait3A_522 = tpu.memref_slice %arg12[%select_n3A_520] : memref<384xf32, #tpu.memory_space<vmem>> -> memref<128xf32, #tpu.memory_space<vmem>>
    %dma_wait3A_523 = arith.constant 0 : i32
    %dma_wait3A_524 = tpu.memref_slice %arg8[%dma_wait3A_521, %dma_wait3A_523] : memref<160x128xi32, #tpu.memory_space<vmem>> -> memref<1x128xi32, #tpu.memory_space<vmem>>
    %dma_wait3A_525 = tpu.memref_squeeze %dma_wait3A_524 : memref<1x128xi32, #tpu.memory_space<vmem>> -> memref<128xi32, #tpu.memory_space<vmem>>
    %dma_wait3A_526 = arith.constant 0 : i32
    %dma_wait3A_527 = tpu.memref_slice %arg19[%dma_wait3A_526] : memref<10240xf32, #tpu.memory_space<vmem_shared>> -> memref<10240xf32, #tpu.memory_space<vmem_shared>>
    tpu.wait_indirect_dma semaphore(%arg18 : memref<!tpu.dma_semaphore, #tpu.memory_space<semaphore_mem>>) src(%dma_wait3A_522 : memref<128xf32, #tpu.memory_space<vmem>>) dst(%dma_wait3A_527 : memref<10240xf32, #tpu.memory_space<vmem_shared>>)
    %jit3A_528 = arith.constant false
    %jit3A_529 = arith.constant 128 : i32
    %jit3A_530 = arith.constant 256 : i32
    %select_n3A_531 = arith.select %jit3A_528, %jit3A_529, %jit3A_530 : i32
    %jit3A_532 = arith.constant false
    %jit3A_533 = arith.constant 0 : i32
    %select_n3A_534 = arith.select %jit3A_532, %jit3A_533, %select_n3A_531 : i32
    %dma_wait3A_535 = arith.constant 159 : i32
    %dma_wait3A_536 = tpu.memref_slice %arg12[%select_n3A_534] : memref<384xf32, #tpu.memory_space<vmem>> -> memref<128xf32, #tpu.memory_space<vmem>>
    %dma_wait3A_537 = arith.constant 0 : i32
    %dma_wait3A_538 = tpu.memref_slice %arg9[%dma_wait3A_535, %dma_wait3A_537] : memref<160x128xi32, #tpu.memory_space<vmem>> -> memref<1x128xi32, #tpu.memory_space<vmem>>
    %dma_wait3A_539 = tpu.memref_squeeze %dma_wait3A_538 : memref<1x128xi32, #tpu.memory_space<vmem>> -> memref<128xi32, #tpu.memory_space<vmem>>
    %dma_wait3A_540 = arith.constant 0 : i32
    %dma_wait3A_541 = tpu.memref_slice %arg20[%dma_wait3A_540] : memref<10240xf32, #tpu.memory_space<vmem_shared>> -> memref<10240xf32, #tpu.memory_space<vmem_shared>>
    tpu.wait_indirect_dma semaphore(%arg18 : memref<!tpu.dma_semaphore, #tpu.memory_space<semaphore_mem>>) src(%dma_wait3A_536 : memref<128xf32, #tpu.memory_space<vmem>>) dst(%dma_wait3A_541 : memref<10240xf32, #tpu.memory_space<vmem_shared>>)
    %barrier3A_542 = arith.constant 0 : index
    tpu.barrier barrier_id(%barrier3A_542)
    "tpu.region"() ({
      %run_scoped3A = tpu.sem_alloc : memref<!tpu.dma_semaphore, #tpu.memory_space<semaphore_mem>>
      %dma_start3A_725 = tpu.memref_slice %arg19[%mul3A_2] : memref<10240xf32, #tpu.memory_space<vmem_shared>> -> memref<640xf32, #tpu.memory_space<vmem_shared>>
      %dma_start3A_726 = tpu.memref_slice %arg19[%mul3A_2] : memref<10240xf32, #tpu.memory_space<vmem_shared>> -> memref<640xf32, #tpu.memory_space<vmem_shared>>
      tpu.enqueue_dma source(%dma_start3A_726 : memref<640xf32, #tpu.memory_space<vmem_shared>>) target(%arg16 : memref<640xf32, #tpu.memory_space<vmem>>) target_semaphore(%run_scoped3A : memref<!tpu.dma_semaphore, #tpu.memory_space<semaphore_mem>>)
      %dma_wait3A_727 = tpu.memref_slice %arg19[%mul3A_2] : memref<10240xf32, #tpu.memory_space<vmem_shared>> -> memref<640xf32, #tpu.memory_space<vmem_shared>>
      %dma_wait3A_728 = tpu.memref_slice %arg19[%mul3A_2] : memref<10240xf32, #tpu.memory_space<vmem_shared>> -> memref<640xf32, #tpu.memory_space<vmem_shared>>
      tpu.wait_dma2 semaphore(%run_scoped3A : memref<!tpu.dma_semaphore, #tpu.memory_space<semaphore_mem>>) src(%dma_wait3A_728 : memref<640xf32, #tpu.memory_space<vmem_shared>>) dst(%arg16 : memref<640xf32, #tpu.memory_space<vmem>>)
      tpu.yield
    }) : () -> ()
    %scan3A_543 = arith.constant 0 : i32
    %scan3A_544 = arith.constant 0 : i32
    %scan3A_545 = arith.constant 40 : i32
    %scan3A_546 = arith.addi %scan3A_544, %scan3A_545 : i32
    %scan3A_547 = arith.constant 1 : i32
    %scan3A_548 = scf.for %scan3A_725 = %scan3A_544 to %scan3A_546 step %scan3A_547 iter_args(%scan3A_726 = %scan3A_543) -> (i32)  : i32 {
      %mul3A_727 = arith.constant 16 : i32
      %mul3A_728 = arith.muli %scan3A_725, %mul3A_727 : i32
      %get3A_729 = arith.index_cast %mul3A_728 : i32 to index
      %get3A_730 = tpu.vector_load %arg16[%get3A_729] {strides = array<i32>} : memref<640xf32, #tpu.memory_space<vmem>>, vector<16xf32>,
      %max3A = arith.constant 1.000000e+00 : f32
      %max3A_731 = vector.broadcast %max3A : f32 to vector<16xf32>
      %max3A_732 = arith.maximumf %get3A_730, %max3A_731 : vector<16xf32>
      %bitcast_convert_type3A = tpu.bitcast %max3A_732 : vector<16xf32> -> vector<16xi32>
      %shift_right_arithmetic3A = arith.constant 1 : i32
      %shift_right_arithmetic3A_733 = vector.broadcast %shift_right_arithmetic3A : i32 to vector<16xi32>
      %shift_right_arithmetic3A_734 = arith.shrsi %bitcast_convert_type3A, %shift_right_arithmetic3A_733 : vector<16xi32>
      %sub3A = arith.constant 1597463007 : i32
      %sub3A_735 = vector.broadcast %sub3A : i32 to vector<16xi32>
      %sub3A_736 = arith.subi %sub3A_735, %shift_right_arithmetic3A_734 : vector<16xi32>
      %bitcast_convert_type3A_737 = tpu.bitcast %sub3A_736 : vector<16xi32> -> vector<16xf32>
      %mul3A_738 = arith.constant 5.000000e-01 : f32
      %mul3A_739 = vector.broadcast %mul3A_738 : f32 to vector<16xf32>
      %mul3A_740 = arith.mulf %mul3A_739, %max3A_732 : vector<16xf32>
      %mul3A_741 = arith.mulf %mul3A_740, %bitcast_convert_type3A_737 : vector<16xf32>
      %mul3A_742 = arith.mulf %mul3A_741, %bitcast_convert_type3A_737 : vector<16xf32>
      %sub3A_743 = arith.constant 1.500000e+00 : f32
      %sub3A_744 = vector.broadcast %sub3A_743 : f32 to vector<16xf32>
      %sub3A_745 = arith.subf %sub3A_744, %mul3A_742 : vector<16xf32>
      %mul3A_746 = arith.mulf %bitcast_convert_type3A_737, %sub3A_745 : vector<16xf32>
      %mul3A_747 = arith.constant 5.000000e-01 : f32
      %mul3A_748 = vector.broadcast %mul3A_747 : f32 to vector<16xf32>
      %mul3A_749 = arith.mulf %mul3A_748, %max3A_732 : vector<16xf32>
      %mul3A_750 = arith.mulf %mul3A_749, %mul3A_746 : vector<16xf32>
      %mul3A_751 = arith.mulf %mul3A_750, %mul3A_746 : vector<16xf32>
      %sub3A_752 = arith.constant 1.500000e+00 : f32
      %sub3A_753 = vector.broadcast %sub3A_752 : f32 to vector<16xf32>
      %sub3A_754 = arith.subf %sub3A_753, %mul3A_751 : vector<16xf32>
      %mul3A_755 = arith.mulf %mul3A_746, %sub3A_754 : vector<16xf32>
      %mul3A_756 = arith.constant 5.000000e-01 : f32
      %mul3A_757 = vector.broadcast %mul3A_756 : f32 to vector<16xf32>
      %mul3A_758 = arith.mulf %mul3A_757, %max3A_732 : vector<16xf32>
      %mul3A_759 = arith.mulf %mul3A_758, %mul3A_755 : vector<16xf32>
      %mul3A_760 = arith.mulf %mul3A_759, %mul3A_755 : vector<16xf32>
      %sub3A_761 = arith.constant 1.500000e+00 : f32
      %sub3A_762 = vector.broadcast %sub3A_761 : f32 to vector<16xf32>
      %sub3A_763 = arith.subf %sub3A_762, %mul3A_760 : vector<16xf32>
      %mul3A_764 = arith.mulf %mul3A_755, %sub3A_763 : vector<16xf32>
      %swap3A_765 = arith.index_cast %mul3A_728 : i32 to index
      %swap3A_766 = tpu.vector_load %arg14[%swap3A_765] {strides = array<i32>} : memref<640xf32, #tpu.memory_space<vmem>>, vector<16xf32>,
      tpu.vector_store %arg14[%swap3A_765], %mul3A_764 {strides = array<i32>} : memref<640xf32, #tpu.memory_space<vmem>>, vector<16xf32>,
      %scan3A_767 = arith.constant 0 : i32
      scf.yield %scan3A_767 : i32
    }
    %scan3A_549 = arith.constant 40 : i32
    "tpu.region"() ({
      %run_scoped3A = tpu.sem_alloc : memref<!tpu.dma_semaphore, #tpu.memory_space<semaphore_mem>>
      %dma_start3A_725 = tpu.memref_slice %arg20[%mul3A_2] : memref<10240xf32, #tpu.memory_space<vmem_shared>> -> memref<640xf32, #tpu.memory_space<vmem_shared>>
      %dma_start3A_726 = tpu.memref_slice %arg20[%mul3A_2] : memref<10240xf32, #tpu.memory_space<vmem_shared>> -> memref<640xf32, #tpu.memory_space<vmem_shared>>
      tpu.enqueue_dma source(%dma_start3A_726 : memref<640xf32, #tpu.memory_space<vmem_shared>>) target(%arg16 : memref<640xf32, #tpu.memory_space<vmem>>) target_semaphore(%run_scoped3A : memref<!tpu.dma_semaphore, #tpu.memory_space<semaphore_mem>>)
      %dma_wait3A_727 = tpu.memref_slice %arg20[%mul3A_2] : memref<10240xf32, #tpu.memory_space<vmem_shared>> -> memref<640xf32, #tpu.memory_space<vmem_shared>>
      %dma_wait3A_728 = tpu.memref_slice %arg20[%mul3A_2] : memref<10240xf32, #tpu.memory_space<vmem_shared>> -> memref<640xf32, #tpu.memory_space<vmem_shared>>
      tpu.wait_dma2 semaphore(%run_scoped3A : memref<!tpu.dma_semaphore, #tpu.memory_space<semaphore_mem>>) src(%dma_wait3A_728 : memref<640xf32, #tpu.memory_space<vmem_shared>>) dst(%arg16 : memref<640xf32, #tpu.memory_space<vmem>>)
      tpu.yield
    }) : () -> ()
    %scan3A_550 = arith.constant 0 : i32
    %scan3A_551 = arith.constant 0 : i32
    %scan3A_552 = arith.constant 40 : i32
    %scan3A_553 = arith.addi %scan3A_551, %scan3A_552 : i32
    %scan3A_554 = arith.constant 1 : i32
    %scan3A_555 = scf.for %scan3A_725 = %scan3A_551 to %scan3A_553 step %scan3A_554 iter_args(%scan3A_726 = %scan3A_550) -> (i32)  : i32 {
      %mul3A_727 = arith.constant 16 : i32
      %mul3A_728 = arith.muli %scan3A_725, %mul3A_727 : i32
      %get3A_729 = arith.index_cast %mul3A_728 : i32 to index
      %get3A_730 = tpu.vector_load %arg16[%get3A_729] {strides = array<i32>} : memref<640xf32, #tpu.memory_space<vmem>>, vector<16xf32>,
      %max3A = arith.constant 1.000000e+00 : f32
      %max3A_731 = vector.broadcast %max3A : f32 to vector<16xf32>
      %max3A_732 = arith.maximumf %get3A_730, %max3A_731 : vector<16xf32>
      %bitcast_convert_type3A = tpu.bitcast %max3A_732 : vector<16xf32> -> vector<16xi32>
      %shift_right_arithmetic3A = arith.constant 1 : i32
      %shift_right_arithmetic3A_733 = vector.broadcast %shift_right_arithmetic3A : i32 to vector<16xi32>
      %shift_right_arithmetic3A_734 = arith.shrsi %bitcast_convert_type3A, %shift_right_arithmetic3A_733 : vector<16xi32>
      %sub3A = arith.constant 1597463007 : i32
      %sub3A_735 = vector.broadcast %sub3A : i32 to vector<16xi32>
      %sub3A_736 = arith.subi %sub3A_735, %shift_right_arithmetic3A_734 : vector<16xi32>
      %bitcast_convert_type3A_737 = tpu.bitcast %sub3A_736 : vector<16xi32> -> vector<16xf32>
      %mul3A_738 = arith.constant 5.000000e-01 : f32
      %mul3A_739 = vector.broadcast %mul3A_738 : f32 to vector<16xf32>
      %mul3A_740 = arith.mulf %mul3A_739, %max3A_732 : vector<16xf32>
      %mul3A_741 = arith.mulf %mul3A_740, %bitcast_convert_type3A_737 : vector<16xf32>
      %mul3A_742 = arith.mulf %mul3A_741, %bitcast_convert_type3A_737 : vector<16xf32>
      %sub3A_743 = arith.constant 1.500000e+00 : f32
      %sub3A_744 = vector.broadcast %sub3A_743 : f32 to vector<16xf32>
      %sub3A_745 = arith.subf %sub3A_744, %mul3A_742 : vector<16xf32>
      %mul3A_746 = arith.mulf %bitcast_convert_type3A_737, %sub3A_745 : vector<16xf32>
      %mul3A_747 = arith.constant 5.000000e-01 : f32
      %mul3A_748 = vector.broadcast %mul3A_747 : f32 to vector<16xf32>
      %mul3A_749 = arith.mulf %mul3A_748, %max3A_732 : vector<16xf32>
      %mul3A_750 = arith.mulf %mul3A_749, %mul3A_746 : vector<16xf32>
      %mul3A_751 = arith.mulf %mul3A_750, %mul3A_746 : vector<16xf32>
      %sub3A_752 = arith.constant 1.500000e+00 : f32
      %sub3A_753 = vector.broadcast %sub3A_752 : f32 to vector<16xf32>
      %sub3A_754 = arith.subf %sub3A_753, %mul3A_751 : vector<16xf32>
      %mul3A_755 = arith.mulf %mul3A_746, %sub3A_754 : vector<16xf32>
      %mul3A_756 = arith.constant 5.000000e-01 : f32
      %mul3A_757 = vector.broadcast %mul3A_756 : f32 to vector<16xf32>
      %mul3A_758 = arith.mulf %mul3A_757, %max3A_732 : vector<16xf32>
      %mul3A_759 = arith.mulf %mul3A_758, %mul3A_755 : vector<16xf32>
      %mul3A_760 = arith.mulf %mul3A_759, %mul3A_755 : vector<16xf32>
      %sub3A_761 = arith.constant 1.500000e+00 : f32
      %sub3A_762 = vector.broadcast %sub3A_761 : f32 to vector<16xf32>
      %sub3A_763 = arith.subf %sub3A_762, %mul3A_760 : vector<16xf32>
      %mul3A_764 = arith.mulf %mul3A_755, %sub3A_763 : vector<16xf32>
      %swap3A_765 = arith.index_cast %mul3A_728 : i32 to index
      %swap3A_766 = tpu.vector_load %arg15[%swap3A_765] {strides = array<i32>} : memref<640xf32, #tpu.memory_space<vmem>>, vector<16xf32>,
      tpu.vector_store %arg15[%swap3A_765], %mul3A_764 {strides = array<i32>} : memref<640xf32, #tpu.memory_space<vmem>>, vector<16xf32>,
      %scan3A_767 = arith.constant 0 : i32
      scf.yield %scan3A_767 : i32
    }
    %scan3A_556 = arith.constant 40 : i32
    "tpu.region"() ({
      %run_scoped3A = tpu.sem_alloc : memref<!tpu.dma_semaphore, #tpu.memory_space<semaphore_mem>>
      %dma_start3A_725 = tpu.memref_slice %arg21[%mul3A_2] : memref<10240xf32, #tpu.memory_space<vmem_shared>> -> memref<640xf32, #tpu.memory_space<vmem_shared>>
      %dma_start3A_726 = tpu.memref_slice %arg21[%mul3A_2] : memref<10240xf32, #tpu.memory_space<vmem_shared>> -> memref<640xf32, #tpu.memory_space<vmem_shared>>
      tpu.enqueue_dma source(%arg15 : memref<640xf32, #tpu.memory_space<vmem>>) target(%dma_start3A_726 : memref<640xf32, #tpu.memory_space<vmem_shared>>) target_semaphore(%run_scoped3A : memref<!tpu.dma_semaphore, #tpu.memory_space<semaphore_mem>>)
      %dma_wait3A_727 = tpu.memref_slice %arg21[%mul3A_2] : memref<10240xf32, #tpu.memory_space<vmem_shared>> -> memref<640xf32, #tpu.memory_space<vmem_shared>>
      %dma_wait3A_728 = tpu.memref_slice %arg21[%mul3A_2] : memref<10240xf32, #tpu.memory_space<vmem_shared>> -> memref<640xf32, #tpu.memory_space<vmem_shared>>
      tpu.wait_dma2 semaphore(%run_scoped3A : memref<!tpu.dma_semaphore, #tpu.memory_space<semaphore_mem>>) src(%arg15 : memref<640xf32, #tpu.memory_space<vmem>>) dst(%dma_wait3A_728 : memref<640xf32, #tpu.memory_space<vmem_shared>>)
      tpu.yield
    }) : () -> ()
    "tpu.region"() ({
      %run_scoped3A = tpu.sem_alloc : memref<!tpu.dma_semaphore, #tpu.memory_space<semaphore_mem>>
      %dma_start3A_725 = tpu.memref_slice %arg19[%mul3A_2] : memref<10240xf32, #tpu.memory_space<vmem_shared>> -> memref<640xf32, #tpu.memory_space<vmem_shared>>
      %dma_start3A_726 = tpu.memref_slice %arg19[%mul3A_2] : memref<10240xf32, #tpu.memory_space<vmem_shared>> -> memref<640xf32, #tpu.memory_space<vmem_shared>>
      tpu.enqueue_dma source(%arg13 : memref<640xf32, #tpu.memory_space<vmem>>) target(%dma_start3A_726 : memref<640xf32, #tpu.memory_space<vmem_shared>>) target_semaphore(%run_scoped3A : memref<!tpu.dma_semaphore, #tpu.memory_space<semaphore_mem>>)
      %dma_wait3A_727 = tpu.memref_slice %arg19[%mul3A_2] : memref<10240xf32, #tpu.memory_space<vmem_shared>> -> memref<640xf32, #tpu.memory_space<vmem_shared>>
      %dma_wait3A_728 = tpu.memref_slice %arg19[%mul3A_2] : memref<10240xf32, #tpu.memory_space<vmem_shared>> -> memref<640xf32, #tpu.memory_space<vmem_shared>>
      tpu.wait_dma2 semaphore(%run_scoped3A : memref<!tpu.dma_semaphore, #tpu.memory_space<semaphore_mem>>) src(%arg13 : memref<640xf32, #tpu.memory_space<vmem>>) dst(%dma_wait3A_728 : memref<640xf32, #tpu.memory_space<vmem_shared>>)
      tpu.yield
    }) : () -> ()
    "tpu.region"() ({
      %run_scoped3A = tpu.sem_alloc : memref<!tpu.dma_semaphore, #tpu.memory_space<semaphore_mem>>
      %dma_start3A_725 = tpu.memref_slice %arg20[%mul3A_2] : memref<10240xf32, #tpu.memory_space<vmem_shared>> -> memref<640xf32, #tpu.memory_space<vmem_shared>>
      %dma_start3A_726 = tpu.memref_slice %arg20[%mul3A_2] : memref<10240xf32, #tpu.memory_space<vmem_shared>> -> memref<640xf32, #tpu.memory_space<vmem_shared>>
      tpu.enqueue_dma source(%arg13 : memref<640xf32, #tpu.memory_space<vmem>>) target(%dma_start3A_726 : memref<640xf32, #tpu.memory_space<vmem_shared>>) target_semaphore(%run_scoped3A : memref<!tpu.dma_semaphore, #tpu.memory_space<semaphore_mem>>)
      %dma_wait3A_727 = tpu.memref_slice %arg20[%mul3A_2] : memref<10240xf32, #tpu.memory_space<vmem_shared>> -> memref<640xf32, #tpu.memory_space<vmem_shared>>
      %dma_wait3A_728 = tpu.memref_slice %arg20[%mul3A_2] : memref<10240xf32, #tpu.memory_space<vmem_shared>> -> memref<640xf32, #tpu.memory_space<vmem_shared>>
      tpu.wait_dma2 semaphore(%run_scoped3A : memref<!tpu.dma_semaphore, #tpu.memory_space<semaphore_mem>>) src(%arg13 : memref<640xf32, #tpu.memory_space<vmem>>) dst(%dma_wait3A_728 : memref<640xf32, #tpu.memory_space<vmem_shared>>)
      tpu.yield
    }) : () -> ()
    %barrier3A_557 = arith.constant 0 : index
    tpu.barrier barrier_id(%barrier3A_557)
    "tpu.region"() ({
      %run_scoped3A = tpu.sem_alloc : memref<!tpu.dma_semaphore, #tpu.memory_space<semaphore_mem>>
      %dma_start3A_725 = arith.constant 0 : i32
      %dma_start3A_726 = tpu.memref_slice %arg11[%dma_start3A_725] : memref<10256xf32, #tpu.memory_space<vmem>> -> memref<10240xf32, #tpu.memory_space<vmem>>
      %dma_start3A_727 = arith.constant 0 : i32
      %dma_start3A_728 = tpu.memref_slice %arg11[%dma_start3A_727] : memref<10256xf32, #tpu.memory_space<vmem>> -> memref<10240xf32, #tpu.memory_space<vmem>>
      tpu.enqueue_dma source(%arg21 : memref<10240xf32, #tpu.memory_space<vmem_shared>>) target(%dma_start3A_728 : memref<10240xf32, #tpu.memory_space<vmem>>) target_semaphore(%run_scoped3A : memref<!tpu.dma_semaphore, #tpu.memory_space<semaphore_mem>>)
      %dma_wait3A_729 = arith.constant 0 : i32
      %dma_wait3A_730 = tpu.memref_slice %arg11[%dma_wait3A_729] : memref<10256xf32, #tpu.memory_space<vmem>> -> memref<10240xf32, #tpu.memory_space<vmem>>
      %dma_wait3A_731 = arith.constant 0 : i32
      %dma_wait3A_732 = tpu.memref_slice %arg11[%dma_wait3A_731] : memref<10256xf32, #tpu.memory_space<vmem>> -> memref<10240xf32, #tpu.memory_space<vmem>>
      tpu.wait_dma2 semaphore(%run_scoped3A : memref<!tpu.dma_semaphore, #tpu.memory_space<semaphore_mem>>) src(%arg21 : memref<10240xf32, #tpu.memory_space<vmem_shared>>) dst(%dma_wait3A_732 : memref<10240xf32, #tpu.memory_space<vmem>>)
      tpu.yield
    }) : () -> ()
    %broadcast_in_dim3A_558 = arith.constant 0.000000e+00 : f32
    %broadcast_in_dim3A_559 = vector.broadcast %broadcast_in_dim3A_558 : f32 to vector<16xf32>
    %swap3A_560 = arith.constant 10240 : index
    %swap3A_561 = tpu.vector_load %arg11[%swap3A_560] {strides = array<i32>} : memref<10256xf32, #tpu.memory_space<vmem>>, vector<16xf32>,
    tpu.vector_store %arg11[%swap3A_560], %broadcast_in_dim3A_559 {strides = array<i32>} : memref<10256xf32, #tpu.memory_space<vmem>>, vector<16xf32>,
    %scan3A_562 = arith.constant 0 : i32
    %scan3A_563 = arith.constant 0 : i32
    %scan3A_564 = arith.constant 20 : i32
    %scan3A_565 = arith.addi %scan3A_563, %scan3A_564 : i32
    %scan3A_566 = arith.constant 1 : i32
    %scan3A_567 = scf.for %scan3A_725 = %scan3A_563 to %scan3A_565 step %scan3A_566 iter_args(%scan3A_726 = %scan3A_562) -> (i32)  : i32 {
      %mul3A_727 = arith.constant 8 : i32
      %mul3A_728 = arith.muli %scan3A_725, %mul3A_727 : i32
      %add3A_729 = arith.constant 8 : i32
      %add3A_730 = arith.addi %mul3A_728, %add3A_729 : i32
      %while3A = arith.constant 0 : i32
      %while3A_731 = arith.subi %add3A_730, %mul3A_728 : i32
      %while3A_732 = arith.addi %mul3A_728, %while3A_731 : i32
      %while3A_733 = arith.constant 1 : i32
      %while3A_734 = arith.divsi %while3A_731, %while3A_733 : i32
      %while3A_735 = arith.muli %while3A_734, %while3A_733 : i32
      %while3A_736 = arith.addi %mul3A_728, %while3A_735 : i32
      %while3A_737 = arith.constant 1 : i32
      %while3A_738 = scf.for %while3A_840 = %mul3A_728 to %while3A_736 step %while3A_737 iter_args(%while3A_841 = %while3A) -> (i32)  : i32 {
        %scan3A_842 = arith.constant 0 : i32
        %scan3A_843 = arith.constant 0 : i32
        %scan3A_844 = arith.constant 8 : i32
        %scan3A_845 = arith.addi %scan3A_843, %scan3A_844 : i32
        %scan3A_846 = arith.constant 1 : i32
        %scan3A_847 = scf.for %scan3A_850 = %scan3A_843 to %scan3A_845 step %scan3A_846 iter_args(%scan3A_851 = %scan3A_842) -> (i32)  : i32 {
          %mul3A_852 = arith.constant 128 : i32
          %mul3A_853 = arith.muli %while3A_840, %mul3A_852 : i32
          %mul3A_854 = arith.constant 16 : i32
          %mul3A_855 = arith.muli %scan3A_850, %mul3A_854 : i32
          %add3A_856 = arith.addi %mul3A_853, %mul3A_855 : i32
          %get3A_857 = arith.index_cast %add3A_856 : i32 to index
          %get3A_858 = tpu.vector_load %arg7[%get3A_857] {strides = array<i32>} : memref<20480xi32, #tpu.memory_space<vmem>>, vector<16xi32>,
          %gather3A = tpu.vector_load_idx %arg11[%get3A_858] : memref<10256xf32, #tpu.memory_space<vmem>>[vector<16xi32>], vector<16xf32>,
          %swap3A_859 = arith.index_cast %add3A_856 : i32 to index
          %swap3A_860 = tpu.vector_load %arg10[%swap3A_859] {strides = array<i32>} : memref<20480xf32, #tpu.memory_space<vmem>>, vector<16xf32>,
          tpu.vector_store %arg10[%swap3A_859], %gather3A {strides = array<i32>} : memref<20480xf32, #tpu.memory_space<vmem>>, vector<16xf32>,
          %scan3A_861 = arith.constant 0 : i32
          scf.yield %scan3A_861 : i32
        }
        %scan3A_848 = arith.constant 8 : i32
        %while3A_849 = arith.constant 0 : i32
        scf.yield %while3A_849 : i32
      }
      %while3A_739 = arith.constant 1 : i32
      %while3A_740 = scf.for %while3A_840 = %while3A_736 to %while3A_732 step %while3A_739 iter_args(%while3A_841 = %while3A_738) -> (i32)  : i32 {
        %scan3A_842 = arith.constant 0 : i32
        %scan3A_843 = arith.constant 0 : i32
        %scan3A_844 = arith.constant 8 : i32
        %scan3A_845 = arith.addi %scan3A_843, %scan3A_844 : i32
        %scan3A_846 = arith.constant 1 : i32
        %scan3A_847 = scf.for %scan3A_850 = %scan3A_843 to %scan3A_845 step %scan3A_846 iter_args(%scan3A_851 = %scan3A_842) -> (i32)  : i32 {
          %mul3A_852 = arith.constant 128 : i32
          %mul3A_853 = arith.muli %while3A_840, %mul3A_852 : i32
          %mul3A_854 = arith.constant 16 : i32
          %mul3A_855 = arith.muli %scan3A_850, %mul3A_854 : i32
          %add3A_856 = arith.addi %mul3A_853, %mul3A_855 : i32
          %get3A_857 = arith.index_cast %add3A_856 : i32 to index
          %get3A_858 = tpu.vector_load %arg7[%get3A_857] {strides = array<i32>} : memref<20480xi32, #tpu.memory_space<vmem>>, vector<16xi32>,
          %gather3A = tpu.vector_load_idx %arg11[%get3A_858] : memref<10256xf32, #tpu.memory_space<vmem>>[vector<16xi32>], vector<16xf32>,
          %swap3A_859 = arith.index_cast %add3A_856 : i32 to index
          %swap3A_860 = tpu.vector_load %arg10[%swap3A_859] {strides = array<i32>} : memref<20480xf32, #tpu.memory_space<vmem>>, vector<16xf32>,
          tpu.vector_store %arg10[%swap3A_859], %gather3A {strides = array<i32>} : memref<20480xf32, #tpu.memory_space<vmem>>, vector<16xf32>,
          %scan3A_861 = arith.constant 0 : i32
          scf.yield %scan3A_861 : i32
        }
        %scan3A_848 = arith.constant 8 : i32
        %while3A_849 = arith.constant 0 : i32
        scf.yield %while3A_849 : i32
      }
      %add3A_741 = arith.constant 0 : i32
      %add3A_742 = arith.addi %mul3A_728, %add3A_741 : i32
      %mul3A_743 = arith.constant 128 : i32
      %mul3A_744 = arith.muli %add3A_742, %mul3A_743 : i32
      %add3A_745 = arith.constant 0 : i32
      %add3A_746 = arith.addi %mul3A_728, %add3A_745 : i32
      %dma_start3A_747 = tpu.memref_slice %arg10[%mul3A_744] : memref<20480xf32, #tpu.memory_space<vmem>> -> memref<128xf32, #tpu.memory_space<vmem>>
      %dma_start3A_748 = arith.constant 0 : i32
      %dma_start3A_749 = tpu.memref_slice %arg8[%add3A_746, %dma_start3A_748] : memref<160x128xi32, #tpu.memory_space<vmem>> -> memref<1x128xi32, #tpu.memory_space<vmem>>
      %dma_start3A_750 = tpu.memref_squeeze %dma_start3A_749 : memref<1x128xi32, #tpu.memory_space<vmem>> -> memref<128xi32, #tpu.memory_space<vmem>>
      %dma_start3A_751 = arith.constant 0 : i32
      %dma_start3A_752 = tpu.memref_slice %arg19[%dma_start3A_751] : memref<10240xf32, #tpu.memory_space<vmem_shared>> -> memref<10240xf32, #tpu.memory_space<vmem_shared>>
      tpu.enqueue_indirect_dma source(%dma_start3A_747 : memref<128xf32, #tpu.memory_space<vmem>>) target(%dma_start3A_752 : memref<10240xf32, #tpu.memory_space<vmem_shared>>) offsets(%dma_start3A_750 : memref<128xi32, #tpu.memory_space<vmem>>) semaphore(%arg18 : memref<!tpu.dma_semaphore, #tpu.memory_space<semaphore_mem>>) {add = true}
      %add3A_753 = arith.constant 1 : i32
      %add3A_754 = arith.addi %mul3A_728, %add3A_753 : i32
      %mul3A_755 = arith.constant 128 : i32
      %mul3A_756 = arith.muli %add3A_754, %mul3A_755 : i32
      %add3A_757 = arith.constant 1 : i32
      %add3A_758 = arith.addi %mul3A_728, %add3A_757 : i32
      %dma_start3A_759 = tpu.memref_slice %arg10[%mul3A_756] : memref<20480xf32, #tpu.memory_space<vmem>> -> memref<128xf32, #tpu.memory_space<vmem>>
      %dma_start3A_760 = arith.constant 0 : i32
      %dma_start3A_761 = tpu.memref_slice %arg8[%add3A_758, %dma_start3A_760] : memref<160x128xi32, #tpu.memory_space<vmem>> -> memref<1x128xi32, #tpu.memory_space<vmem>>
      %dma_start3A_762 = tpu.memref_squeeze %dma_start3A_761 : memref<1x128xi32, #tpu.memory_space<vmem>> -> memref<128xi32, #tpu.memory_space<vmem>>
      %dma_start3A_763 = arith.constant 0 : i32
      %dma_start3A_764 = tpu.memref_slice %arg19[%dma_start3A_763] : memref<10240xf32, #tpu.memory_space<vmem_shared>> -> memref<10240xf32, #tpu.memory_space<vmem_shared>>
      tpu.enqueue_indirect_dma source(%dma_start3A_759 : memref<128xf32, #tpu.memory_space<vmem>>) target(%dma_start3A_764 : memref<10240xf32, #tpu.memory_space<vmem_shared>>) offsets(%dma_start3A_762 : memref<128xi32, #tpu.memory_space<vmem>>) semaphore(%arg18 : memref<!tpu.dma_semaphore, #tpu.memory_space<semaphore_mem>>) {add = true}
      %add3A_765 = arith.constant 2 : i32
      %add3A_766 = arith.addi %mul3A_728, %add3A_765 : i32
      %mul3A_767 = arith.constant 128 : i32
      %mul3A_768 = arith.muli %add3A_766, %mul3A_767 : i32
      %add3A_769 = arith.constant 2 : i32
      %add3A_770 = arith.addi %mul3A_728, %add3A_769 : i32
      %dma_start3A_771 = tpu.memref_slice %arg10[%mul3A_768] : memref<20480xf32, #tpu.memory_space<vmem>> -> memref<128xf32, #tpu.memory_space<vmem>>
      %dma_start3A_772 = arith.constant 0 : i32
      %dma_start3A_773 = tpu.memref_slice %arg8[%add3A_770, %dma_start3A_772] : memref<160x128xi32, #tpu.memory_space<vmem>> -> memref<1x128xi32, #tpu.memory_space<vmem>>
      %dma_start3A_774 = tpu.memref_squeeze %dma_start3A_773 : memref<1x128xi32, #tpu.memory_space<vmem>> -> memref<128xi32, #tpu.memory_space<vmem>>
      %dma_start3A_775 = arith.constant 0 : i32
      %dma_start3A_776 = tpu.memref_slice %arg19[%dma_start3A_775] : memref<10240xf32, #tpu.memory_space<vmem_shared>> -> memref<10240xf32, #tpu.memory_space<vmem_shared>>
      tpu.enqueue_indirect_dma source(%dma_start3A_771 : memref<128xf32, #tpu.memory_space<vmem>>) target(%dma_start3A_776 : memref<10240xf32, #tpu.memory_space<vmem_shared>>) offsets(%dma_start3A_774 : memref<128xi32, #tpu.memory_space<vmem>>) semaphore(%arg18 : memref<!tpu.dma_semaphore, #tpu.memory_space<semaphore_mem>>) {add = true}
      %add3A_777 = arith.constant 3 : i32
      %add3A_778 = arith.addi %mul3A_728, %add3A_777 : i32
      %mul3A_779 = arith.constant 128 : i32
      %mul3A_780 = arith.muli %add3A_778, %mul3A_779 : i32
      %add3A_781 = arith.constant 3 : i32
      %add3A_782 = arith.addi %mul3A_728, %add3A_781 : i32
      %dma_start3A_783 = tpu.memref_slice %arg10[%mul3A_780] : memref<20480xf32, #tpu.memory_space<vmem>> -> memref<128xf32, #tpu.memory_space<vmem>>
      %dma_start3A_784 = arith.constant 0 : i32
      %dma_start3A_785 = tpu.memref_slice %arg8[%add3A_782, %dma_start3A_784] : memref<160x128xi32, #tpu.memory_space<vmem>> -> memref<1x128xi32, #tpu.memory_space<vmem>>
      %dma_start3A_786 = tpu.memref_squeeze %dma_start3A_785 : memref<1x128xi32, #tpu.memory_space<vmem>> -> memref<128xi32, #tpu.memory_space<vmem>>
      %dma_start3A_787 = arith.constant 0 : i32
      %dma_start3A_788 = tpu.memref_slice %arg19[%dma_start3A_787] : memref<10240xf32, #tpu.memory_space<vmem_shared>> -> memref<10240xf32, #tpu.memory_space<vmem_shared>>
      tpu.enqueue_indirect_dma source(%dma_start3A_783 : memref<128xf32, #tpu.memory_space<vmem>>) target(%dma_start3A_788 : memref<10240xf32, #tpu.memory_space<vmem_shared>>) offsets(%dma_start3A_786 : memref<128xi32, #tpu.memory_space<vmem>>) semaphore(%arg18 : memref<!tpu.dma_semaphore, #tpu.memory_space<semaphore_mem>>) {add = true}
      %add3A_789 = arith.constant 4 : i32
      %add3A_790 = arith.addi %mul3A_728, %add3A_789 : i32
      %mul3A_791 = arith.constant 128 : i32
      %mul3A_792 = arith.muli %add3A_790, %mul3A_791 : i32
      %add3A_793 = arith.constant 4 : i32
      %add3A_794 = arith.addi %mul3A_728, %add3A_793 : i32
      %dma_start3A_795 = tpu.memref_slice %arg10[%mul3A_792] : memref<20480xf32, #tpu.memory_space<vmem>> -> memref<128xf32, #tpu.memory_space<vmem>>
      %dma_start3A_796 = arith.constant 0 : i32
      %dma_start3A_797 = tpu.memref_slice %arg8[%add3A_794, %dma_start3A_796] : memref<160x128xi32, #tpu.memory_space<vmem>> -> memref<1x128xi32, #tpu.memory_space<vmem>>
      %dma_start3A_798 = tpu.memref_squeeze %dma_start3A_797 : memref<1x128xi32, #tpu.memory_space<vmem>> -> memref<128xi32, #tpu.memory_space<vmem>>
      %dma_start3A_799 = arith.constant 0 : i32
      %dma_start3A_800 = tpu.memref_slice %arg19[%dma_start3A_799] : memref<10240xf32, #tpu.memory_space<vmem_shared>> -> memref<10240xf32, #tpu.memory_space<vmem_shared>>
      tpu.enqueue_indirect_dma source(%dma_start3A_795 : memref<128xf32, #tpu.memory_space<vmem>>) target(%dma_start3A_800 : memref<10240xf32, #tpu.memory_space<vmem_shared>>) offsets(%dma_start3A_798 : memref<128xi32, #tpu.memory_space<vmem>>) semaphore(%arg18 : memref<!tpu.dma_semaphore, #tpu.memory_space<semaphore_mem>>) {add = true}
      %add3A_801 = arith.constant 5 : i32
      %add3A_802 = arith.addi %mul3A_728, %add3A_801 : i32
      %mul3A_803 = arith.constant 128 : i32
      %mul3A_804 = arith.muli %add3A_802, %mul3A_803 : i32
      %add3A_805 = arith.constant 5 : i32
      %add3A_806 = arith.addi %mul3A_728, %add3A_805 : i32
      %dma_start3A_807 = tpu.memref_slice %arg10[%mul3A_804] : memref<20480xf32, #tpu.memory_space<vmem>> -> memref<128xf32, #tpu.memory_space<vmem>>
      %dma_start3A_808 = arith.constant 0 : i32
      %dma_start3A_809 = tpu.memref_slice %arg8[%add3A_806, %dma_start3A_808] : memref<160x128xi32, #tpu.memory_space<vmem>> -> memref<1x128xi32, #tpu.memory_space<vmem>>
      %dma_start3A_810 = tpu.memref_squeeze %dma_start3A_809 : memref<1x128xi32, #tpu.memory_space<vmem>> -> memref<128xi32, #tpu.memory_space<vmem>>
      %dma_start3A_811 = arith.constant 0 : i32
      %dma_start3A_812 = tpu.memref_slice %arg19[%dma_start3A_811] : memref<10240xf32, #tpu.memory_space<vmem_shared>> -> memref<10240xf32, #tpu.memory_space<vmem_shared>>
      tpu.enqueue_indirect_dma source(%dma_start3A_807 : memref<128xf32, #tpu.memory_space<vmem>>) target(%dma_start3A_812 : memref<10240xf32, #tpu.memory_space<vmem_shared>>) offsets(%dma_start3A_810 : memref<128xi32, #tpu.memory_space<vmem>>) semaphore(%arg18 : memref<!tpu.dma_semaphore, #tpu.memory_space<semaphore_mem>>) {add = true}
      %add3A_813 = arith.constant 6 : i32
      %add3A_814 = arith.addi %mul3A_728, %add3A_813 : i32
      %mul3A_815 = arith.constant 128 : i32
      %mul3A_816 = arith.muli %add3A_814, %mul3A_815 : i32
      %add3A_817 = arith.constant 6 : i32
      %add3A_818 = arith.addi %mul3A_728, %add3A_817 : i32
      %dma_start3A_819 = tpu.memref_slice %arg10[%mul3A_816] : memref<20480xf32, #tpu.memory_space<vmem>> -> memref<128xf32, #tpu.memory_space<vmem>>
      %dma_start3A_820 = arith.constant 0 : i32
      %dma_start3A_821 = tpu.memref_slice %arg8[%add3A_818, %dma_start3A_820] : memref<160x128xi32, #tpu.memory_space<vmem>> -> memref<1x128xi32, #tpu.memory_space<vmem>>
      %dma_start3A_822 = tpu.memref_squeeze %dma_start3A_821 : memref<1x128xi32, #tpu.memory_space<vmem>> -> memref<128xi32, #tpu.memory_space<vmem>>
      %dma_start3A_823 = arith.constant 0 : i32
      %dma_start3A_824 = tpu.memref_slice %arg19[%dma_start3A_823] : memref<10240xf32, #tpu.memory_space<vmem_shared>> -> memref<10240xf32, #tpu.memory_space<vmem_shared>>
      tpu.enqueue_indirect_dma source(%dma_start3A_819 : memref<128xf32, #tpu.memory_space<vmem>>) target(%dma_start3A_824 : memref<10240xf32, #tpu.memory_space<vmem_shared>>) offsets(%dma_start3A_822 : memref<128xi32, #tpu.memory_space<vmem>>) semaphore(%arg18 : memref<!tpu.dma_semaphore, #tpu.memory_space<semaphore_mem>>) {add = true}
      %add3A_825 = arith.constant 7 : i32
      %add3A_826 = arith.addi %mul3A_728, %add3A_825 : i32
      %mul3A_827 = arith.constant 128 : i32
      %mul3A_828 = arith.muli %add3A_826, %mul3A_827 : i32
      %add3A_829 = arith.constant 7 : i32
      %add3A_830 = arith.addi %mul3A_728, %add3A_829 : i32
      %dma_start3A_831 = tpu.memref_slice %arg10[%mul3A_828] : memref<20480xf32, #tpu.memory_space<vmem>> -> memref<128xf32, #tpu.memory_space<vmem>>
      %dma_start3A_832 = arith.constant 0 : i32
      %dma_start3A_833 = tpu.memref_slice %arg8[%add3A_830, %dma_start3A_832] : memref<160x128xi32, #tpu.memory_space<vmem>> -> memref<1x128xi32, #tpu.memory_space<vmem>>
      %dma_start3A_834 = tpu.memref_squeeze %dma_start3A_833 : memref<1x128xi32, #tpu.memory_space<vmem>> -> memref<128xi32, #tpu.memory_space<vmem>>
      %dma_start3A_835 = arith.constant 0 : i32
      %dma_start3A_836 = tpu.memref_slice %arg19[%dma_start3A_835] : memref<10240xf32, #tpu.memory_space<vmem_shared>> -> memref<10240xf32, #tpu.memory_space<vmem_shared>>
      tpu.enqueue_indirect_dma source(%dma_start3A_831 : memref<128xf32, #tpu.memory_space<vmem>>) target(%dma_start3A_836 : memref<10240xf32, #tpu.memory_space<vmem_shared>>) offsets(%dma_start3A_834 : memref<128xi32, #tpu.memory_space<vmem>>) semaphore(%arg18 : memref<!tpu.dma_semaphore, #tpu.memory_space<semaphore_mem>>) {add = true}
      %gt3A = arith.constant 0 : i32
      %gt3A_837 = arith.cmpi sgt, %scan3A_725, %gt3A : i32
      %convert_element_type3A = arith.extui %gt3A_837 : i1 to i32
      %cond3A = arith.constant 0 : i32
      %cond3A_838 = arith.cmpi ne, %convert_element_type3A, %cond3A : i32
      scf.if %cond3A_838 {
        %sub3A = arith.constant 8 : i32
        %sub3A_840 = arith.subi %mul3A_728, %sub3A : i32
        %add3A_841 = arith.constant 0 : i32
        %add3A_842 = arith.addi %sub3A_840, %add3A_841 : i32
        %mul3A_843 = arith.constant 128 : i32
        %mul3A_844 = arith.muli %add3A_842, %mul3A_843 : i32
        %dma_wait3A_845 = tpu.memref_slice %arg10[%mul3A_844] : memref<20480xf32, #tpu.memory_space<vmem>> -> memref<128xf32, #tpu.memory_space<vmem>>
        %dma_wait3A_846 = arith.constant 0 : i32
        %dma_wait3A_847 = tpu.memref_slice %arg8[%add3A_842, %dma_wait3A_846] : memref<160x128xi32, #tpu.memory_space<vmem>> -> memref<1x128xi32, #tpu.memory_space<vmem>>
        %dma_wait3A_848 = tpu.memref_squeeze %dma_wait3A_847 : memref<1x128xi32, #tpu.memory_space<vmem>> -> memref<128xi32, #tpu.memory_space<vmem>>
        %dma_wait3A_849 = arith.constant 0 : i32
        %dma_wait3A_850 = tpu.memref_slice %arg19[%dma_wait3A_849] : memref<10240xf32, #tpu.memory_space<vmem_shared>> -> memref<10240xf32, #tpu.memory_space<vmem_shared>>
        tpu.wait_indirect_dma semaphore(%arg18 : memref<!tpu.dma_semaphore, #tpu.memory_space<semaphore_mem>>) src(%dma_wait3A_845 : memref<128xf32, #tpu.memory_space<vmem>>) dst(%dma_wait3A_850 : memref<10240xf32, #tpu.memory_space<vmem_shared>>)
        %sub3A_851 = arith.constant 8 : i32
        %sub3A_852 = arith.subi %mul3A_728, %sub3A_851 : i32
        %add3A_853 = arith.constant 1 : i32
        %add3A_854 = arith.addi %sub3A_852, %add3A_853 : i32
        %mul3A_855 = arith.constant 128 : i32
        %mul3A_856 = arith.muli %add3A_854, %mul3A_855 : i32
        %dma_wait3A_857 = tpu.memref_slice %arg10[%mul3A_856] : memref<20480xf32, #tpu.memory_space<vmem>> -> memref<128xf32, #tpu.memory_space<vmem>>
        %dma_wait3A_858 = arith.constant 0 : i32
        %dma_wait3A_859 = tpu.memref_slice %arg8[%add3A_854, %dma_wait3A_858] : memref<160x128xi32, #tpu.memory_space<vmem>> -> memref<1x128xi32, #tpu.memory_space<vmem>>
        %dma_wait3A_860 = tpu.memref_squeeze %dma_wait3A_859 : memref<1x128xi32, #tpu.memory_space<vmem>> -> memref<128xi32, #tpu.memory_space<vmem>>
        %dma_wait3A_861 = arith.constant 0 : i32
        %dma_wait3A_862 = tpu.memref_slice %arg19[%dma_wait3A_861] : memref<10240xf32, #tpu.memory_space<vmem_shared>> -> memref<10240xf32, #tpu.memory_space<vmem_shared>>
        tpu.wait_indirect_dma semaphore(%arg18 : memref<!tpu.dma_semaphore, #tpu.memory_space<semaphore_mem>>) src(%dma_wait3A_857 : memref<128xf32, #tpu.memory_space<vmem>>) dst(%dma_wait3A_862 : memref<10240xf32, #tpu.memory_space<vmem_shared>>)
        %sub3A_863 = arith.constant 8 : i32
        %sub3A_864 = arith.subi %mul3A_728, %sub3A_863 : i32
        %add3A_865 = arith.constant 2 : i32
        %add3A_866 = arith.addi %sub3A_864, %add3A_865 : i32
        %mul3A_867 = arith.constant 128 : i32
        %mul3A_868 = arith.muli %add3A_866, %mul3A_867 : i32
        %dma_wait3A_869 = tpu.memref_slice %arg10[%mul3A_868] : memref<20480xf32, #tpu.memory_space<vmem>> -> memref<128xf32, #tpu.memory_space<vmem>>
        %dma_wait3A_870 = arith.constant 0 : i32
        %dma_wait3A_871 = tpu.memref_slice %arg8[%add3A_866, %dma_wait3A_870] : memref<160x128xi32, #tpu.memory_space<vmem>> -> memref<1x128xi32, #tpu.memory_space<vmem>>
        %dma_wait3A_872 = tpu.memref_squeeze %dma_wait3A_871 : memref<1x128xi32, #tpu.memory_space<vmem>> -> memref<128xi32, #tpu.memory_space<vmem>>
        %dma_wait3A_873 = arith.constant 0 : i32
        %dma_wait3A_874 = tpu.memref_slice %arg19[%dma_wait3A_873] : memref<10240xf32, #tpu.memory_space<vmem_shared>> -> memref<10240xf32, #tpu.memory_space<vmem_shared>>
        tpu.wait_indirect_dma semaphore(%arg18 : memref<!tpu.dma_semaphore, #tpu.memory_space<semaphore_mem>>) src(%dma_wait3A_869 : memref<128xf32, #tpu.memory_space<vmem>>) dst(%dma_wait3A_874 : memref<10240xf32, #tpu.memory_space<vmem_shared>>)
        %sub3A_875 = arith.constant 8 : i32
        %sub3A_876 = arith.subi %mul3A_728, %sub3A_875 : i32
        %add3A_877 = arith.constant 3 : i32
        %add3A_878 = arith.addi %sub3A_876, %add3A_877 : i32
        %mul3A_879 = arith.constant 128 : i32
        %mul3A_880 = arith.muli %add3A_878, %mul3A_879 : i32
        %dma_wait3A_881 = tpu.memref_slice %arg10[%mul3A_880] : memref<20480xf32, #tpu.memory_space<vmem>> -> memref<128xf32, #tpu.memory_space<vmem>>
        %dma_wait3A_882 = arith.constant 0 : i32
        %dma_wait3A_883 = tpu.memref_slice %arg8[%add3A_878, %dma_wait3A_882] : memref<160x128xi32, #tpu.memory_space<vmem>> -> memref<1x128xi32, #tpu.memory_space<vmem>>
        %dma_wait3A_884 = tpu.memref_squeeze %dma_wait3A_883 : memref<1x128xi32, #tpu.memory_space<vmem>> -> memref<128xi32, #tpu.memory_space<vmem>>
        %dma_wait3A_885 = arith.constant 0 : i32
        %dma_wait3A_886 = tpu.memref_slice %arg19[%dma_wait3A_885] : memref<10240xf32, #tpu.memory_space<vmem_shared>> -> memref<10240xf32, #tpu.memory_space<vmem_shared>>
        tpu.wait_indirect_dma semaphore(%arg18 : memref<!tpu.dma_semaphore, #tpu.memory_space<semaphore_mem>>) src(%dma_wait3A_881 : memref<128xf32, #tpu.memory_space<vmem>>) dst(%dma_wait3A_886 : memref<10240xf32, #tpu.memory_space<vmem_shared>>)
        %sub3A_887 = arith.constant 8 : i32
        %sub3A_888 = arith.subi %mul3A_728, %sub3A_887 : i32
        %add3A_889 = arith.constant 4 : i32
        %add3A_890 = arith.addi %sub3A_888, %add3A_889 : i32
        %mul3A_891 = arith.constant 128 : i32
        %mul3A_892 = arith.muli %add3A_890, %mul3A_891 : i32
        %dma_wait3A_893 = tpu.memref_slice %arg10[%mul3A_892] : memref<20480xf32, #tpu.memory_space<vmem>> -> memref<128xf32, #tpu.memory_space<vmem>>
        %dma_wait3A_894 = arith.constant 0 : i32
        %dma_wait3A_895 = tpu.memref_slice %arg8[%add3A_890, %dma_wait3A_894] : memref<160x128xi32, #tpu.memory_space<vmem>> -> memref<1x128xi32, #tpu.memory_space<vmem>>
        %dma_wait3A_896 = tpu.memref_squeeze %dma_wait3A_895 : memref<1x128xi32, #tpu.memory_space<vmem>> -> memref<128xi32, #tpu.memory_space<vmem>>
        %dma_wait3A_897 = arith.constant 0 : i32
        %dma_wait3A_898 = tpu.memref_slice %arg19[%dma_wait3A_897] : memref<10240xf32, #tpu.memory_space<vmem_shared>> -> memref<10240xf32, #tpu.memory_space<vmem_shared>>
        tpu.wait_indirect_dma semaphore(%arg18 : memref<!tpu.dma_semaphore, #tpu.memory_space<semaphore_mem>>) src(%dma_wait3A_893 : memref<128xf32, #tpu.memory_space<vmem>>) dst(%dma_wait3A_898 : memref<10240xf32, #tpu.memory_space<vmem_shared>>)
        %sub3A_899 = arith.constant 8 : i32
        %sub3A_900 = arith.subi %mul3A_728, %sub3A_899 : i32
        %add3A_901 = arith.constant 5 : i32
        %add3A_902 = arith.addi %sub3A_900, %add3A_901 : i32
        %mul3A_903 = arith.constant 128 : i32
        %mul3A_904 = arith.muli %add3A_902, %mul3A_903 : i32
        %dma_wait3A_905 = tpu.memref_slice %arg10[%mul3A_904] : memref<20480xf32, #tpu.memory_space<vmem>> -> memref<128xf32, #tpu.memory_space<vmem>>
        %dma_wait3A_906 = arith.constant 0 : i32
        %dma_wait3A_907 = tpu.memref_slice %arg8[%add3A_902, %dma_wait3A_906] : memref<160x128xi32, #tpu.memory_space<vmem>> -> memref<1x128xi32, #tpu.memory_space<vmem>>
        %dma_wait3A_908 = tpu.memref_squeeze %dma_wait3A_907 : memref<1x128xi32, #tpu.memory_space<vmem>> -> memref<128xi32, #tpu.memory_space<vmem>>
        %dma_wait3A_909 = arith.constant 0 : i32
        %dma_wait3A_910 = tpu.memref_slice %arg19[%dma_wait3A_909] : memref<10240xf32, #tpu.memory_space<vmem_shared>> -> memref<10240xf32, #tpu.memory_space<vmem_shared>>
        tpu.wait_indirect_dma semaphore(%arg18 : memref<!tpu.dma_semaphore, #tpu.memory_space<semaphore_mem>>) src(%dma_wait3A_905 : memref<128xf32, #tpu.memory_space<vmem>>) dst(%dma_wait3A_910 : memref<10240xf32, #tpu.memory_space<vmem_shared>>)
        %sub3A_911 = arith.constant 8 : i32
        %sub3A_912 = arith.subi %mul3A_728, %sub3A_911 : i32
        %add3A_913 = arith.constant 6 : i32
        %add3A_914 = arith.addi %sub3A_912, %add3A_913 : i32
        %mul3A_915 = arith.constant 128 : i32
        %mul3A_916 = arith.muli %add3A_914, %mul3A_915 : i32
        %dma_wait3A_917 = tpu.memref_slice %arg10[%mul3A_916] : memref<20480xf32, #tpu.memory_space<vmem>> -> memref<128xf32, #tpu.memory_space<vmem>>
        %dma_wait3A_918 = arith.constant 0 : i32
        %dma_wait3A_919 = tpu.memref_slice %arg8[%add3A_914, %dma_wait3A_918] : memref<160x128xi32, #tpu.memory_space<vmem>> -> memref<1x128xi32, #tpu.memory_space<vmem>>
        %dma_wait3A_920 = tpu.memref_squeeze %dma_wait3A_919 : memref<1x128xi32, #tpu.memory_space<vmem>> -> memref<128xi32, #tpu.memory_space<vmem>>
        %dma_wait3A_921 = arith.constant 0 : i32
        %dma_wait3A_922 = tpu.memref_slice %arg19[%dma_wait3A_921] : memref<10240xf32, #tpu.memory_space<vmem_shared>> -> memref<10240xf32, #tpu.memory_space<vmem_shared>>
        tpu.wait_indirect_dma semaphore(%arg18 : memref<!tpu.dma_semaphore, #tpu.memory_space<semaphore_mem>>) src(%dma_wait3A_917 : memref<128xf32, #tpu.memory_space<vmem>>) dst(%dma_wait3A_922 : memref<10240xf32, #tpu.memory_space<vmem_shared>>)
        %sub3A_923 = arith.constant 8 : i32
        %sub3A_924 = arith.subi %mul3A_728, %sub3A_923 : i32
        %add3A_925 = arith.constant 7 : i32
        %add3A_926 = arith.addi %sub3A_924, %add3A_925 : i32
        %mul3A_927 = arith.constant 128 : i32
        %mul3A_928 = arith.muli %add3A_926, %mul3A_927 : i32
        %dma_wait3A_929 = tpu.memref_slice %arg10[%mul3A_928] : memref<20480xf32, #tpu.memory_space<vmem>> -> memref<128xf32, #tpu.memory_space<vmem>>
        %dma_wait3A_930 = arith.constant 0 : i32
        %dma_wait3A_931 = tpu.memref_slice %arg8[%add3A_926, %dma_wait3A_930] : memref<160x128xi32, #tpu.memory_space<vmem>> -> memref<1x128xi32, #tpu.memory_space<vmem>>
        %dma_wait3A_932 = tpu.memref_squeeze %dma_wait3A_931 : memref<1x128xi32, #tpu.memory_space<vmem>> -> memref<128xi32, #tpu.memory_space<vmem>>
        %dma_wait3A_933 = arith.constant 0 : i32
        %dma_wait3A_934 = tpu.memref_slice %arg19[%dma_wait3A_933] : memref<10240xf32, #tpu.memory_space<vmem_shared>> -> memref<10240xf32, #tpu.memory_space<vmem_shared>>
        tpu.wait_indirect_dma semaphore(%arg18 : memref<!tpu.dma_semaphore, #tpu.memory_space<semaphore_mem>>) src(%dma_wait3A_929 : memref<128xf32, #tpu.memory_space<vmem>>) dst(%dma_wait3A_934 : memref<10240xf32, #tpu.memory_space<vmem_shared>>)
      } else {
      }
      %scan3A_839 = arith.constant 0 : i32
      scf.yield %scan3A_839 : i32
    }
    %scan3A_568 = arith.constant 20 : i32
    %dma_wait3A_569 = arith.constant 152 : i32
    %dma_wait3A_570 = arith.constant 19456 : i32
    %dma_wait3A_571 = tpu.memref_slice %arg10[%dma_wait3A_570] : memref<20480xf32, #tpu.memory_space<vmem>> -> memref<128xf32, #tpu.memory_space<vmem>>
    %dma_wait3A_572 = arith.constant 0 : i32
    %dma_wait3A_573 = tpu.memref_slice %arg8[%dma_wait3A_569, %dma_wait3A_572] : memref<160x128xi32, #tpu.memory_space<vmem>> -> memref<1x128xi32, #tpu.memory_space<vmem>>
    %dma_wait3A_574 = tpu.memref_squeeze %dma_wait3A_573 : memref<1x128xi32, #tpu.memory_space<vmem>> -> memref<128xi32, #tpu.memory_space<vmem>>
    %dma_wait3A_575 = arith.constant 0 : i32
    %dma_wait3A_576 = tpu.memref_slice %arg19[%dma_wait3A_575] : memref<10240xf32, #tpu.memory_space<vmem_shared>> -> memref<10240xf32, #tpu.memory_space<vmem_shared>>
    tpu.wait_indirect_dma semaphore(%arg18 : memref<!tpu.dma_semaphore, #tpu.memory_space<semaphore_mem>>) src(%dma_wait3A_571 : memref<128xf32, #tpu.memory_space<vmem>>) dst(%dma_wait3A_576 : memref<10240xf32, #tpu.memory_space<vmem_shared>>)
    %dma_wait3A_577 = arith.constant 153 : i32
    %dma_wait3A_578 = arith.constant 19584 : i32
    %dma_wait3A_579 = tpu.memref_slice %arg10[%dma_wait3A_578] : memref<20480xf32, #tpu.memory_space<vmem>> -> memref<128xf32, #tpu.memory_space<vmem>>
    %dma_wait3A_580 = arith.constant 0 : i32
    %dma_wait3A_581 = tpu.memref_slice %arg8[%dma_wait3A_577, %dma_wait3A_580] : memref<160x128xi32, #tpu.memory_space<vmem>> -> memref<1x128xi32, #tpu.memory_space<vmem>>
    %dma_wait3A_582 = tpu.memref_squeeze %dma_wait3A_581 : memref<1x128xi32, #tpu.memory_space<vmem>> -> memref<128xi32, #tpu.memory_space<vmem>>
    %dma_wait3A_583 = arith.constant 0 : i32
    %dma_wait3A_584 = tpu.memref_slice %arg19[%dma_wait3A_583] : memref<10240xf32, #tpu.memory_space<vmem_shared>> -> memref<10240xf32, #tpu.memory_space<vmem_shared>>
    tpu.wait_indirect_dma semaphore(%arg18 : memref<!tpu.dma_semaphore, #tpu.memory_space<semaphore_mem>>) src(%dma_wait3A_579 : memref<128xf32, #tpu.memory_space<vmem>>) dst(%dma_wait3A_584 : memref<10240xf32, #tpu.memory_space<vmem_shared>>)
    %dma_wait3A_585 = arith.constant 154 : i32
    %dma_wait3A_586 = arith.constant 19712 : i32
    %dma_wait3A_587 = tpu.memref_slice %arg10[%dma_wait3A_586] : memref<20480xf32, #tpu.memory_space<vmem>> -> memref<128xf32, #tpu.memory_space<vmem>>
    %dma_wait3A_588 = arith.constant 0 : i32
    %dma_wait3A_589 = tpu.memref_slice %arg8[%dma_wait3A_585, %dma_wait3A_588] : memref<160x128xi32, #tpu.memory_space<vmem>> -> memref<1x128xi32, #tpu.memory_space<vmem>>
    %dma_wait3A_590 = tpu.memref_squeeze %dma_wait3A_589 : memref<1x128xi32, #tpu.memory_space<vmem>> -> memref<128xi32, #tpu.memory_space<vmem>>
    %dma_wait3A_591 = arith.constant 0 : i32
    %dma_wait3A_592 = tpu.memref_slice %arg19[%dma_wait3A_591] : memref<10240xf32, #tpu.memory_space<vmem_shared>> -> memref<10240xf32, #tpu.memory_space<vmem_shared>>
    tpu.wait_indirect_dma semaphore(%arg18 : memref<!tpu.dma_semaphore, #tpu.memory_space<semaphore_mem>>) src(%dma_wait3A_587 : memref<128xf32, #tpu.memory_space<vmem>>) dst(%dma_wait3A_592 : memref<10240xf32, #tpu.memory_space<vmem_shared>>)
    %dma_wait3A_593 = arith.constant 155 : i32
    %dma_wait3A_594 = arith.constant 19840 : i32
    %dma_wait3A_595 = tpu.memref_slice %arg10[%dma_wait3A_594] : memref<20480xf32, #tpu.memory_space<vmem>> -> memref<128xf32, #tpu.memory_space<vmem>>
    %dma_wait3A_596 = arith.constant 0 : i32
    %dma_wait3A_597 = tpu.memref_slice %arg8[%dma_wait3A_593, %dma_wait3A_596] : memref<160x128xi32, #tpu.memory_space<vmem>> -> memref<1x128xi32, #tpu.memory_space<vmem>>
    %dma_wait3A_598 = tpu.memref_squeeze %dma_wait3A_597 : memref<1x128xi32, #tpu.memory_space<vmem>> -> memref<128xi32, #tpu.memory_space<vmem>>
    %dma_wait3A_599 = arith.constant 0 : i32
    %dma_wait3A_600 = tpu.memref_slice %arg19[%dma_wait3A_599] : memref<10240xf32, #tpu.memory_space<vmem_shared>> -> memref<10240xf32, #tpu.memory_space<vmem_shared>>
    tpu.wait_indirect_dma semaphore(%arg18 : memref<!tpu.dma_semaphore, #tpu.memory_space<semaphore_mem>>) src(%dma_wait3A_595 : memref<128xf32, #tpu.memory_space<vmem>>) dst(%dma_wait3A_600 : memref<10240xf32, #tpu.memory_space<vmem_shared>>)
    %dma_wait3A_601 = arith.constant 156 : i32
    %dma_wait3A_602 = arith.constant 19968 : i32
    %dma_wait3A_603 = tpu.memref_slice %arg10[%dma_wait3A_602] : memref<20480xf32, #tpu.memory_space<vmem>> -> memref<128xf32, #tpu.memory_space<vmem>>
    %dma_wait3A_604 = arith.constant 0 : i32
    %dma_wait3A_605 = tpu.memref_slice %arg8[%dma_wait3A_601, %dma_wait3A_604] : memref<160x128xi32, #tpu.memory_space<vmem>> -> memref<1x128xi32, #tpu.memory_space<vmem>>
    %dma_wait3A_606 = tpu.memref_squeeze %dma_wait3A_605 : memref<1x128xi32, #tpu.memory_space<vmem>> -> memref<128xi32, #tpu.memory_space<vmem>>
    %dma_wait3A_607 = arith.constant 0 : i32
    %dma_wait3A_608 = tpu.memref_slice %arg19[%dma_wait3A_607] : memref<10240xf32, #tpu.memory_space<vmem_shared>> -> memref<10240xf32, #tpu.memory_space<vmem_shared>>
    tpu.wait_indirect_dma semaphore(%arg18 : memref<!tpu.dma_semaphore, #tpu.memory_space<semaphore_mem>>) src(%dma_wait3A_603 : memref<128xf32, #tpu.memory_space<vmem>>) dst(%dma_wait3A_608 : memref<10240xf32, #tpu.memory_space<vmem_shared>>)
    %dma_wait3A_609 = arith.constant 157 : i32
    %dma_wait3A_610 = arith.constant 20096 : i32
    %dma_wait3A_611 = tpu.memref_slice %arg10[%dma_wait3A_610] : memref<20480xf32, #tpu.memory_space<vmem>> -> memref<128xf32, #tpu.memory_space<vmem>>
    %dma_wait3A_612 = arith.constant 0 : i32
    %dma_wait3A_613 = tpu.memref_slice %arg8[%dma_wait3A_609, %dma_wait3A_612] : memref<160x128xi32, #tpu.memory_space<vmem>> -> memref<1x128xi32, #tpu.memory_space<vmem>>
    %dma_wait3A_614 = tpu.memref_squeeze %dma_wait3A_613 : memref<1x128xi32, #tpu.memory_space<vmem>> -> memref<128xi32, #tpu.memory_space<vmem>>
    %dma_wait3A_615 = arith.constant 0 : i32
    %dma_wait3A_616 = tpu.memref_slice %arg19[%dma_wait3A_615] : memref<10240xf32, #tpu.memory_space<vmem_shared>> -> memref<10240xf32, #tpu.memory_space<vmem_shared>>
    tpu.wait_indirect_dma semaphore(%arg18 : memref<!tpu.dma_semaphore, #tpu.memory_space<semaphore_mem>>) src(%dma_wait3A_611 : memref<128xf32, #tpu.memory_space<vmem>>) dst(%dma_wait3A_616 : memref<10240xf32, #tpu.memory_space<vmem_shared>>)
    %dma_wait3A_617 = arith.constant 158 : i32
    %dma_wait3A_618 = arith.constant 20224 : i32
    %dma_wait3A_619 = tpu.memref_slice %arg10[%dma_wait3A_618] : memref<20480xf32, #tpu.memory_space<vmem>> -> memref<128xf32, #tpu.memory_space<vmem>>
    %dma_wait3A_620 = arith.constant 0 : i32
    %dma_wait3A_621 = tpu.memref_slice %arg8[%dma_wait3A_617, %dma_wait3A_620] : memref<160x128xi32, #tpu.memory_space<vmem>> -> memref<1x128xi32, #tpu.memory_space<vmem>>
    %dma_wait3A_622 = tpu.memref_squeeze %dma_wait3A_621 : memref<1x128xi32, #tpu.memory_space<vmem>> -> memref<128xi32, #tpu.memory_space<vmem>>
    %dma_wait3A_623 = arith.constant 0 : i32
    %dma_wait3A_624 = tpu.memref_slice %arg19[%dma_wait3A_623] : memref<10240xf32, #tpu.memory_space<vmem_shared>> -> memref<10240xf32, #tpu.memory_space<vmem_shared>>
    tpu.wait_indirect_dma semaphore(%arg18 : memref<!tpu.dma_semaphore, #tpu.memory_space<semaphore_mem>>) src(%dma_wait3A_619 : memref<128xf32, #tpu.memory_space<vmem>>) dst(%dma_wait3A_624 : memref<10240xf32, #tpu.memory_space<vmem_shared>>)
    %dma_wait3A_625 = arith.constant 159 : i32
    %dma_wait3A_626 = arith.constant 20352 : i32
    %dma_wait3A_627 = tpu.memref_slice %arg10[%dma_wait3A_626] : memref<20480xf32, #tpu.memory_space<vmem>> -> memref<128xf32, #tpu.memory_space<vmem>>
    %dma_wait3A_628 = arith.constant 0 : i32
    %dma_wait3A_629 = tpu.memref_slice %arg8[%dma_wait3A_625, %dma_wait3A_628] : memref<160x128xi32, #tpu.memory_space<vmem>> -> memref<1x128xi32, #tpu.memory_space<vmem>>
    %dma_wait3A_630 = tpu.memref_squeeze %dma_wait3A_629 : memref<1x128xi32, #tpu.memory_space<vmem>> -> memref<128xi32, #tpu.memory_space<vmem>>
    %dma_wait3A_631 = arith.constant 0 : i32
    %dma_wait3A_632 = tpu.memref_slice %arg19[%dma_wait3A_631] : memref<10240xf32, #tpu.memory_space<vmem_shared>> -> memref<10240xf32, #tpu.memory_space<vmem_shared>>
    tpu.wait_indirect_dma semaphore(%arg18 : memref<!tpu.dma_semaphore, #tpu.memory_space<semaphore_mem>>) src(%dma_wait3A_627 : memref<128xf32, #tpu.memory_space<vmem>>) dst(%dma_wait3A_632 : memref<10240xf32, #tpu.memory_space<vmem_shared>>)
    %barrier3A_633 = arith.constant 0 : index
    tpu.barrier barrier_id(%barrier3A_633)
    "tpu.region"() ({
      %run_scoped3A = tpu.sem_alloc : memref<!tpu.dma_semaphore, #tpu.memory_space<semaphore_mem>>
      %dma_start3A_725 = tpu.memref_slice %arg19[%mul3A_2] : memref<10240xf32, #tpu.memory_space<vmem_shared>> -> memref<640xf32, #tpu.memory_space<vmem_shared>>
      %dma_start3A_726 = tpu.memref_slice %arg19[%mul3A_2] : memref<10240xf32, #tpu.memory_space<vmem_shared>> -> memref<640xf32, #tpu.memory_space<vmem_shared>>
      tpu.enqueue_dma source(%dma_start3A_726 : memref<640xf32, #tpu.memory_space<vmem_shared>>) target(%arg16 : memref<640xf32, #tpu.memory_space<vmem>>) target_semaphore(%run_scoped3A : memref<!tpu.dma_semaphore, #tpu.memory_space<semaphore_mem>>)
      %dma_wait3A_727 = tpu.memref_slice %arg19[%mul3A_2] : memref<10240xf32, #tpu.memory_space<vmem_shared>> -> memref<640xf32, #tpu.memory_space<vmem_shared>>
      %dma_wait3A_728 = tpu.memref_slice %arg19[%mul3A_2] : memref<10240xf32, #tpu.memory_space<vmem_shared>> -> memref<640xf32, #tpu.memory_space<vmem_shared>>
      tpu.wait_dma2 semaphore(%run_scoped3A : memref<!tpu.dma_semaphore, #tpu.memory_space<semaphore_mem>>) src(%dma_wait3A_728 : memref<640xf32, #tpu.memory_space<vmem_shared>>) dst(%arg16 : memref<640xf32, #tpu.memory_space<vmem>>)
      tpu.yield
    }) : () -> ()
    %scan3A_634 = arith.constant 0 : i32
    %scan3A_635 = arith.constant 0 : i32
    %scan3A_636 = arith.constant 40 : i32
    %scan3A_637 = arith.addi %scan3A_635, %scan3A_636 : i32
    %scan3A_638 = arith.constant 1 : i32
    %scan3A_639 = scf.for %scan3A_725 = %scan3A_635 to %scan3A_637 step %scan3A_638 iter_args(%scan3A_726 = %scan3A_634) -> (i32)  : i32 {
      %mul3A_727 = arith.constant 16 : i32
      %mul3A_728 = arith.muli %scan3A_725, %mul3A_727 : i32
      %get3A_729 = arith.index_cast %mul3A_728 : i32 to index
      %get3A_730 = tpu.vector_load %arg14[%get3A_729] {strides = array<i32>} : memref<640xf32, #tpu.memory_space<vmem>>, vector<16xf32>,
      %get3A_731 = arith.index_cast %mul3A_728 : i32 to index
      %get3A_732 = tpu.vector_load %arg16[%get3A_731] {strides = array<i32>} : memref<640xf32, #tpu.memory_space<vmem>>, vector<16xf32>,
      %mul3A_733 = arith.mulf %get3A_730, %get3A_732 : vector<16xf32>
      %swap3A_734 = arith.index_cast %mul3A_728 : i32 to index
      %swap3A_735 = tpu.vector_load %arg17[%swap3A_734] {strides = array<i32>} : memref<640xf32, #tpu.memory_space<vmem>>, vector<16xf32>,
      tpu.vector_store %arg17[%swap3A_734], %mul3A_733 {strides = array<i32>} : memref<640xf32, #tpu.memory_space<vmem>>, vector<16xf32>,
      %get3A_736 = arith.index_cast %mul3A_728 : i32 to index
      %get3A_737 = tpu.vector_load %arg15[%get3A_736] {strides = array<i32>} : memref<640xf32, #tpu.memory_space<vmem>>, vector<16xf32>,
      %mul3A_738 = arith.mulf %mul3A_733, %get3A_737 : vector<16xf32>
      %swap3A_739 = arith.index_cast %mul3A_728 : i32 to index
      %swap3A_740 = tpu.vector_load %arg15[%swap3A_739] {strides = array<i32>} : memref<640xf32, #tpu.memory_space<vmem>>, vector<16xf32>,
      tpu.vector_store %arg15[%swap3A_739], %mul3A_738 {strides = array<i32>} : memref<640xf32, #tpu.memory_space<vmem>>, vector<16xf32>,
      %scan3A_741 = arith.constant 0 : i32
      scf.yield %scan3A_741 : i32
    }
    %scan3A_640 = arith.constant 40 : i32
    "tpu.region"() ({
      %run_scoped3A = tpu.sem_alloc : memref<!tpu.dma_semaphore, #tpu.memory_space<semaphore_mem>>
      %dma_start3A_725 = tpu.memref_slice %arg4[%mul3A_2] : memref<10240xf32, #tpu.memory_space<hbm>> -> memref<640xf32, #tpu.memory_space<hbm>>
      %dma_start3A_726 = tpu.memref_slice %arg4[%mul3A_2] : memref<10240xf32, #tpu.memory_space<hbm>> -> memref<640xf32, #tpu.memory_space<hbm>>
      tpu.enqueue_dma source(%arg17 : memref<640xf32, #tpu.memory_space<vmem>>) target(%dma_start3A_726 : memref<640xf32, #tpu.memory_space<hbm>>) target_semaphore(%run_scoped3A : memref<!tpu.dma_semaphore, #tpu.memory_space<semaphore_mem>>)
      %dma_wait3A_727 = tpu.memref_slice %arg4[%mul3A_2] : memref<10240xf32, #tpu.memory_space<hbm>> -> memref<640xf32, #tpu.memory_space<hbm>>
      %dma_wait3A_728 = tpu.memref_slice %arg4[%mul3A_2] : memref<10240xf32, #tpu.memory_space<hbm>> -> memref<640xf32, #tpu.memory_space<hbm>>
      tpu.wait_dma2 semaphore(%run_scoped3A : memref<!tpu.dma_semaphore, #tpu.memory_space<semaphore_mem>>) src(%arg17 : memref<640xf32, #tpu.memory_space<vmem>>) dst(%dma_wait3A_728 : memref<640xf32, #tpu.memory_space<hbm>>)
      tpu.yield
    }) : () -> ()
    "tpu.region"() ({
      %run_scoped3A = tpu.sem_alloc : memref<!tpu.dma_semaphore, #tpu.memory_space<semaphore_mem>>
      %dma_start3A_725 = tpu.memref_slice %arg22[%mul3A_2] : memref<10240xf32, #tpu.memory_space<vmem_shared>> -> memref<640xf32, #tpu.memory_space<vmem_shared>>
      %dma_start3A_726 = tpu.memref_slice %arg22[%mul3A_2] : memref<10240xf32, #tpu.memory_space<vmem_shared>> -> memref<640xf32, #tpu.memory_space<vmem_shared>>
      tpu.enqueue_dma source(%arg15 : memref<640xf32, #tpu.memory_space<vmem>>) target(%dma_start3A_726 : memref<640xf32, #tpu.memory_space<vmem_shared>>) target_semaphore(%run_scoped3A : memref<!tpu.dma_semaphore, #tpu.memory_space<semaphore_mem>>)
      %dma_wait3A_727 = tpu.memref_slice %arg22[%mul3A_2] : memref<10240xf32, #tpu.memory_space<vmem_shared>> -> memref<640xf32, #tpu.memory_space<vmem_shared>>
      %dma_wait3A_728 = tpu.memref_slice %arg22[%mul3A_2] : memref<10240xf32, #tpu.memory_space<vmem_shared>> -> memref<640xf32, #tpu.memory_space<vmem_shared>>
      tpu.wait_dma2 semaphore(%run_scoped3A : memref<!tpu.dma_semaphore, #tpu.memory_space<semaphore_mem>>) src(%arg15 : memref<640xf32, #tpu.memory_space<vmem>>) dst(%dma_wait3A_728 : memref<640xf32, #tpu.memory_space<vmem_shared>>)
      tpu.yield
    }) : () -> ()
    %barrier3A_641 = arith.constant 0 : index
    tpu.barrier barrier_id(%barrier3A_641)
    "tpu.region"() ({
      %run_scoped3A = tpu.sem_alloc : memref<!tpu.dma_semaphore, #tpu.memory_space<semaphore_mem>>
      %dma_start3A_725 = arith.constant 0 : i32
      %dma_start3A_726 = tpu.memref_slice %arg11[%dma_start3A_725] : memref<10256xf32, #tpu.memory_space<vmem>> -> memref<10240xf32, #tpu.memory_space<vmem>>
      %dma_start3A_727 = arith.constant 0 : i32
      %dma_start3A_728 = tpu.memref_slice %arg11[%dma_start3A_727] : memref<10256xf32, #tpu.memory_space<vmem>> -> memref<10240xf32, #tpu.memory_space<vmem>>
      tpu.enqueue_dma source(%arg22 : memref<10240xf32, #tpu.memory_space<vmem_shared>>) target(%dma_start3A_728 : memref<10240xf32, #tpu.memory_space<vmem>>) target_semaphore(%run_scoped3A : memref<!tpu.dma_semaphore, #tpu.memory_space<semaphore_mem>>)
      %dma_wait3A_729 = arith.constant 0 : i32
      %dma_wait3A_730 = tpu.memref_slice %arg11[%dma_wait3A_729] : memref<10256xf32, #tpu.memory_space<vmem>> -> memref<10240xf32, #tpu.memory_space<vmem>>
      %dma_wait3A_731 = arith.constant 0 : i32
      %dma_wait3A_732 = tpu.memref_slice %arg11[%dma_wait3A_731] : memref<10256xf32, #tpu.memory_space<vmem>> -> memref<10240xf32, #tpu.memory_space<vmem>>
      tpu.wait_dma2 semaphore(%run_scoped3A : memref<!tpu.dma_semaphore, #tpu.memory_space<semaphore_mem>>) src(%arg22 : memref<10240xf32, #tpu.memory_space<vmem_shared>>) dst(%dma_wait3A_732 : memref<10240xf32, #tpu.memory_space<vmem>>)
      tpu.yield
    }) : () -> ()
    %broadcast_in_dim3A_642 = arith.constant 0.000000e+00 : f32
    %broadcast_in_dim3A_643 = vector.broadcast %broadcast_in_dim3A_642 : f32 to vector<16xf32>
    %swap3A_644 = arith.constant 10240 : index
    %swap3A_645 = tpu.vector_load %arg11[%swap3A_644] {strides = array<i32>} : memref<10256xf32, #tpu.memory_space<vmem>>, vector<16xf32>,
    tpu.vector_store %arg11[%swap3A_644], %broadcast_in_dim3A_643 {strides = array<i32>} : memref<10256xf32, #tpu.memory_space<vmem>>, vector<16xf32>,
    %scan3A_646 = arith.constant 0 : i32
    %scan3A_647 = arith.constant 0 : i32
    %scan3A_648 = arith.constant 20 : i32
    %scan3A_649 = arith.addi %scan3A_647, %scan3A_648 : i32
    %scan3A_650 = arith.constant 1 : i32
    %scan3A_651 = scf.for %scan3A_725 = %scan3A_647 to %scan3A_649 step %scan3A_650 iter_args(%scan3A_726 = %scan3A_646) -> (i32)  : i32 {
      %mul3A_727 = arith.constant 8 : i32
      %mul3A_728 = arith.muli %scan3A_725, %mul3A_727 : i32
      %add3A_729 = arith.constant 8 : i32
      %add3A_730 = arith.addi %mul3A_728, %add3A_729 : i32
      %while3A = arith.constant 0 : i32
      %while3A_731 = arith.subi %add3A_730, %mul3A_728 : i32
      %while3A_732 = arith.addi %mul3A_728, %while3A_731 : i32
      %while3A_733 = arith.constant 1 : i32
      %while3A_734 = arith.divsi %while3A_731, %while3A_733 : i32
      %while3A_735 = arith.muli %while3A_734, %while3A_733 : i32
      %while3A_736 = arith.addi %mul3A_728, %while3A_735 : i32
      %while3A_737 = arith.constant 1 : i32
      %while3A_738 = scf.for %while3A_840 = %mul3A_728 to %while3A_736 step %while3A_737 iter_args(%while3A_841 = %while3A) -> (i32)  : i32 {
        %scan3A_842 = arith.constant 0 : i32
        %scan3A_843 = arith.constant 0 : i32
        %scan3A_844 = arith.constant 8 : i32
        %scan3A_845 = arith.addi %scan3A_843, %scan3A_844 : i32
        %scan3A_846 = arith.constant 1 : i32
        %scan3A_847 = scf.for %scan3A_850 = %scan3A_843 to %scan3A_845 step %scan3A_846 iter_args(%scan3A_851 = %scan3A_842) -> (i32)  : i32 {
          %mul3A_852 = arith.constant 128 : i32
          %mul3A_853 = arith.muli %while3A_840, %mul3A_852 : i32
          %mul3A_854 = arith.constant 16 : i32
          %mul3A_855 = arith.muli %scan3A_850, %mul3A_854 : i32
          %add3A_856 = arith.addi %mul3A_853, %mul3A_855 : i32
          %get3A_857 = arith.index_cast %add3A_856 : i32 to index
          %get3A_858 = tpu.vector_load %arg7[%get3A_857] {strides = array<i32>} : memref<20480xi32, #tpu.memory_space<vmem>>, vector<16xi32>,
          %gather3A = tpu.vector_load_idx %arg11[%get3A_858] : memref<10256xf32, #tpu.memory_space<vmem>>[vector<16xi32>], vector<16xf32>,
          %swap3A_859 = arith.index_cast %add3A_856 : i32 to index
          %swap3A_860 = tpu.vector_load %arg10[%swap3A_859] {strides = array<i32>} : memref<20480xf32, #tpu.memory_space<vmem>>, vector<16xf32>,
          tpu.vector_store %arg10[%swap3A_859], %gather3A {strides = array<i32>} : memref<20480xf32, #tpu.memory_space<vmem>>, vector<16xf32>,
          %scan3A_861 = arith.constant 0 : i32
          scf.yield %scan3A_861 : i32
        }
        %scan3A_848 = arith.constant 8 : i32
        %while3A_849 = arith.constant 0 : i32
        scf.yield %while3A_849 : i32
      }
      %while3A_739 = arith.constant 1 : i32
      %while3A_740 = scf.for %while3A_840 = %while3A_736 to %while3A_732 step %while3A_739 iter_args(%while3A_841 = %while3A_738) -> (i32)  : i32 {
        %scan3A_842 = arith.constant 0 : i32
        %scan3A_843 = arith.constant 0 : i32
        %scan3A_844 = arith.constant 8 : i32
        %scan3A_845 = arith.addi %scan3A_843, %scan3A_844 : i32
        %scan3A_846 = arith.constant 1 : i32
        %scan3A_847 = scf.for %scan3A_850 = %scan3A_843 to %scan3A_845 step %scan3A_846 iter_args(%scan3A_851 = %scan3A_842) -> (i32)  : i32 {
          %mul3A_852 = arith.constant 128 : i32
          %mul3A_853 = arith.muli %while3A_840, %mul3A_852 : i32
          %mul3A_854 = arith.constant 16 : i32
          %mul3A_855 = arith.muli %scan3A_850, %mul3A_854 : i32
          %add3A_856 = arith.addi %mul3A_853, %mul3A_855 : i32
          %get3A_857 = arith.index_cast %add3A_856 : i32 to index
          %get3A_858 = tpu.vector_load %arg7[%get3A_857] {strides = array<i32>} : memref<20480xi32, #tpu.memory_space<vmem>>, vector<16xi32>,
          %gather3A = tpu.vector_load_idx %arg11[%get3A_858] : memref<10256xf32, #tpu.memory_space<vmem>>[vector<16xi32>], vector<16xf32>,
          %swap3A_859 = arith.index_cast %add3A_856 : i32 to index
          %swap3A_860 = tpu.vector_load %arg10[%swap3A_859] {strides = array<i32>} : memref<20480xf32, #tpu.memory_space<vmem>>, vector<16xf32>,
          tpu.vector_store %arg10[%swap3A_859], %gather3A {strides = array<i32>} : memref<20480xf32, #tpu.memory_space<vmem>>, vector<16xf32>,
          %scan3A_861 = arith.constant 0 : i32
          scf.yield %scan3A_861 : i32
        }
        %scan3A_848 = arith.constant 8 : i32
        %while3A_849 = arith.constant 0 : i32
        scf.yield %while3A_849 : i32
      }
      %add3A_741 = arith.constant 0 : i32
      %add3A_742 = arith.addi %mul3A_728, %add3A_741 : i32
      %mul3A_743 = arith.constant 128 : i32
      %mul3A_744 = arith.muli %add3A_742, %mul3A_743 : i32
      %add3A_745 = arith.constant 0 : i32
      %add3A_746 = arith.addi %mul3A_728, %add3A_745 : i32
      %dma_start3A_747 = tpu.memref_slice %arg10[%mul3A_744] : memref<20480xf32, #tpu.memory_space<vmem>> -> memref<128xf32, #tpu.memory_space<vmem>>
      %dma_start3A_748 = arith.constant 0 : i32
      %dma_start3A_749 = tpu.memref_slice %arg8[%add3A_746, %dma_start3A_748] : memref<160x128xi32, #tpu.memory_space<vmem>> -> memref<1x128xi32, #tpu.memory_space<vmem>>
      %dma_start3A_750 = tpu.memref_squeeze %dma_start3A_749 : memref<1x128xi32, #tpu.memory_space<vmem>> -> memref<128xi32, #tpu.memory_space<vmem>>
      %dma_start3A_751 = arith.constant 0 : i32
      %dma_start3A_752 = tpu.memref_slice %arg20[%dma_start3A_751] : memref<10240xf32, #tpu.memory_space<vmem_shared>> -> memref<10240xf32, #tpu.memory_space<vmem_shared>>
      tpu.enqueue_indirect_dma source(%dma_start3A_747 : memref<128xf32, #tpu.memory_space<vmem>>) target(%dma_start3A_752 : memref<10240xf32, #tpu.memory_space<vmem_shared>>) offsets(%dma_start3A_750 : memref<128xi32, #tpu.memory_space<vmem>>) semaphore(%arg18 : memref<!tpu.dma_semaphore, #tpu.memory_space<semaphore_mem>>) {add = true}
      %add3A_753 = arith.constant 1 : i32
      %add3A_754 = arith.addi %mul3A_728, %add3A_753 : i32
      %mul3A_755 = arith.constant 128 : i32
      %mul3A_756 = arith.muli %add3A_754, %mul3A_755 : i32
      %add3A_757 = arith.constant 1 : i32
      %add3A_758 = arith.addi %mul3A_728, %add3A_757 : i32
      %dma_start3A_759 = tpu.memref_slice %arg10[%mul3A_756] : memref<20480xf32, #tpu.memory_space<vmem>> -> memref<128xf32, #tpu.memory_space<vmem>>
      %dma_start3A_760 = arith.constant 0 : i32
      %dma_start3A_761 = tpu.memref_slice %arg8[%add3A_758, %dma_start3A_760] : memref<160x128xi32, #tpu.memory_space<vmem>> -> memref<1x128xi32, #tpu.memory_space<vmem>>
      %dma_start3A_762 = tpu.memref_squeeze %dma_start3A_761 : memref<1x128xi32, #tpu.memory_space<vmem>> -> memref<128xi32, #tpu.memory_space<vmem>>
      %dma_start3A_763 = arith.constant 0 : i32
      %dma_start3A_764 = tpu.memref_slice %arg20[%dma_start3A_763] : memref<10240xf32, #tpu.memory_space<vmem_shared>> -> memref<10240xf32, #tpu.memory_space<vmem_shared>>
      tpu.enqueue_indirect_dma source(%dma_start3A_759 : memref<128xf32, #tpu.memory_space<vmem>>) target(%dma_start3A_764 : memref<10240xf32, #tpu.memory_space<vmem_shared>>) offsets(%dma_start3A_762 : memref<128xi32, #tpu.memory_space<vmem>>) semaphore(%arg18 : memref<!tpu.dma_semaphore, #tpu.memory_space<semaphore_mem>>) {add = true}
      %add3A_765 = arith.constant 2 : i32
      %add3A_766 = arith.addi %mul3A_728, %add3A_765 : i32
      %mul3A_767 = arith.constant 128 : i32
      %mul3A_768 = arith.muli %add3A_766, %mul3A_767 : i32
      %add3A_769 = arith.constant 2 : i32
      %add3A_770 = arith.addi %mul3A_728, %add3A_769 : i32
      %dma_start3A_771 = tpu.memref_slice %arg10[%mul3A_768] : memref<20480xf32, #tpu.memory_space<vmem>> -> memref<128xf32, #tpu.memory_space<vmem>>
      %dma_start3A_772 = arith.constant 0 : i32
      %dma_start3A_773 = tpu.memref_slice %arg8[%add3A_770, %dma_start3A_772] : memref<160x128xi32, #tpu.memory_space<vmem>> -> memref<1x128xi32, #tpu.memory_space<vmem>>
      %dma_start3A_774 = tpu.memref_squeeze %dma_start3A_773 : memref<1x128xi32, #tpu.memory_space<vmem>> -> memref<128xi32, #tpu.memory_space<vmem>>
      %dma_start3A_775 = arith.constant 0 : i32
      %dma_start3A_776 = tpu.memref_slice %arg20[%dma_start3A_775] : memref<10240xf32, #tpu.memory_space<vmem_shared>> -> memref<10240xf32, #tpu.memory_space<vmem_shared>>
      tpu.enqueue_indirect_dma source(%dma_start3A_771 : memref<128xf32, #tpu.memory_space<vmem>>) target(%dma_start3A_776 : memref<10240xf32, #tpu.memory_space<vmem_shared>>) offsets(%dma_start3A_774 : memref<128xi32, #tpu.memory_space<vmem>>) semaphore(%arg18 : memref<!tpu.dma_semaphore, #tpu.memory_space<semaphore_mem>>) {add = true}
      %add3A_777 = arith.constant 3 : i32
      %add3A_778 = arith.addi %mul3A_728, %add3A_777 : i32
      %mul3A_779 = arith.constant 128 : i32
      %mul3A_780 = arith.muli %add3A_778, %mul3A_779 : i32
      %add3A_781 = arith.constant 3 : i32
      %add3A_782 = arith.addi %mul3A_728, %add3A_781 : i32
      %dma_start3A_783 = tpu.memref_slice %arg10[%mul3A_780] : memref<20480xf32, #tpu.memory_space<vmem>> -> memref<128xf32, #tpu.memory_space<vmem>>
      %dma_start3A_784 = arith.constant 0 : i32
      %dma_start3A_785 = tpu.memref_slice %arg8[%add3A_782, %dma_start3A_784] : memref<160x128xi32, #tpu.memory_space<vmem>> -> memref<1x128xi32, #tpu.memory_space<vmem>>
      %dma_start3A_786 = tpu.memref_squeeze %dma_start3A_785 : memref<1x128xi32, #tpu.memory_space<vmem>> -> memref<128xi32, #tpu.memory_space<vmem>>
      %dma_start3A_787 = arith.constant 0 : i32
      %dma_start3A_788 = tpu.memref_slice %arg20[%dma_start3A_787] : memref<10240xf32, #tpu.memory_space<vmem_shared>> -> memref<10240xf32, #tpu.memory_space<vmem_shared>>
      tpu.enqueue_indirect_dma source(%dma_start3A_783 : memref<128xf32, #tpu.memory_space<vmem>>) target(%dma_start3A_788 : memref<10240xf32, #tpu.memory_space<vmem_shared>>) offsets(%dma_start3A_786 : memref<128xi32, #tpu.memory_space<vmem>>) semaphore(%arg18 : memref<!tpu.dma_semaphore, #tpu.memory_space<semaphore_mem>>) {add = true}
      %add3A_789 = arith.constant 4 : i32
      %add3A_790 = arith.addi %mul3A_728, %add3A_789 : i32
      %mul3A_791 = arith.constant 128 : i32
      %mul3A_792 = arith.muli %add3A_790, %mul3A_791 : i32
      %add3A_793 = arith.constant 4 : i32
      %add3A_794 = arith.addi %mul3A_728, %add3A_793 : i32
      %dma_start3A_795 = tpu.memref_slice %arg10[%mul3A_792] : memref<20480xf32, #tpu.memory_space<vmem>> -> memref<128xf32, #tpu.memory_space<vmem>>
      %dma_start3A_796 = arith.constant 0 : i32
      %dma_start3A_797 = tpu.memref_slice %arg8[%add3A_794, %dma_start3A_796] : memref<160x128xi32, #tpu.memory_space<vmem>> -> memref<1x128xi32, #tpu.memory_space<vmem>>
      %dma_start3A_798 = tpu.memref_squeeze %dma_start3A_797 : memref<1x128xi32, #tpu.memory_space<vmem>> -> memref<128xi32, #tpu.memory_space<vmem>>
      %dma_start3A_799 = arith.constant 0 : i32
      %dma_start3A_800 = tpu.memref_slice %arg20[%dma_start3A_799] : memref<10240xf32, #tpu.memory_space<vmem_shared>> -> memref<10240xf32, #tpu.memory_space<vmem_shared>>
      tpu.enqueue_indirect_dma source(%dma_start3A_795 : memref<128xf32, #tpu.memory_space<vmem>>) target(%dma_start3A_800 : memref<10240xf32, #tpu.memory_space<vmem_shared>>) offsets(%dma_start3A_798 : memref<128xi32, #tpu.memory_space<vmem>>) semaphore(%arg18 : memref<!tpu.dma_semaphore, #tpu.memory_space<semaphore_mem>>) {add = true}
      %add3A_801 = arith.constant 5 : i32
      %add3A_802 = arith.addi %mul3A_728, %add3A_801 : i32
      %mul3A_803 = arith.constant 128 : i32
      %mul3A_804 = arith.muli %add3A_802, %mul3A_803 : i32
      %add3A_805 = arith.constant 5 : i32
      %add3A_806 = arith.addi %mul3A_728, %add3A_805 : i32
      %dma_start3A_807 = tpu.memref_slice %arg10[%mul3A_804] : memref<20480xf32, #tpu.memory_space<vmem>> -> memref<128xf32, #tpu.memory_space<vmem>>
      %dma_start3A_808 = arith.constant 0 : i32
      %dma_start3A_809 = tpu.memref_slice %arg8[%add3A_806, %dma_start3A_808] : memref<160x128xi32, #tpu.memory_space<vmem>> -> memref<1x128xi32, #tpu.memory_space<vmem>>
      %dma_start3A_810 = tpu.memref_squeeze %dma_start3A_809 : memref<1x128xi32, #tpu.memory_space<vmem>> -> memref<128xi32, #tpu.memory_space<vmem>>
      %dma_start3A_811 = arith.constant 0 : i32
      %dma_start3A_812 = tpu.memref_slice %arg20[%dma_start3A_811] : memref<10240xf32, #tpu.memory_space<vmem_shared>> -> memref<10240xf32, #tpu.memory_space<vmem_shared>>
      tpu.enqueue_indirect_dma source(%dma_start3A_807 : memref<128xf32, #tpu.memory_space<vmem>>) target(%dma_start3A_812 : memref<10240xf32, #tpu.memory_space<vmem_shared>>) offsets(%dma_start3A_810 : memref<128xi32, #tpu.memory_space<vmem>>) semaphore(%arg18 : memref<!tpu.dma_semaphore, #tpu.memory_space<semaphore_mem>>) {add = true}
      %add3A_813 = arith.constant 6 : i32
      %add3A_814 = arith.addi %mul3A_728, %add3A_813 : i32
      %mul3A_815 = arith.constant 128 : i32
      %mul3A_816 = arith.muli %add3A_814, %mul3A_815 : i32
      %add3A_817 = arith.constant 6 : i32
      %add3A_818 = arith.addi %mul3A_728, %add3A_817 : i32
      %dma_start3A_819 = tpu.memref_slice %arg10[%mul3A_816] : memref<20480xf32, #tpu.memory_space<vmem>> -> memref<128xf32, #tpu.memory_space<vmem>>
      %dma_start3A_820 = arith.constant 0 : i32
      %dma_start3A_821 = tpu.memref_slice %arg8[%add3A_818, %dma_start3A_820] : memref<160x128xi32, #tpu.memory_space<vmem>> -> memref<1x128xi32, #tpu.memory_space<vmem>>
      %dma_start3A_822 = tpu.memref_squeeze %dma_start3A_821 : memref<1x128xi32, #tpu.memory_space<vmem>> -> memref<128xi32, #tpu.memory_space<vmem>>
      %dma_start3A_823 = arith.constant 0 : i32
      %dma_start3A_824 = tpu.memref_slice %arg20[%dma_start3A_823] : memref<10240xf32, #tpu.memory_space<vmem_shared>> -> memref<10240xf32, #tpu.memory_space<vmem_shared>>
      tpu.enqueue_indirect_dma source(%dma_start3A_819 : memref<128xf32, #tpu.memory_space<vmem>>) target(%dma_start3A_824 : memref<10240xf32, #tpu.memory_space<vmem_shared>>) offsets(%dma_start3A_822 : memref<128xi32, #tpu.memory_space<vmem>>) semaphore(%arg18 : memref<!tpu.dma_semaphore, #tpu.memory_space<semaphore_mem>>) {add = true}
      %add3A_825 = arith.constant 7 : i32
      %add3A_826 = arith.addi %mul3A_728, %add3A_825 : i32
      %mul3A_827 = arith.constant 128 : i32
      %mul3A_828 = arith.muli %add3A_826, %mul3A_827 : i32
      %add3A_829 = arith.constant 7 : i32
      %add3A_830 = arith.addi %mul3A_728, %add3A_829 : i32
      %dma_start3A_831 = tpu.memref_slice %arg10[%mul3A_828] : memref<20480xf32, #tpu.memory_space<vmem>> -> memref<128xf32, #tpu.memory_space<vmem>>
      %dma_start3A_832 = arith.constant 0 : i32
      %dma_start3A_833 = tpu.memref_slice %arg8[%add3A_830, %dma_start3A_832] : memref<160x128xi32, #tpu.memory_space<vmem>> -> memref<1x128xi32, #tpu.memory_space<vmem>>
      %dma_start3A_834 = tpu.memref_squeeze %dma_start3A_833 : memref<1x128xi32, #tpu.memory_space<vmem>> -> memref<128xi32, #tpu.memory_space<vmem>>
      %dma_start3A_835 = arith.constant 0 : i32
      %dma_start3A_836 = tpu.memref_slice %arg20[%dma_start3A_835] : memref<10240xf32, #tpu.memory_space<vmem_shared>> -> memref<10240xf32, #tpu.memory_space<vmem_shared>>
      tpu.enqueue_indirect_dma source(%dma_start3A_831 : memref<128xf32, #tpu.memory_space<vmem>>) target(%dma_start3A_836 : memref<10240xf32, #tpu.memory_space<vmem_shared>>) offsets(%dma_start3A_834 : memref<128xi32, #tpu.memory_space<vmem>>) semaphore(%arg18 : memref<!tpu.dma_semaphore, #tpu.memory_space<semaphore_mem>>) {add = true}
      %gt3A = arith.constant 0 : i32
      %gt3A_837 = arith.cmpi sgt, %scan3A_725, %gt3A : i32
      %convert_element_type3A = arith.extui %gt3A_837 : i1 to i32
      %cond3A = arith.constant 0 : i32
      %cond3A_838 = arith.cmpi ne, %convert_element_type3A, %cond3A : i32
      scf.if %cond3A_838 {
        %sub3A = arith.constant 8 : i32
        %sub3A_840 = arith.subi %mul3A_728, %sub3A : i32
        %add3A_841 = arith.constant 0 : i32
        %add3A_842 = arith.addi %sub3A_840, %add3A_841 : i32
        %mul3A_843 = arith.constant 128 : i32
        %mul3A_844 = arith.muli %add3A_842, %mul3A_843 : i32
        %dma_wait3A_845 = tpu.memref_slice %arg10[%mul3A_844] : memref<20480xf32, #tpu.memory_space<vmem>> -> memref<128xf32, #tpu.memory_space<vmem>>
        %dma_wait3A_846 = arith.constant 0 : i32
        %dma_wait3A_847 = tpu.memref_slice %arg8[%add3A_842, %dma_wait3A_846] : memref<160x128xi32, #tpu.memory_space<vmem>> -> memref<1x128xi32, #tpu.memory_space<vmem>>
        %dma_wait3A_848 = tpu.memref_squeeze %dma_wait3A_847 : memref<1x128xi32, #tpu.memory_space<vmem>> -> memref<128xi32, #tpu.memory_space<vmem>>
        %dma_wait3A_849 = arith.constant 0 : i32
        %dma_wait3A_850 = tpu.memref_slice %arg20[%dma_wait3A_849] : memref<10240xf32, #tpu.memory_space<vmem_shared>> -> memref<10240xf32, #tpu.memory_space<vmem_shared>>
        tpu.wait_indirect_dma semaphore(%arg18 : memref<!tpu.dma_semaphore, #tpu.memory_space<semaphore_mem>>) src(%dma_wait3A_845 : memref<128xf32, #tpu.memory_space<vmem>>) dst(%dma_wait3A_850 : memref<10240xf32, #tpu.memory_space<vmem_shared>>)
        %sub3A_851 = arith.constant 8 : i32
        %sub3A_852 = arith.subi %mul3A_728, %sub3A_851 : i32
        %add3A_853 = arith.constant 1 : i32
        %add3A_854 = arith.addi %sub3A_852, %add3A_853 : i32
        %mul3A_855 = arith.constant 128 : i32
        %mul3A_856 = arith.muli %add3A_854, %mul3A_855 : i32
        %dma_wait3A_857 = tpu.memref_slice %arg10[%mul3A_856] : memref<20480xf32, #tpu.memory_space<vmem>> -> memref<128xf32, #tpu.memory_space<vmem>>
        %dma_wait3A_858 = arith.constant 0 : i32
        %dma_wait3A_859 = tpu.memref_slice %arg8[%add3A_854, %dma_wait3A_858] : memref<160x128xi32, #tpu.memory_space<vmem>> -> memref<1x128xi32, #tpu.memory_space<vmem>>
        %dma_wait3A_860 = tpu.memref_squeeze %dma_wait3A_859 : memref<1x128xi32, #tpu.memory_space<vmem>> -> memref<128xi32, #tpu.memory_space<vmem>>
        %dma_wait3A_861 = arith.constant 0 : i32
        %dma_wait3A_862 = tpu.memref_slice %arg20[%dma_wait3A_861] : memref<10240xf32, #tpu.memory_space<vmem_shared>> -> memref<10240xf32, #tpu.memory_space<vmem_shared>>
        tpu.wait_indirect_dma semaphore(%arg18 : memref<!tpu.dma_semaphore, #tpu.memory_space<semaphore_mem>>) src(%dma_wait3A_857 : memref<128xf32, #tpu.memory_space<vmem>>) dst(%dma_wait3A_862 : memref<10240xf32, #tpu.memory_space<vmem_shared>>)
        %sub3A_863 = arith.constant 8 : i32
        %sub3A_864 = arith.subi %mul3A_728, %sub3A_863 : i32
        %add3A_865 = arith.constant 2 : i32
        %add3A_866 = arith.addi %sub3A_864, %add3A_865 : i32
        %mul3A_867 = arith.constant 128 : i32
        %mul3A_868 = arith.muli %add3A_866, %mul3A_867 : i32
        %dma_wait3A_869 = tpu.memref_slice %arg10[%mul3A_868] : memref<20480xf32, #tpu.memory_space<vmem>> -> memref<128xf32, #tpu.memory_space<vmem>>
        %dma_wait3A_870 = arith.constant 0 : i32
        %dma_wait3A_871 = tpu.memref_slice %arg8[%add3A_866, %dma_wait3A_870] : memref<160x128xi32, #tpu.memory_space<vmem>> -> memref<1x128xi32, #tpu.memory_space<vmem>>
        %dma_wait3A_872 = tpu.memref_squeeze %dma_wait3A_871 : memref<1x128xi32, #tpu.memory_space<vmem>> -> memref<128xi32, #tpu.memory_space<vmem>>
        %dma_wait3A_873 = arith.constant 0 : i32
        %dma_wait3A_874 = tpu.memref_slice %arg20[%dma_wait3A_873] : memref<10240xf32, #tpu.memory_space<vmem_shared>> -> memref<10240xf32, #tpu.memory_space<vmem_shared>>
        tpu.wait_indirect_dma semaphore(%arg18 : memref<!tpu.dma_semaphore, #tpu.memory_space<semaphore_mem>>) src(%dma_wait3A_869 : memref<128xf32, #tpu.memory_space<vmem>>) dst(%dma_wait3A_874 : memref<10240xf32, #tpu.memory_space<vmem_shared>>)
        %sub3A_875 = arith.constant 8 : i32
        %sub3A_876 = arith.subi %mul3A_728, %sub3A_875 : i32
        %add3A_877 = arith.constant 3 : i32
        %add3A_878 = arith.addi %sub3A_876, %add3A_877 : i32
        %mul3A_879 = arith.constant 128 : i32
        %mul3A_880 = arith.muli %add3A_878, %mul3A_879 : i32
        %dma_wait3A_881 = tpu.memref_slice %arg10[%mul3A_880] : memref<20480xf32, #tpu.memory_space<vmem>> -> memref<128xf32, #tpu.memory_space<vmem>>
        %dma_wait3A_882 = arith.constant 0 : i32
        %dma_wait3A_883 = tpu.memref_slice %arg8[%add3A_878, %dma_wait3A_882] : memref<160x128xi32, #tpu.memory_space<vmem>> -> memref<1x128xi32, #tpu.memory_space<vmem>>
        %dma_wait3A_884 = tpu.memref_squeeze %dma_wait3A_883 : memref<1x128xi32, #tpu.memory_space<vmem>> -> memref<128xi32, #tpu.memory_space<vmem>>
        %dma_wait3A_885 = arith.constant 0 : i32
        %dma_wait3A_886 = tpu.memref_slice %arg20[%dma_wait3A_885] : memref<10240xf32, #tpu.memory_space<vmem_shared>> -> memref<10240xf32, #tpu.memory_space<vmem_shared>>
        tpu.wait_indirect_dma semaphore(%arg18 : memref<!tpu.dma_semaphore, #tpu.memory_space<semaphore_mem>>) src(%dma_wait3A_881 : memref<128xf32, #tpu.memory_space<vmem>>) dst(%dma_wait3A_886 : memref<10240xf32, #tpu.memory_space<vmem_shared>>)
        %sub3A_887 = arith.constant 8 : i32
        %sub3A_888 = arith.subi %mul3A_728, %sub3A_887 : i32
        %add3A_889 = arith.constant 4 : i32
        %add3A_890 = arith.addi %sub3A_888, %add3A_889 : i32
        %mul3A_891 = arith.constant 128 : i32
        %mul3A_892 = arith.muli %add3A_890, %mul3A_891 : i32
        %dma_wait3A_893 = tpu.memref_slice %arg10[%mul3A_892] : memref<20480xf32, #tpu.memory_space<vmem>> -> memref<128xf32, #tpu.memory_space<vmem>>
        %dma_wait3A_894 = arith.constant 0 : i32
        %dma_wait3A_895 = tpu.memref_slice %arg8[%add3A_890, %dma_wait3A_894] : memref<160x128xi32, #tpu.memory_space<vmem>> -> memref<1x128xi32, #tpu.memory_space<vmem>>
        %dma_wait3A_896 = tpu.memref_squeeze %dma_wait3A_895 : memref<1x128xi32, #tpu.memory_space<vmem>> -> memref<128xi32, #tpu.memory_space<vmem>>
        %dma_wait3A_897 = arith.constant 0 : i32
        %dma_wait3A_898 = tpu.memref_slice %arg20[%dma_wait3A_897] : memref<10240xf32, #tpu.memory_space<vmem_shared>> -> memref<10240xf32, #tpu.memory_space<vmem_shared>>
        tpu.wait_indirect_dma semaphore(%arg18 : memref<!tpu.dma_semaphore, #tpu.memory_space<semaphore_mem>>) src(%dma_wait3A_893 : memref<128xf32, #tpu.memory_space<vmem>>) dst(%dma_wait3A_898 : memref<10240xf32, #tpu.memory_space<vmem_shared>>)
        %sub3A_899 = arith.constant 8 : i32
        %sub3A_900 = arith.subi %mul3A_728, %sub3A_899 : i32
        %add3A_901 = arith.constant 5 : i32
        %add3A_902 = arith.addi %sub3A_900, %add3A_901 : i32
        %mul3A_903 = arith.constant 128 : i32
        %mul3A_904 = arith.muli %add3A_902, %mul3A_903 : i32
        %dma_wait3A_905 = tpu.memref_slice %arg10[%mul3A_904] : memref<20480xf32, #tpu.memory_space<vmem>> -> memref<128xf32, #tpu.memory_space<vmem>>
        %dma_wait3A_906 = arith.constant 0 : i32
        %dma_wait3A_907 = tpu.memref_slice %arg8[%add3A_902, %dma_wait3A_906] : memref<160x128xi32, #tpu.memory_space<vmem>> -> memref<1x128xi32, #tpu.memory_space<vmem>>
        %dma_wait3A_908 = tpu.memref_squeeze %dma_wait3A_907 : memref<1x128xi32, #tpu.memory_space<vmem>> -> memref<128xi32, #tpu.memory_space<vmem>>
        %dma_wait3A_909 = arith.constant 0 : i32
        %dma_wait3A_910 = tpu.memref_slice %arg20[%dma_wait3A_909] : memref<10240xf32, #tpu.memory_space<vmem_shared>> -> memref<10240xf32, #tpu.memory_space<vmem_shared>>
        tpu.wait_indirect_dma semaphore(%arg18 : memref<!tpu.dma_semaphore, #tpu.memory_space<semaphore_mem>>) src(%dma_wait3A_905 : memref<128xf32, #tpu.memory_space<vmem>>) dst(%dma_wait3A_910 : memref<10240xf32, #tpu.memory_space<vmem_shared>>)
        %sub3A_911 = arith.constant 8 : i32
        %sub3A_912 = arith.subi %mul3A_728, %sub3A_911 : i32
        %add3A_913 = arith.constant 6 : i32
        %add3A_914 = arith.addi %sub3A_912, %add3A_913 : i32
        %mul3A_915 = arith.constant 128 : i32
        %mul3A_916 = arith.muli %add3A_914, %mul3A_915 : i32
        %dma_wait3A_917 = tpu.memref_slice %arg10[%mul3A_916] : memref<20480xf32, #tpu.memory_space<vmem>> -> memref<128xf32, #tpu.memory_space<vmem>>
        %dma_wait3A_918 = arith.constant 0 : i32
        %dma_wait3A_919 = tpu.memref_slice %arg8[%add3A_914, %dma_wait3A_918] : memref<160x128xi32, #tpu.memory_space<vmem>> -> memref<1x128xi32, #tpu.memory_space<vmem>>
        %dma_wait3A_920 = tpu.memref_squeeze %dma_wait3A_919 : memref<1x128xi32, #tpu.memory_space<vmem>> -> memref<128xi32, #tpu.memory_space<vmem>>
        %dma_wait3A_921 = arith.constant 0 : i32
        %dma_wait3A_922 = tpu.memref_slice %arg20[%dma_wait3A_921] : memref<10240xf32, #tpu.memory_space<vmem_shared>> -> memref<10240xf32, #tpu.memory_space<vmem_shared>>
        tpu.wait_indirect_dma semaphore(%arg18 : memref<!tpu.dma_semaphore, #tpu.memory_space<semaphore_mem>>) src(%dma_wait3A_917 : memref<128xf32, #tpu.memory_space<vmem>>) dst(%dma_wait3A_922 : memref<10240xf32, #tpu.memory_space<vmem_shared>>)
        %sub3A_923 = arith.constant 8 : i32
        %sub3A_924 = arith.subi %mul3A_728, %sub3A_923 : i32
        %add3A_925 = arith.constant 7 : i32
        %add3A_926 = arith.addi %sub3A_924, %add3A_925 : i32
        %mul3A_927 = arith.constant 128 : i32
        %mul3A_928 = arith.muli %add3A_926, %mul3A_927 : i32
        %dma_wait3A_929 = tpu.memref_slice %arg10[%mul3A_928] : memref<20480xf32, #tpu.memory_space<vmem>> -> memref<128xf32, #tpu.memory_space<vmem>>
        %dma_wait3A_930 = arith.constant 0 : i32
        %dma_wait3A_931 = tpu.memref_slice %arg8[%add3A_926, %dma_wait3A_930] : memref<160x128xi32, #tpu.memory_space<vmem>> -> memref<1x128xi32, #tpu.memory_space<vmem>>
        %dma_wait3A_932 = tpu.memref_squeeze %dma_wait3A_931 : memref<1x128xi32, #tpu.memory_space<vmem>> -> memref<128xi32, #tpu.memory_space<vmem>>
        %dma_wait3A_933 = arith.constant 0 : i32
        %dma_wait3A_934 = tpu.memref_slice %arg20[%dma_wait3A_933] : memref<10240xf32, #tpu.memory_space<vmem_shared>> -> memref<10240xf32, #tpu.memory_space<vmem_shared>>
        tpu.wait_indirect_dma semaphore(%arg18 : memref<!tpu.dma_semaphore, #tpu.memory_space<semaphore_mem>>) src(%dma_wait3A_929 : memref<128xf32, #tpu.memory_space<vmem>>) dst(%dma_wait3A_934 : memref<10240xf32, #tpu.memory_space<vmem_shared>>)
      } else {
      }
      %scan3A_839 = arith.constant 0 : i32
      scf.yield %scan3A_839 : i32
    }
    %scan3A_652 = arith.constant 20 : i32
    %dma_wait3A_653 = arith.constant 152 : i32
    %dma_wait3A_654 = arith.constant 19456 : i32
    %dma_wait3A_655 = tpu.memref_slice %arg10[%dma_wait3A_654] : memref<20480xf32, #tpu.memory_space<vmem>> -> memref<128xf32, #tpu.memory_space<vmem>>
    %dma_wait3A_656 = arith.constant 0 : i32
    %dma_wait3A_657 = tpu.memref_slice %arg8[%dma_wait3A_653, %dma_wait3A_656] : memref<160x128xi32, #tpu.memory_space<vmem>> -> memref<1x128xi32, #tpu.memory_space<vmem>>
    %dma_wait3A_658 = tpu.memref_squeeze %dma_wait3A_657 : memref<1x128xi32, #tpu.memory_space<vmem>> -> memref<128xi32, #tpu.memory_space<vmem>>
    %dma_wait3A_659 = arith.constant 0 : i32
    %dma_wait3A_660 = tpu.memref_slice %arg20[%dma_wait3A_659] : memref<10240xf32, #tpu.memory_space<vmem_shared>> -> memref<10240xf32, #tpu.memory_space<vmem_shared>>
    tpu.wait_indirect_dma semaphore(%arg18 : memref<!tpu.dma_semaphore, #tpu.memory_space<semaphore_mem>>) src(%dma_wait3A_655 : memref<128xf32, #tpu.memory_space<vmem>>) dst(%dma_wait3A_660 : memref<10240xf32, #tpu.memory_space<vmem_shared>>)
    %dma_wait3A_661 = arith.constant 153 : i32
    %dma_wait3A_662 = arith.constant 19584 : i32
    %dma_wait3A_663 = tpu.memref_slice %arg10[%dma_wait3A_662] : memref<20480xf32, #tpu.memory_space<vmem>> -> memref<128xf32, #tpu.memory_space<vmem>>
    %dma_wait3A_664 = arith.constant 0 : i32
    %dma_wait3A_665 = tpu.memref_slice %arg8[%dma_wait3A_661, %dma_wait3A_664] : memref<160x128xi32, #tpu.memory_space<vmem>> -> memref<1x128xi32, #tpu.memory_space<vmem>>
    %dma_wait3A_666 = tpu.memref_squeeze %dma_wait3A_665 : memref<1x128xi32, #tpu.memory_space<vmem>> -> memref<128xi32, #tpu.memory_space<vmem>>
    %dma_wait3A_667 = arith.constant 0 : i32
    %dma_wait3A_668 = tpu.memref_slice %arg20[%dma_wait3A_667] : memref<10240xf32, #tpu.memory_space<vmem_shared>> -> memref<10240xf32, #tpu.memory_space<vmem_shared>>
    tpu.wait_indirect_dma semaphore(%arg18 : memref<!tpu.dma_semaphore, #tpu.memory_space<semaphore_mem>>) src(%dma_wait3A_663 : memref<128xf32, #tpu.memory_space<vmem>>) dst(%dma_wait3A_668 : memref<10240xf32, #tpu.memory_space<vmem_shared>>)
    %dma_wait3A_669 = arith.constant 154 : i32
    %dma_wait3A_670 = arith.constant 19712 : i32
    %dma_wait3A_671 = tpu.memref_slice %arg10[%dma_wait3A_670] : memref<20480xf32, #tpu.memory_space<vmem>> -> memref<128xf32, #tpu.memory_space<vmem>>
    %dma_wait3A_672 = arith.constant 0 : i32
    %dma_wait3A_673 = tpu.memref_slice %arg8[%dma_wait3A_669, %dma_wait3A_672] : memref<160x128xi32, #tpu.memory_space<vmem>> -> memref<1x128xi32, #tpu.memory_space<vmem>>
    %dma_wait3A_674 = tpu.memref_squeeze %dma_wait3A_673 : memref<1x128xi32, #tpu.memory_space<vmem>> -> memref<128xi32, #tpu.memory_space<vmem>>
    %dma_wait3A_675 = arith.constant 0 : i32
    %dma_wait3A_676 = tpu.memref_slice %arg20[%dma_wait3A_675] : memref<10240xf32, #tpu.memory_space<vmem_shared>> -> memref<10240xf32, #tpu.memory_space<vmem_shared>>
    tpu.wait_indirect_dma semaphore(%arg18 : memref<!tpu.dma_semaphore, #tpu.memory_space<semaphore_mem>>) src(%dma_wait3A_671 : memref<128xf32, #tpu.memory_space<vmem>>) dst(%dma_wait3A_676 : memref<10240xf32, #tpu.memory_space<vmem_shared>>)
    %dma_wait3A_677 = arith.constant 155 : i32
    %dma_wait3A_678 = arith.constant 19840 : i32
    %dma_wait3A_679 = tpu.memref_slice %arg10[%dma_wait3A_678] : memref<20480xf32, #tpu.memory_space<vmem>> -> memref<128xf32, #tpu.memory_space<vmem>>
    %dma_wait3A_680 = arith.constant 0 : i32
    %dma_wait3A_681 = tpu.memref_slice %arg8[%dma_wait3A_677, %dma_wait3A_680] : memref<160x128xi32, #tpu.memory_space<vmem>> -> memref<1x128xi32, #tpu.memory_space<vmem>>
    %dma_wait3A_682 = tpu.memref_squeeze %dma_wait3A_681 : memref<1x128xi32, #tpu.memory_space<vmem>> -> memref<128xi32, #tpu.memory_space<vmem>>
    %dma_wait3A_683 = arith.constant 0 : i32
    %dma_wait3A_684 = tpu.memref_slice %arg20[%dma_wait3A_683] : memref<10240xf32, #tpu.memory_space<vmem_shared>> -> memref<10240xf32, #tpu.memory_space<vmem_shared>>
    tpu.wait_indirect_dma semaphore(%arg18 : memref<!tpu.dma_semaphore, #tpu.memory_space<semaphore_mem>>) src(%dma_wait3A_679 : memref<128xf32, #tpu.memory_space<vmem>>) dst(%dma_wait3A_684 : memref<10240xf32, #tpu.memory_space<vmem_shared>>)
    %dma_wait3A_685 = arith.constant 156 : i32
    %dma_wait3A_686 = arith.constant 19968 : i32
    %dma_wait3A_687 = tpu.memref_slice %arg10[%dma_wait3A_686] : memref<20480xf32, #tpu.memory_space<vmem>> -> memref<128xf32, #tpu.memory_space<vmem>>
    %dma_wait3A_688 = arith.constant 0 : i32
    %dma_wait3A_689 = tpu.memref_slice %arg8[%dma_wait3A_685, %dma_wait3A_688] : memref<160x128xi32, #tpu.memory_space<vmem>> -> memref<1x128xi32, #tpu.memory_space<vmem>>
    %dma_wait3A_690 = tpu.memref_squeeze %dma_wait3A_689 : memref<1x128xi32, #tpu.memory_space<vmem>> -> memref<128xi32, #tpu.memory_space<vmem>>
    %dma_wait3A_691 = arith.constant 0 : i32
    %dma_wait3A_692 = tpu.memref_slice %arg20[%dma_wait3A_691] : memref<10240xf32, #tpu.memory_space<vmem_shared>> -> memref<10240xf32, #tpu.memory_space<vmem_shared>>
    tpu.wait_indirect_dma semaphore(%arg18 : memref<!tpu.dma_semaphore, #tpu.memory_space<semaphore_mem>>) src(%dma_wait3A_687 : memref<128xf32, #tpu.memory_space<vmem>>) dst(%dma_wait3A_692 : memref<10240xf32, #tpu.memory_space<vmem_shared>>)
    %dma_wait3A_693 = arith.constant 157 : i32
    %dma_wait3A_694 = arith.constant 20096 : i32
    %dma_wait3A_695 = tpu.memref_slice %arg10[%dma_wait3A_694] : memref<20480xf32, #tpu.memory_space<vmem>> -> memref<128xf32, #tpu.memory_space<vmem>>
    %dma_wait3A_696 = arith.constant 0 : i32
    %dma_wait3A_697 = tpu.memref_slice %arg8[%dma_wait3A_693, %dma_wait3A_696] : memref<160x128xi32, #tpu.memory_space<vmem>> -> memref<1x128xi32, #tpu.memory_space<vmem>>
    %dma_wait3A_698 = tpu.memref_squeeze %dma_wait3A_697 : memref<1x128xi32, #tpu.memory_space<vmem>> -> memref<128xi32, #tpu.memory_space<vmem>>
    %dma_wait3A_699 = arith.constant 0 : i32
    %dma_wait3A_700 = tpu.memref_slice %arg20[%dma_wait3A_699] : memref<10240xf32, #tpu.memory_space<vmem_shared>> -> memref<10240xf32, #tpu.memory_space<vmem_shared>>
    tpu.wait_indirect_dma semaphore(%arg18 : memref<!tpu.dma_semaphore, #tpu.memory_space<semaphore_mem>>) src(%dma_wait3A_695 : memref<128xf32, #tpu.memory_space<vmem>>) dst(%dma_wait3A_700 : memref<10240xf32, #tpu.memory_space<vmem_shared>>)
    %dma_wait3A_701 = arith.constant 158 : i32
    %dma_wait3A_702 = arith.constant 20224 : i32
    %dma_wait3A_703 = tpu.memref_slice %arg10[%dma_wait3A_702] : memref<20480xf32, #tpu.memory_space<vmem>> -> memref<128xf32, #tpu.memory_space<vmem>>
    %dma_wait3A_704 = arith.constant 0 : i32
    %dma_wait3A_705 = tpu.memref_slice %arg8[%dma_wait3A_701, %dma_wait3A_704] : memref<160x128xi32, #tpu.memory_space<vmem>> -> memref<1x128xi32, #tpu.memory_space<vmem>>
    %dma_wait3A_706 = tpu.memref_squeeze %dma_wait3A_705 : memref<1x128xi32, #tpu.memory_space<vmem>> -> memref<128xi32, #tpu.memory_space<vmem>>
    %dma_wait3A_707 = arith.constant 0 : i32
    %dma_wait3A_708 = tpu.memref_slice %arg20[%dma_wait3A_707] : memref<10240xf32, #tpu.memory_space<vmem_shared>> -> memref<10240xf32, #tpu.memory_space<vmem_shared>>
    tpu.wait_indirect_dma semaphore(%arg18 : memref<!tpu.dma_semaphore, #tpu.memory_space<semaphore_mem>>) src(%dma_wait3A_703 : memref<128xf32, #tpu.memory_space<vmem>>) dst(%dma_wait3A_708 : memref<10240xf32, #tpu.memory_space<vmem_shared>>)
    %dma_wait3A_709 = arith.constant 159 : i32
    %dma_wait3A_710 = arith.constant 20352 : i32
    %dma_wait3A_711 = tpu.memref_slice %arg10[%dma_wait3A_710] : memref<20480xf32, #tpu.memory_space<vmem>> -> memref<128xf32, #tpu.memory_space<vmem>>
    %dma_wait3A_712 = arith.constant 0 : i32
    %dma_wait3A_713 = tpu.memref_slice %arg8[%dma_wait3A_709, %dma_wait3A_712] : memref<160x128xi32, #tpu.memory_space<vmem>> -> memref<1x128xi32, #tpu.memory_space<vmem>>
    %dma_wait3A_714 = tpu.memref_squeeze %dma_wait3A_713 : memref<1x128xi32, #tpu.memory_space<vmem>> -> memref<128xi32, #tpu.memory_space<vmem>>
    %dma_wait3A_715 = arith.constant 0 : i32
    %dma_wait3A_716 = tpu.memref_slice %arg20[%dma_wait3A_715] : memref<10240xf32, #tpu.memory_space<vmem_shared>> -> memref<10240xf32, #tpu.memory_space<vmem_shared>>
    tpu.wait_indirect_dma semaphore(%arg18 : memref<!tpu.dma_semaphore, #tpu.memory_space<semaphore_mem>>) src(%dma_wait3A_711 : memref<128xf32, #tpu.memory_space<vmem>>) dst(%dma_wait3A_716 : memref<10240xf32, #tpu.memory_space<vmem_shared>>)
    %barrier3A_717 = arith.constant 0 : index
    tpu.barrier barrier_id(%barrier3A_717)
    "tpu.region"() ({
      %run_scoped3A = tpu.sem_alloc : memref<!tpu.dma_semaphore, #tpu.memory_space<semaphore_mem>>
      %dma_start3A_725 = tpu.memref_slice %arg20[%mul3A_2] : memref<10240xf32, #tpu.memory_space<vmem_shared>> -> memref<640xf32, #tpu.memory_space<vmem_shared>>
      %dma_start3A_726 = tpu.memref_slice %arg20[%mul3A_2] : memref<10240xf32, #tpu.memory_space<vmem_shared>> -> memref<640xf32, #tpu.memory_space<vmem_shared>>
      tpu.enqueue_dma source(%dma_start3A_726 : memref<640xf32, #tpu.memory_space<vmem_shared>>) target(%arg16 : memref<640xf32, #tpu.memory_space<vmem>>) target_semaphore(%run_scoped3A : memref<!tpu.dma_semaphore, #tpu.memory_space<semaphore_mem>>)
      %dma_wait3A_727 = tpu.memref_slice %arg20[%mul3A_2] : memref<10240xf32, #tpu.memory_space<vmem_shared>> -> memref<640xf32, #tpu.memory_space<vmem_shared>>
      %dma_wait3A_728 = tpu.memref_slice %arg20[%mul3A_2] : memref<10240xf32, #tpu.memory_space<vmem_shared>> -> memref<640xf32, #tpu.memory_space<vmem_shared>>
      tpu.wait_dma2 semaphore(%run_scoped3A : memref<!tpu.dma_semaphore, #tpu.memory_space<semaphore_mem>>) src(%dma_wait3A_728 : memref<640xf32, #tpu.memory_space<vmem_shared>>) dst(%arg16 : memref<640xf32, #tpu.memory_space<vmem>>)
      tpu.yield
    }) : () -> ()
    %scan3A_718 = arith.constant 0 : i32
    %scan3A_719 = arith.constant 0 : i32
    %scan3A_720 = arith.constant 40 : i32
    %scan3A_721 = arith.addi %scan3A_719, %scan3A_720 : i32
    %scan3A_722 = arith.constant 1 : i32
    %scan3A_723 = scf.for %scan3A_725 = %scan3A_719 to %scan3A_721 step %scan3A_722 iter_args(%scan3A_726 = %scan3A_718) -> (i32)  : i32 {
      %mul3A_727 = arith.constant 16 : i32
      %mul3A_728 = arith.muli %scan3A_725, %mul3A_727 : i32
      %get3A_729 = arith.index_cast %mul3A_728 : i32 to index
      %get3A_730 = tpu.vector_load %arg14[%get3A_729] {strides = array<i32>} : memref<640xf32, #tpu.memory_space<vmem>>, vector<16xf32>,
      %get3A_731 = arith.index_cast %mul3A_728 : i32 to index
      %get3A_732 = tpu.vector_load %arg16[%get3A_731] {strides = array<i32>} : memref<640xf32, #tpu.memory_space<vmem>>, vector<16xf32>,
      %mul3A_733 = arith.mulf %get3A_730, %get3A_732 : vector<16xf32>
      %swap3A_734 = arith.index_cast %mul3A_728 : i32 to index
      %swap3A_735 = tpu.vector_load %arg17[%swap3A_734] {strides = array<i32>} : memref<640xf32, #tpu.memory_space<vmem>>, vector<16xf32>,
      tpu.vector_store %arg17[%swap3A_734], %mul3A_733 {strides = array<i32>} : memref<640xf32, #tpu.memory_space<vmem>>, vector<16xf32>,
      %scan3A_736 = arith.constant 0 : i32
      scf.yield %scan3A_736 : i32
    }
    %scan3A_724 = arith.constant 40 : i32
    "tpu.region"() ({
      %run_scoped3A = tpu.sem_alloc : memref<!tpu.dma_semaphore, #tpu.memory_space<semaphore_mem>>
      %dma_start3A_725 = tpu.memref_slice %arg5[%mul3A_2] : memref<10240xf32, #tpu.memory_space<hbm>> -> memref<640xf32, #tpu.memory_space<hbm>>
      %dma_start3A_726 = tpu.memref_slice %arg5[%mul3A_2] : memref<10240xf32, #tpu.memory_space<hbm>> -> memref<640xf32, #tpu.memory_space<hbm>>
      tpu.enqueue_dma source(%arg17 : memref<640xf32, #tpu.memory_space<vmem>>) target(%dma_start3A_726 : memref<640xf32, #tpu.memory_space<hbm>>) target_semaphore(%run_scoped3A : memref<!tpu.dma_semaphore, #tpu.memory_space<semaphore_mem>>)
      %dma_wait3A_727 = tpu.memref_slice %arg5[%mul3A_2] : memref<10240xf32, #tpu.memory_space<hbm>> -> memref<640xf32, #tpu.memory_space<hbm>>
      %dma_wait3A_728 = tpu.memref_slice %arg5[%mul3A_2] : memref<10240xf32, #tpu.memory_space<hbm>> -> memref<640xf32, #tpu.memory_space<hbm>>
      tpu.wait_dma2 semaphore(%run_scoped3A : memref<!tpu.dma_semaphore, #tpu.memory_space<semaphore_mem>>) src(%arg17 : memref<640xf32, #tpu.memory_space<vmem>>) dst(%dma_wait3A_728 : memref<640xf32, #tpu.memory_space<hbm>>)
      tpu.yield
    }) : () -> ()
    return
  }
}

module attributes {stable_mosaic.version = 14 : i64} {
  func.func @_tc_body(%arg0: memref<10000x128xf32, #tpu.memory_space<vmem>>, %arg1: memref<10000x1xf32, #tpu.memory_space<vmem>>, %arg2: memref<80x128xf32, #tpu.memory_space<vmem>>, %arg3: memref<128x256xf32, #tpu.memory_space<vmem>>, %arg4: memref<1x256xf32, #tpu.memory_space<vmem>>, %arg5: memref<256x128xf32, #tpu.memory_space<vmem>>, %arg6: memref<1x128xf32, #tpu.memory_space<vmem>>, %arg7: memref<128x64xf32, #tpu.memory_space<vmem>>, %arg8: memref<1x64xf32, #tpu.memory_space<vmem>>, %arg9: memref<1x64xf32, #tpu.memory_space<vmem>>) attributes {dimension_semantics = [], scalar_prefetch = 0 : i64, scratch_operands = 0 : i64, tpu.core_type = #tpu.core_type<tc>} {
    %get3A = arith.constant 0 : index
    %get3A_0 = arith.constant 0 : index
    %get3A_1 = vector.load %arg0[%get3A, %get3A_0] : memref<10000x128xf32, #tpu.memory_space<vmem>>, vector<10000x128xf32>
    %get3A_2 = arith.constant 0 : index
    %get3A_3 = arith.constant 0 : index
    %get3A_4 = vector.load %arg1[%get3A_2, %get3A_3] : memref<10000x1xf32, #tpu.memory_space<vmem>>, vector<10000x1xf32>
    %mul3A = vector.broadcast %get3A_4 : vector<10000x1xf32> to vector<10000x128xf32>
    %mul3A_5 = arith.mulf %get3A_1, %mul3A : vector<10000x128xf32>
    %reduce_sum3A = arith.constant dense<0.000000e+00> : vector<128xf32>
    %reduce_sum3A_6 = vector.multi_reduction <add>, %mul3A_5, %reduce_sum3A [0] : vector<10000x128xf32> to vector<128xf32>
    %broadcast_in_dim3A = vector.shape_cast %reduce_sum3A_6 : vector<128xf32> to vector<1x128xf32>
    %get3A_7 = arith.constant 0 : index
    %get3A_8 = arith.constant 0 : index
    %get3A_9 = vector.load %arg2[%get3A_7, %get3A_8] : memref<80x128xf32, #tpu.memory_space<vmem>>, vector<80x128xf32>
    %reduce_sum3A_10 = vector.shape_cast %get3A_9 : vector<80x128xf32> to vector<1x80x128xf32>
    %reduce_sum3A_11 = arith.constant dense<0.000000e+00> : vector<1xf32>
    %reduce_sum3A_12 = vector.multi_reduction <add>, %reduce_sum3A_10, %reduce_sum3A_11 [1, 2] : vector<1x80x128xf32> to vector<1xf32>
    %reduce_sum3A_13 = vector.shape_cast %reduce_sum3A_12 : vector<1xf32> to vector<1x1x1xf32>
    %reduce_sum3A_14 = vector.extract %reduce_sum3A_13[0, 0, 0] : f32 from vector<1x1x1xf32>
    %get3A_15 = arith.constant 0 : index
    %get3A_16 = arith.constant 0 : index
    %get3A_17 = vector.load %arg3[%get3A_15, %get3A_16] : memref<128x256xf32, #tpu.memory_space<vmem>>, vector<128x256xf32>
    %dot_general3A = arith.constant dense<0.000000e+00> : vector<1x256xf32>
    %dot_general3A_18 = tpu.matmul %broadcast_in_dim3A, %get3A_17, %dot_general3A {dimension_numbers = #tpu.dot_dimension_numbers<[1], [0], [0], [1], [0, 0, 1, 1], [], []>, precision = #tpu.contract_precision<fp32>, transpose_lhs_hint = false} : vector<1x128xf32>, vector<128x256xf32>, vector<1x256xf32> -> vector<1x256xf32>
    %get3A_19 = arith.constant 0 : index
    %get3A_20 = arith.constant 0 : index
    %get3A_21 = vector.load %arg4[%get3A_19, %get3A_20] : memref<1x256xf32, #tpu.memory_space<vmem>>, vector<1x256xf32>
    %mul3A_22 = vector.broadcast %reduce_sum3A_14 : f32 to vector<1x256xf32>
    %mul3A_23 = arith.mulf %mul3A_22, %get3A_21 : vector<1x256xf32>
    %add3A = arith.addf %dot_general3A_18, %mul3A_23 : vector<1x256xf32>
    %get3A_24 = arith.constant 0 : index
    %get3A_25 = arith.constant 0 : index
    %get3A_26 = vector.load %arg5[%get3A_24, %get3A_25] : memref<256x128xf32, #tpu.memory_space<vmem>>, vector<256x128xf32>
    %dot_general3A_27 = arith.constant dense<0.000000e+00> : vector<1x128xf32>
    %dot_general3A_28 = tpu.matmul %add3A, %get3A_26, %dot_general3A_27 {dimension_numbers = #tpu.dot_dimension_numbers<[1], [0], [0], [1], [0, 0, 1, 1], [], []>, precision = #tpu.contract_precision<fp32>, transpose_lhs_hint = false} : vector<1x256xf32>, vector<256x128xf32>, vector<1x128xf32> -> vector<1x128xf32>
    %get3A_29 = arith.constant 0 : index
    %get3A_30 = arith.constant 0 : index
    %get3A_31 = vector.load %arg6[%get3A_29, %get3A_30] : memref<1x128xf32, #tpu.memory_space<vmem>>, vector<1x128xf32>
    %mul3A_32 = arith.constant 1.000000e+04 : f32
    %mul3A_33 = vector.broadcast %mul3A_32 : f32 to vector<1x128xf32>
    %mul3A_34 = arith.mulf %mul3A_33, %get3A_31 : vector<1x128xf32>
    %add3A_35 = arith.addf %dot_general3A_28, %mul3A_34 : vector<1x128xf32>
    %get3A_36 = arith.constant 0 : index
    %get3A_37 = arith.constant 0 : index
    %get3A_38 = vector.load %arg7[%get3A_36, %get3A_37] : memref<128x64xf32, #tpu.memory_space<vmem>>, vector<128x64xf32>
    %dot_general3A_39 = arith.constant dense<0.000000e+00> : vector<1x64xf32>
    %dot_general3A_40 = tpu.matmul %add3A_35, %get3A_38, %dot_general3A_39 {dimension_numbers = #tpu.dot_dimension_numbers<[1], [0], [0], [1], [0, 0, 1, 1], [], []>, precision = #tpu.contract_precision<fp32>, transpose_lhs_hint = false} : vector<1x128xf32>, vector<128x64xf32>, vector<1x64xf32> -> vector<1x64xf32>
    %get3A_41 = arith.constant 0 : index
    %get3A_42 = arith.constant 0 : index
    %get3A_43 = vector.load %arg8[%get3A_41, %get3A_42] : memref<1x64xf32, #tpu.memory_space<vmem>>, vector<1x64xf32>
    %mul3A_44 = arith.constant 1.000000e+04 : f32
    %mul3A_45 = vector.broadcast %mul3A_44 : f32 to vector<1x64xf32>
    %mul3A_46 = arith.mulf %mul3A_45, %get3A_43 : vector<1x64xf32>
    %add3A_47 = arith.addf %dot_general3A_40, %mul3A_46 : vector<1x64xf32>
    %swap3A = arith.constant 0 : index
    %swap3A_48 = arith.constant 0 : index
    %swap3A_49 = vector.load %arg9[%swap3A, %swap3A_48] : memref<1x64xf32, #tpu.memory_space<vmem>>, vector<1x64xf32>
    tpu.vector_store %arg9[%swap3A, %swap3A_48], %add3A_47 {strides = array<i32>} : memref<1x64xf32, #tpu.memory_space<vmem>>, vector<1x64xf32>,
    return
  }
}

</mosaic_0001>

<sc_bundles>
// kernel: kernel.4.cloned.1.call-start
scs
__scs_entry_jumppad:
0x0: {  	(pc) =	sbr.rel $0x88, $3  }
0x1: {  	(tag) =	ssettag $0x0;
	lr =	simm.s32 $0x1  }
0x2: {  	[smem:$0x3F99] =	sst lr;
	_ =	strace $0xD0000000  }
0x3: {  	_ = 	snop  }
0x4: {  	_ = 	snop  }
0x5: {  	_ = 	snop  }
0x6: {  	_ = 	snop  }
0x7: {  	_ = 	snop  }
__scs_overlays_trampoline_lowered:
0x8: {  	[smem:$0x3FA8] =	sst s0  }
0x9: {  	[smem:$0x3FA9] =	sst s1  }
0xa: {  	[smem:$0x3FAA] =	sst s2  }
0xb: {  	[smem:$0x3FAB] =	sst s3  }
0xc: {  	[smem:$0x3FAC] =	sst s4  }
0xd: {  	[smem:$0x3FAD] =	sst s5  }
0xe: {  	[smem:$0x3FAE] =	sst s6  }
0xf: {  	[smem:$0x3FAF] =	sst s7  }
0x10: {  	[smem:$0x3FB0] =	sst s8  }
0x11: {  	[smem:$0x3FB1] =	sst s9;
	s0 =	simm.s32 @!p0 $0x0  }
0x12: {  	s1 =	sld [smem:$0x3F97];
	s0 =	simm.s32 @p0 $0x1  }
0x13: {  	[smem:$0x3FB2] =	sst s0;
	s0 =	simm.s32 @!p1 $0x0  }
0x14: {  	s2 =	sld [smem:$0x3F96];
	s0 =	simm.s32 @p1 $0x1  }
0x15: {  	[smem:$0x3FB3] =	sst s0;
	s0 =	simm.s32 @!p2 $0x0  }
0x16: {  	s3 =	sld [smem:$0x3FDB];
	s0 =	simm.s32 @p2 $0x1  }
0x17: {  	s4 =	simm.s32 $0x1BF5;
	[smem:$0x3FB5] =	sst s0  }
0x18: {  	s0 =	sld [smem:$0x3F98];
	_ =	swait.ge [sflag:s4], $0x0  }
0x19: {  	s7 =	sld [smem:$0x3F99]  }
0x1a: {  	s8 =	sadd.s32 $0xFFFFE003, lr  }
0x1b: {  	s9 =	sadd.s32 $0xFFFFFEF7, lr;
	s5 =	simm.s32 $0xFFFFFFFF;
	p2 =	slt.u32 s8, $0xFFFFF086  }
0x1c: {  	p1 =	slt.u32 s9, $0xF7A;
	s5 =	simm.s32 @!p2 $0x0  }
0x1d: {  	s5 =	simm.s32 @p1 $0x1;
	p0 =	seq.s32 s7, s2  }
0x1e: {  	s7 =	smul.u32 @!p0 $0xF7A, s2;
	p2 =	seq.s32 @!p0 s5, $0x0  }
0x1f: {  	s9 =	smul.u32 $0xF7A, s1;
	s8 =	simm.s32 @!p0 $0x1BF5;
	p2 =	por !p2, p0  }
0x20: {  	[sflag:s8] =	ssyncset.s32 @!p0 $0xFFFFF086;
	s6 =	sadd.s32 @!p0 s3, s7;
	s7 =	simm.s32 @!p0 $0x108  }
0x21: {  	s3 =	sadd.s32 s3, s9;
	s6 =	sadd.s32 @!p0 $0x88, s6;
	s7 =	simm.s32 @p2 $0x1082  }
0x22: {  	[simem:s7], [sflag:s8] =	dma.local @!p0 [hbm:s6], $0xF7A  }
0x23: {  	s9 =	sor.u32 $0xD0000000, s2;
	s6 =	simm.s32 $0x108;
	_ =	swait.ge @!p0 [sflag:s8], $0x0  }
0x24: {  	s3 =	sadd.s32 $0x88, s3;
	s6 =	simm.s32 @!p1 $0x1082;
	[sflag:s4] =	ssyncset.s32 $0xFFFFF086  }
0x25: {  	[simem:s6], [sflag:s4] =	dma.local [hbm:s3], $0xF7A  }
0x26: {  	[smem:$0x3F99] =	sst s1;
	(tag) =	ssettag s2;
	_ =	strace s9  }
0x27: {  	s1 =	sld [smem:$0x3FA9]  }
0x28: {  	s2 =	sld [smem:$0x3FAA]  }
0x29: {  	s4 =	sld [smem:$0x3FAC]  }
0x2a: {  	p0 =	seq.s32 s5, $0x0;
	s5 =	sld [smem:$0x3FAD]  }
0x2b: {  	s6 =	sld [smem:$0x3FAE]  }
0x2c: {  	s7 =	sld [smem:$0x3FAF]  }
0x2d: {  	s3 =	simm.s32 $0x108;
	s8 =	sld [smem:$0x3FB0]  }
0x2e: {  	s3 =	simm.s32 @!p0 $0x1082;
	s9 =	sld [smem:$0x3FB1]  }
0x2f: {  	lr =	sadd.s32 s0, s3;
	s0 =	sld [smem:$0x3FA8]  }
0x30: {  	s3 =	sld [smem:$0x3FAB]  }
0x31: {  	[smem:$0x3FB4] =	sst s10  }
0x32: {  	s10 =	sld [smem:$0x3FB2];
	_ =	sdelay $0x3  }
0x33: {  	p0 =	seq.s32 s10, $0x1;
	s10 =	sld [smem:$0x3FB4];
	_ =	sdelay $0x3  }
0x34: {  	[smem:$0x3FB4] =	sst s10  }
0x35: {  	s10 =	sld [smem:$0x3FB3];
	_ =	sdelay $0x3  }
0x36: {  	p1 =	seq.s32 s10, $0x1;
	s10 =	sld [smem:$0x3FB4];
	_ =	sdelay $0x3  }
0x37: {  	[smem:$0x3FB4] =	sst s10  }
0x38: {  	s10 =	sld [smem:$0x3FB5]  }
0x39: {  	_ = 	snop;
	(pc) =	sbr.ind lr, $3  }
0x3a: {  	_ = 	snop  }
0x3b: {  	_ = 	snop  }
0x3c: {  	p2 =	seq.s32 s10, $0x1;
	s10 =	sld [smem:$0x3FB4]  }
0x3d: {  	_ =	shalt  }
0x3e: {  	_ =	shalt  }
0x3f: {  	_ =	shalt  }
0x40: {  	_ =	shalt  }
0x41: {  	_ =	shalt  }
0x42: {  	_ =	shalt  }
0x43: {  	_ =	shalt  }
0x44: {  	_ =	shalt  }
0x45: {  	_ =	shalt  }
0x46: {  	_ =	shalt  }
0x47: {  	_ =	shalt  }
0x48: {  	_ =	shalt  }
0x49: {  	_ =	shalt  }
0x4a: {  	_ =	shalt  }
0x4b: {  	_ =	shalt  }
0x4c: {  	_ =	shalt  }
0x4d: {  	_ =	shalt  }
0x4e: {  	_ =	shalt  }
0x4f: {  	_ =	shalt  }
0x50: {  	_ =	shalt  }
0x51: {  	_ =	shalt  }
0x52: {  	_ =	shalt  }
0x53: {  	_ =	shalt  }
0x54: {  	_ =	shalt  }
0x55: {  	_ =	shalt  }
0x56: {  	_ =	shalt  }
0x57: {  	_ =	shalt  }
0x58: {  	_ =	shalt  }
0x59: {  	_ =	shalt  }
0x5a: {  	_ =	shalt  }
0x5b: {  	_ =	shalt  }
0x5c: {  	_ =	shalt  }
0x5d: {  	_ =	shalt  }
0x5e: {  	_ =	shalt  }
0x5f: {  	_ =	shalt  }
0x60: {  	_ =	shalt  }
0x61: {  	_ =	shalt  }
0x62: {  	_ =	shalt  }
0x63: {  	_ =	shalt  }
0x64: {  	_ =	shalt  }
0x65: {  	_ =	shalt  }
0x66: {  	_ =	shalt  }
0x67: {  	_ =	shalt  }
0x68: {  	_ =	shalt  }
0x69: {  	_ =	shalt  }
0x6a: {  	_ =	shalt  }
0x6b: {  	_ =	shalt  }
0x6c: {  	_ =	shalt  }
0x6d: {  	_ =	shalt  }
0x6e: {  	_ =	shalt  }
0x6f: {  	_ =	shalt  }
0x70: {  	_ =	shalt  }
0x71: {  	_ =	shalt  }
0x72: {  	_ =	shalt  }
0x73: {  	_ =	shalt  }
0x74: {  	_ =	shalt  }
0x75: {  	_ =	shalt  }
0x76: {  	_ =	shalt  }
0x77: {  	_ =	shalt  }
0x78: {  	_ =	shalt  }
0x79: {  	_ =	shalt  }
0x7a: {  	_ =	shalt  }
0x7b: {  	_ =	shalt  }
0x7c: {  	_ =	shalt  }
0x7d: {  	_ =	shalt  }
0x7e: {  	_ =	shalt  }
0x7f: {  	_ =	shalt  }
0x80: {  	_ =	shalt  }
0x81: {  	_ =	shalt  }
0x82: {  	_ =	shalt  }
0x83: {  	_ =	shalt  }
0x84: {  	_ =	shalt  }
0x85: {  	_ =	shalt  }
0x86: {  	_ =	shalt  }
0x87: {  	_ =	shalt  }
.Lfunc_end0:
.L_simem_size_0:
called_computation_lowered:
.L_overlay_start_0:
0x88: {  	s0 =	sld [smem:$0x3FD9]  }
0x89: {  	s1 =	sld [smem:$0x3FFE];
	_ =	sdelay $0x3  }
0x8a: {  	s0 =	sadd.s32 s1, s0  }
0x8b: {  	[smem:$0x3FC0] =	sst s0  }
0x8c: {  	_ = 	snop  }
0x8d: {  	(tm) =	ssettm $0x1  }
0x8e: {  	s15 =	sld [smem:$0x3FFB];
	_ =	sdelay $0x3  }
0x8f: {  	_ =	strace s15  }
0x90: {  	s0 =	sld [smem:$0x3FFC];
	_ =	sdelay $0x3  }
0x91: {  	_ =	strace s0  }
0x92: {  	s0 =	sld [smem:$0x3FFD];
	_ =	sdelay $0x3  }
0x93: {  	_ =	strace s0  }
0x94: {  	_ =	strace $0x8FFFFFFF  }
0x95: {  	s16 =	sld [smem:$0x3FDB];
	_ =	sdelay $0x1  }
0x96: {  	s17 =	simm.s32 $_scs_section_size  }
0x97: {  	s2 =	simm.s32 $_size__tile_overlayer_lowered;
	s3 =	simm.s32 $_tile_overlayer_lowered  }
0x98: {  	s20 =	simm.s32 $0x1BFF;
	s19 =	sshll.u32 s3, $0x1;
	s0 =	sadd.s32 s17, s16  }
0x99: {  	s4 =	simm.s32 $0x0;
	s18 =	sshll.u32 s2, $0x1;
	s2 =	sadd.s32 s19, s0  }
0x9a: {  	[timem:s4], [sflag:s20] =	dma.local [hbm:s2], s18  }
0x9b: {  	_ =	swait.ge [sflag:s20], s18  }
0x9c: {  	s1 =	ssub.s32 $0x0, s18;
	[sflag:s20] =	ssyncset.done $0x0  }
0x9d: {  	[sflag:s20] =	ssyncadd.s32 s1;
	_ =	sdelay $0x1  }
0x9e: {  	s21 =	simm.s32 $0x1B8B  }
0x9f: {  	_ =	swait.ge [sflag:s21], $0x1  }
0xa0: {  	[sflag:s21] =	ssyncset.done $0x0  }
0xa1: {  	s23 =	simm.s32 $0x1B8E;
	s22 =	sld [smem:$0x3FFE];
	[sflag:s21] =	ssyncadd.s32 $0xFFFFFFFF  }
0xa2: {  	s24 =	simm.s32 $execute0_lowered;
	[smem:$0x3FD2] =	sst s23  }
0xa3: {  	s2 =	sshll.u32 s24, $0x1;
	_ =	strace $0x80000046;
	[dreg:$0x1] =	wrdreg $0xFFFFFFFF  }
0xa4: {  	s25 =	simm.s32 $_size_execute0_lowered;
	s0 =	sadd.s32 s0, s2;
	[dreg:$0x0] =	wrdreg $0x0  }
0xa5: {  	s2 =	sshll.u32 s25, $0x1;
	[dreg:$0x2] =	wrdreg s0  }
0xa6: {  	[dreg:$0x3] =	wrdreg s2  }
0xa7: {  	[dreg:$0x4] =	wrdreg $0xC0  }
0xa8: {  	_ =	task [dreg:s4], $0x5FFFF  }
0xa9: {  	[dreg:$0x1] =	wrdreg $0xFFFFFFFF  }
0xaa: {  	[dreg:$0x0] =	wrdreg $0x60  }
0xab: {  	[dreg:$0x2] =	wrdreg s22  }
0xac: {  	[dreg:$0x3] =	wrdreg $0x1C6800  }
0xad: {  	[dreg:$0x4] =	wrdreg $0x1C9000  }
0xae: {  	[dreg:$0x5] =	wrdreg $0x1CB800  }
0xaf: {  	[dreg:$0x6] =	wrdreg $0x1CE000  }
0xb0: {  	[dreg:$0x7] =	wrdreg $0x9  }
0xb1: {  	_ =	task.clear_ibuf [dreg:s4], $0x8FFFF;
	_ =	strace $0x90000046  }
0xb2: {  	s26 =	simm.s32 $0x9;
	_ =	strace $0x80000048  }
0xb3: {  	_ =	swait.ge [sflag:s26], $0x1  }
0xb4: {  	[sflag:s26] =	ssyncadd.s32 $0xFFFFFFFF  }
0xb5: {  	_ =	strace $0x90000048  }
0xb6: {  	_ =	sfence  }
0xb7: {  	s28 =	sld [smem:$0x0];
	_ =	sdelay $0x1  }
0xb8: {  	s29 =	srdreg.scid  }
0xb9: {  	s30 =	sshll.u32 s29, $0xD;
	s31 =	sshrl.u32 s29, $0x2  }
0xba: {  	s1 =	sand.u32 $0x1, s29;
	s2 =	sand.u32 $0x4000, s30;
	s0 =	sadd.s32 s31, s28  }
0xbb: {  	s1 =	sor.u32 s2, s1;
	s0 =	sshll.u32 s0, $0x11  }
0xbc: {  	s0 =	sor.u32 s0, s1  }
0xbd: {  	s0 =	sadd.s32 $0x8F2B, s0  }
0xbe: {  	[sflag:s0] =	ssyncadd.remote.s32 $0x1  }
0xbf: {  	_ =	sfence.sel $0xFFFF  }
0xc0: {  	[dreg:$0x0] =	wrdreg $0xFFFFFFFF;
	(pc) =	sbr.abs _section_cstart, $3  }
0xc1: {  	[dreg:$0x1] =	wrdreg $0xFFFFFFFF  }
0xc2: {  	_ =	task.clear_ibuf [dreg:s4], $0x2FFFF;
	_ =	strace $0x9FFFFFFF  }
0xc3: {  	(tm) =	ssettm $0x7FFFFFFF  }
tec
execute0_lowered:
.L_overlay_start_1:
0x0: {  	(tag) =	ssettag $0x1  }
0x1: {  	s4 =	rddreg [dreg:$0x0]  }
0x2: {  	s7 =	rddreg [dreg:$0x1]  }
0x3: {  	s2 =	rddreg [dreg:$0x2]  }
0x4: {  	s10 =	rddreg [dreg:$0x3]  }
0x5: {  	s5 =	rddreg [dreg:$0x4];
	s9 =	simm.s32 $0x0  }
0x6: {  	v0 =	vimm.f32 $0.0e+00;
	[smem:$0x7FF] =	sst s9  }
0x7: {  	s0 =	rddreg [dreg:$0x5];
	_ =	strace $0x80000047;
	[tilespmem:$0x1BA00] =	vst v0  }
0x8: {  	[tilespmem:$0x1BA10] =	vst v0  }
0x9: {  	[tilespmem:$0x1BA20] =	vst v0  }
0xa: {  	[tilespmem:$0x1BA30] =	vst v0  }
0xb: {  	[tilespmem:$0x1BA40] =	vst v0  }
0xc: {  	[tilespmem:$0x1BA50] =	vst v0  }
0xd: {  	[tilespmem:$0x1BA60] =	vst v0  }
0xe: {  	[tilespmem:$0x1BA70] =	vst v0  }
0xf: {  	[tilespmem:$0x1BA80] =	vst v0  }
0x10: {  	[tilespmem:$0x1BA90] =	vst v0  }
0x11: {  	[tilespmem:$0x1BAA0] =	vst v0  }
0x12: {  	[tilespmem:$0x1BAB0] =	vst v0  }
0x13: {  	[tilespmem:$0x1BAC0] =	vst v0  }
0x14: {  	[tilespmem:$0x1BAD0] =	vst v0  }
0x15: {  	[tilespmem:$0x1BAE0] =	vst v0  }
0x16: {  	[tilespmem:$0x1BAF0] =	vst v0  }
0x17: {  	[tilespmem:$0x1BB00] =	vst v0  }
0x18: {  	[tilespmem:$0x1BB10] =	vst v0  }
0x19: {  	[tilespmem:$0x1BB20] =	vst v0  }
0x1a: {  	[tilespmem:$0x1BB30] =	vst v0  }
0x1b: {  	[tilespmem:$0x1BB40] =	vst v0  }
0x1c: {  	[tilespmem:$0x1BB50] =	vst v0  }
0x1d: {  	[tilespmem:$0x1BB60] =	vst v0  }
0x1e: {  	[tilespmem:$0x1BB70] =	vst v0  }
0x1f: {  	[tilespmem:$0x1BB80] =	vst v0  }
0x20: {  	[tilespmem:$0x1BB90] =	vst v0  }
0x21: {  	[tilespmem:$0x1BBA0] =	vst v0  }
0x22: {  	[tilespmem:$0x1BBB0] =	vst v0  }
0x23: {  	[tilespmem:$0x1BBC0] =	vst v0  }
0x24: {  	[tilespmem:$0x1BBD0] =	vst v0  }
0x25: {  	[tilespmem:$0x1BBE0] =	vst v0  }
0x26: {  	[tilespmem:$0x1BBF0] =	vst v0  }
0x27: {  	[tilespmem:$0x1BC00] =	vst v0  }
0x28: {  	[tilespmem:$0x1BC10] =	vst v0  }
0x29: {  	[tilespmem:$0x1BC20] =	vst v0  }
0x2a: {  	[tilespmem:$0x1BC30] =	vst v0  }
0x2b: {  	s1 =	stileid.u32;
	[tilespmem:$0x1BC40] =	vst v0  }
0x2c: {  	s6 =	smul.u32 $0x280, s1;
	[tilespmem:$0x1BC50] =	vst v0  }
0x2d: {  	[tilespmem:$0x1BC60] =	vst v0  }
0x2e: {  	s11 =	simm.s32 $0x1BA00;
	s12 =	simm.s32 $0x2;
	[tilespmem:$0x1BC70] =	vst v0;
	s8 =	sadd.s32 s6, s7  }
0x2f: {  	[spmem:s8] =	stream.linear.scatter [tilespmem:s11], [sflag:$0x2], $0x280, $0x38;
	[tilespmem:$0x1D080] =	vst v63  }
0x30: {  	_ =	swait.ge [sflag:s12], $0x280  }
0x31: {  	[sflag:s12] =	ssyncset.done $0x0  }
0x32: {  	s13 =	smul.u32 $0x9C4, s1;
	s3 =	sadd.s32 s6, s2;
	[sflag:s12] =	ssyncadd.s32 $0xFFFFFD80  }
0x33: {  	[spmem:s3] =	stream.linear.scatter [tilespmem:s11], [sflag:$0x2], $0x280, $0x38;
	[tilespmem:$0x1D080] =	vst v63  }
0x34: {  	_ =	swait.ge [sflag:s12], $0x280  }
0x35: {  	s29 =	sadd.s32 s13, s4;
	[sflag:s12] =	ssyncset.done $0x0  }
0x36: {  	s13 =	sadd.s32 $0xB400, s29;
	[sflag:s12] =	ssyncadd.s32 $0xFFFFFD80  }
0x37: {  	[tilespmem:s9], [sflag:$0x1] =	stream.linear.gather [hbm4b:s13+s9], $0x4E20, $0x38;
	[tilespmem:$0x1D080] =	vst v63  }
0x38: {  	s30 =	simm.s32 $0x5000;
	s31 =	simm.s32 $0x1;
	s11 =	sadd.s32 $0x1600, s29  }
0x39: {  	[tilespmem:s30], [sflag:$0x1] =	stream.linear.gather [hbm4b:s11+s9], $0x4E20, $0x38;
	[tilespmem:$0x1D080] =	vst v63  }
0x3a: {  	_ =	swait.ge [sflag:s31], $0x4E20  }
0x3b: {  	[sflag:s31] =	ssyncset.done $0x0  }
0x3c: {  	[sflag:s31] =	ssyncadd.s32 $0xFFFFB1E0  }
0x3d: {  	_ =	swait.ge [sflag:s31], $0x4E20  }
0x3e: {  	[sflag:s31] =	ssyncset.done $0x0  }
0x3f: {  	s11 =	simm.s32 $0x0;
	[sflag:s31] =	ssyncadd.s32 $0xFFFFB1E0  }
0x40: {  	v0 =	vld [tilespmem:s11+$0x5070]  }
0x41: {  	v1 =	vld [tilespmem:s11+$0x0]  }
0x42: {  	v2 =	vld [tilespmem:s11+$0x5000]  }
0x43: {  	v3 =	vld [tilespmem:s11+$0x10]  }
0x44: {  	v4 =	vld [tilespmem:s11+$0x5010]  }
0x45: {  	v5 =	vld [tilespmem:s11+$0x20];
	[tilespmem:s11+$0xF070] =	vst v0  }
0x46: {  	[tilespmem:s11+$0xA000] =	vst v1;
	v0 =	vld [tilespmem:s11+$0x5020]  }
0x47: {  	[tilespmem:s11+$0xF000] =	vst v2;
	v1 =	vld [tilespmem:s11+$0x30]  }
0x48: {  	[tilespmem:s11+$0xA010] =	vst v3;
	v2 =	vld [tilespmem:s11+$0x5030]  }
0x49: {  	[tilespmem:s11+$0xF010] =	vst v4;
	v3 =	vld [tilespmem:s11+$0x40]  }
0x4a: {  	[tilespmem:s11+$0xA020] =	vst v5;
	v4 =	vld [tilespmem:s11+$0x5040]  }
0x4b: {  	[tilespmem:s11+$0xF020] =	vst v0;
	v0 =	vld [tilespmem:s11+$0x50]  }
0x4c: {  	[tilespmem:s11+$0xA030] =	vst v1;
	v1 =	vld [tilespmem:s11+$0x5050]  }
0x4d: {  	[tilespmem:s11+$0xF030] =	vst v2;
	v2 =	vld [tilespmem:s11+$0x60]  }
0x4e: {  	s12 =	simm.s32 $0x80;
	[tilespmem:s11+$0xA040] =	vst v3;
	v3 =	vld [tilespmem:s11+$0x5060]  }
0x4f: {  	s13 =	simm.s32 $0x400;
	s9 =	sadd.s32 $0x15800, s4;
	s4 =	sadd.s32 $0x15200, s4;
	[tilespmem:s11+$0xF040] =	vst v4;
	v4 =	vld [tilespmem:s11+$0x70]  }
.LBB2_1:
0x50: {  	p0 =	sne.s32 s13, $0x13600;
	v5 =	vld [tilespmem:s12+$0x5070];
	[tilespmem:s11+$0xA050] =	vst v0  }
0x51: {  	v0 =	vld [tilespmem:s12+$0x0];
	[tilespmem:s11+$0xF050] =	vst v1  }
0x52: {  	v1 =	vld [tilespmem:s12+$0x5000];
	[tilespmem:s11+$0xA060] =	vst v2  }
0x53: {  	v2 =	vld [tilespmem:s12+$0x10];
	[tilespmem:s11+$0xF060] =	vst v3  }
0x54: {  	v3 =	vld [tilespmem:s12+$0x5010];
	[tilespmem:s11+$0xA070] =	vst v4;
	s11 =	smov.u32 s12  }
0x55: {  	v4 =	vld [tilespmem:s11+$0x20];
	[tilespmem:s11+$0xF070] =	vst v5  }
0x56: {  	[tilespmem:s11+$0xA000] =	vst v0;
	v0 =	vld [tilespmem:s11+$0x5020]  }
0x57: {  	[tilespmem:s11+$0xF000] =	vst v1;
	v1 =	vld [tilespmem:s11+$0x30]  }
0x58: {  	[tilespmem:s11+$0xA010] =	vst v2;
	v2 =	vld [tilespmem:s11+$0x5030]  }
0x59: {  	[tilespmem:s11+$0xF010] =	vst v3;
	v3 =	vld [tilespmem:s11+$0x40]  }
0x5a: {  	[tilespmem:s11+$0xA020] =	vst v4;
	v4 =	vld [tilespmem:s11+$0x5040]  }
.Ltmp0:
0x5b: {  	[tilespmem:s11+$0xF020] =	vst v0;
	v0 =	vld [tilespmem:s11+$0x50];
	(pc) =	sbr.rel @p0 .LBB2_1-.Ltmp0, $4  }
0x5c: {  	[tilespmem:s11+$0xA030] =	vst v1;
	v1 =	vld [tilespmem:s11+$0x5050]  }
0x5d: {  	[tilespmem:s11+$0xF030] =	vst v2;
	v2 =	vld [tilespmem:s11+$0x60]  }
0x5e: {  	[tilespmem:s11+$0xA040] =	vst v3;
	v3 =	vld [tilespmem:s11+$0x5060]  }
0x5f: {  	s12 =	sshra.s32 s13, $0x2;
	s13 =	sadd.s32 $0x200, s13;
	[tilespmem:s11+$0xF040] =	vst v4;
	v4 =	vld [tilespmem:s11+$0x70]  }
0x60: {  	v5 =	vld [tilespmem:s12+$0x5070];
	[tilespmem:s11+$0xA050] =	vst v0  }
0x61: {  	v0 =	vld [tilespmem:s12+$0x0];
	[tilespmem:s11+$0xF050] =	vst v1  }
0x62: {  	v1 =	vld [tilespmem:s12+$0x5000];
	[tilespmem:s11+$0xA060] =	vst v2  }
0x63: {  	v2 =	vld [tilespmem:s12+$0x10];
	[tilespmem:s11+$0xF060] =	vst v3  }
0x64: {  	v3 =	vld [tilespmem:s12+$0x5010];
	[tilespmem:s11+$0xA070] =	vst v4  }
0x65: {  	v4 =	vld [tilespmem:s12+$0x20];
	[tilespmem:s12+$0xF070] =	vst v5  }
0x66: {  	v48 =	vld [tilespmem:s12+$0x5020];
	[tilespmem:s12+$0xA000] =	vst v0  }
0x67: {  	v49 =	vld [tilespmem:s12+$0x30];
	[tilespmem:s12+$0xF000] =	vst v1  }
0x68: {  	v50 =	vld [tilespmem:s12+$0x5030];
	[tilespmem:s12+$0xA010] =	vst v2  }
0x69: {  	v51 =	vld [tilespmem:s12+$0x40];
	[tilespmem:s12+$0xF010] =	vst v3  }
0x6a: {  	v52 =	vld [tilespmem:s12+$0x5040];
	[tilespmem:s12+$0xA020] =	vst v4  }
0x6b: {  	v53 =	vld [tilespmem:s12+$0x50];
	[tilespmem:s12+$0xF020] =	vst v48  }
0x6c: {  	v54 =	vld [tilespmem:s12+$0x5050];
	[tilespmem:s12+$0xA030] =	vst v49  }
0x6d: {  	v55 =	vld [tilespmem:s12+$0x60];
	[tilespmem:s12+$0xF030] =	vst v50  }
0x6e: {  	v56 =	vld [tilespmem:s12+$0x5060];
	[tilespmem:s12+$0xA040] =	vst v51  }
0x6f: {  	v57 =	vld [tilespmem:s12+$0x70];
	[tilespmem:s12+$0xF040] =	vst v52  }
0x70: {  	[tilespmem:s12+$0xA050] =	vst v53  }
0x71: {  	[tilespmem:s12+$0xF050] =	vst v54  }
0x72: {  	[tilespmem:s12+$0xA060] =	vst v55  }
0x73: {  	[tilespmem:s12+$0xF060] =	vst v56  }
0x74: {  	v61 =	vimm.s32 $0x2800;
	[tilespmem:s12+$0xA070] =	vst v57  }
0x75: {  	[tilespmem:$0x9E20] =	vst v61  }
0x76: {  	[tilespmem:$0x9E30] =	vst v61  }
0x77: {  	[tilespmem:$0x9E40] =	vst v61  }
0x78: {  	[tilespmem:$0x9E50] =	vst v61  }
0x79: {  	[tilespmem:$0x9E60] =	vst v61  }
0x7a: {  	[tilespmem:$0x9E70] =	vst v61  }
0x7b: {  	[tilespmem:$0x9E80] =	vst v61  }
0x7c: {  	[tilespmem:$0x9E90] =	vst v61  }
0x7d: {  	[tilespmem:$0x9EA0] =	vst v61  }
0x7e: {  	[tilespmem:$0x9EB0] =	vst v61  }
0x7f: {  	[tilespmem:$0x9EC0] =	vst v61  }
0x80: {  	[tilespmem:$0x9ED0] =	vst v61  }
0x81: {  	[tilespmem:$0x9EE0] =	vst v61  }
0x82: {  	[tilespmem:$0x9EF0] =	vst v61  }
0x83: {  	[tilespmem:$0x9F00] =	vst v61  }
0x84: {  	[tilespmem:$0x9F10] =	vst v61  }
0x85: {  	[tilespmem:$0x9F20] =	vst v61  }
0x86: {  	[tilespmem:$0x9F30] =	vst v61  }
0x87: {  	[tilespmem:$0x9F40] =	vst v61  }
0x88: {  	[tilespmem:$0x9F50] =	vst v61  }
0x89: {  	[tilespmem:$0x9F60] =	vst v61  }
0x8a: {  	[tilespmem:$0x9F70] =	vst v61  }
0x8b: {  	[tilespmem:$0x9F80] =	vst v61  }
0x8c: {  	[tilespmem:$0x9F90] =	vst v61  }
0x8d: {  	[tilespmem:$0x9FA0] =	vst v61  }
0x8e: {  	[tilespmem:$0x9FB0] =	vst v61  }
0x8f: {  	[tilespmem:$0x9FC0] =	vst v61  }
0x90: {  	[tilespmem:$0x9FD0] =	vst v61  }
0x91: {  	[tilespmem:$0x9FE0] =	vst v61  }
0x92: {  	v62 =	vimm.f32 $1.000000000e+00;
	[tilespmem:$0x9FF0] =	vst v61  }
0x93: {  	[tilespmem:$0x1B880] =	vst v62  }
0x94: {  	v63 =	vimm.f32 $0.0e+00;
	[tilespmem:$0x1B900] =	vst v62  }
0x95: {  	[tilespmem:$0x1B980] =	vst v63  }
0x96: {  	[tilespmem:$0x1B890] =	vst v62  }
0x97: {  	[tilespmem:$0x1B910] =	vst v62  }
0x98: {  	[tilespmem:$0x1B990] =	vst v63  }
0x99: {  	[tilespmem:$0x1B8A0] =	vst v62  }
0x9a: {  	[tilespmem:$0x1B920] =	vst v63  }
0x9b: {  	[tilespmem:$0x1B9A0] =	vst v63  }
0x9c: {  	[tilespmem:$0x1B8B0] =	vst v62  }
0x9d: {  	[tilespmem:$0x1B930] =	vst v63  }
0x9e: {  	[tilespmem:$0x1B9B0] =	vst v63  }
0x9f: {  	[tilespmem:$0x1B8C0] =	vst v62  }
0xa0: {  	[tilespmem:$0x1B940] =	vst v63  }
0xa1: {  	[tilespmem:$0x1B9C0] =	vst v63  }
0xa2: {  	[tilespmem:$0x1B8D0] =	vst v62  }
0xa3: {  	[tilespmem:$0x1B950] =	vst v63  }
0xa4: {  	[tilespmem:$0x1B9D0] =	vst v63  }
0xa5: {  	[tilespmem:$0x1B8E0] =	vst v62  }
0xa6: {  	v0 =	vld [tilespmem:$0x4E00];
	[tilespmem:$0x1B960] =	vst v63  }
0xa7: {  	s16 =	sshll.u32 s1, $0x4;
	v58 =	vlaneseq.u32;
	v2 =	vld [tilespmem:$0x9E00];
	[tilespmem:$0x1B9E0] =	vst v63  }
0xa8: {  	v1 =	vor.u32 s16, v58;
	v3 =	vld [tilespmem:$0x4E10];
	[tilespmem:$0x1B8F0] =	vst v62  }
0xa9: {  	v59 =	vmulhi.u32 $0x1111112, v1;
	v5 =	vld [tilespmem:$0x9E10];
	[tilespmem:$0x1B970] =	vst v63  }
0xaa: {  	[tilespmem:$0x1B9F0] =	vst v63  }
0xab: {  	v4 =	vmul.u32 $0xF0, v59;
	[tilespmem:$0xEE00] =	vst v0  }
0xac: {  	[tilespmem:$0x13E00] =	vst v2  }
0xad: {  	v60 =	vsub.s32 v1, v4;
	[tilespmem:$0xEE10] =	vst v3  }
0xae: {  	v0 =	vadd.s32 $0x2710, v60;
	[tilespmem:$0x13E10] =	vst v5  }
0xaf: {  	[tilespmem:$0xEE20] =	vst v0  }
0xb0: {  	[tilespmem:$0x13E20] =	vst v0  }
0xb1: {  	[tilespmem:$0xEE30] =	vst v0  }
0xb2: {  	[tilespmem:$0x13E30] =	vst v0  }
0xb3: {  	[tilespmem:$0xEE40] =	vst v0  }
0xb4: {  	[tilespmem:$0x13E40] =	vst v0  }
0xb5: {  	[tilespmem:$0xEE50] =	vst v0  }
0xb6: {  	[tilespmem:$0x13E50] =	vst v0  }
0xb7: {  	[tilespmem:$0xEE60] =	vst v0  }
0xb8: {  	[tilespmem:$0x13E60] =	vst v0  }
0xb9: {  	[tilespmem:$0xEE70] =	vst v0  }
0xba: {  	[tilespmem:$0x13E70] =	vst v0  }
0xbb: {  	[tilespmem:$0xEE80] =	vst v0  }
0xbc: {  	[tilespmem:$0x13E80] =	vst v0  }
0xbd: {  	[tilespmem:$0xEE90] =	vst v0  }
0xbe: {  	[tilespmem:$0x13E90] =	vst v0  }
0xbf: {  	[tilespmem:$0xEEA0] =	vst v0  }
0xc0: {  	[tilespmem:$0x13EA0] =	vst v0  }
0xc1: {  	[tilespmem:$0xEEB0] =	vst v0  }
0xc2: {  	[tilespmem:$0x13EB0] =	vst v0  }
0xc3: {  	[tilespmem:$0xEEC0] =	vst v0  }
0xc4: {  	[tilespmem:$0x13EC0] =	vst v0  }
0xc5: {  	[tilespmem:$0xEED0] =	vst v0  }
0xc6: {  	[tilespmem:$0x13ED0] =	vst v0  }
0xc7: {  	[tilespmem:$0xEEE0] =	vst v0  }
0xc8: {  	[tilespmem:$0x13EE0] =	vst v0  }
0xc9: {  	[tilespmem:$0xEEF0] =	vst v0  }
0xca: {  	[tilespmem:$0x13EF0] =	vst v0  }
0xcb: {  	[tilespmem:$0xEF00] =	vst v0  }
0xcc: {  	[tilespmem:$0x13F00] =	vst v0  }
0xcd: {  	[tilespmem:$0xEF10] =	vst v0  }
0xce: {  	[tilespmem:$0x13F10] =	vst v0  }
0xcf: {  	[tilespmem:$0xEF20] =	vst v0  }
0xd0: {  	[tilespmem:$0x13F20] =	vst v0  }
0xd1: {  	[tilespmem:$0xEF30] =	vst v0  }
0xd2: {  	[tilespmem:$0x13F30] =	vst v0  }
0xd3: {  	[tilespmem:$0xEF40] =	vst v0  }
0xd4: {  	[tilespmem:$0x13F40] =	vst v0  }
0xd5: {  	[tilespmem:$0xEF50] =	vst v0  }
0xd6: {  	[tilespmem:$0x13F50] =	vst v0  }
0xd7: {  	[tilespmem:$0xEF60] =	vst v0  }
0xd8: {  	[tilespmem:$0x13F60] =	vst v0  }
0xd9: {  	[tilespmem:$0xEF70] =	vst v0  }
0xda: {  	[tilespmem:$0x13F70] =	vst v0  }
0xdb: {  	[tilespmem:$0xEF80] =	vst v0  }
0xdc: {  	[tilespmem:$0x13F80] =	vst v0  }
0xdd: {  	[tilespmem:$0xEF90] =	vst v0  }
0xde: {  	[tilespmem:$0x13F90] =	vst v0  }
0xdf: {  	[tilespmem:$0xEFA0] =	vst v0  }
0xe0: {  	[tilespmem:$0x13FA0] =	vst v0  }
0xe1: {  	[tilespmem:$0xEFB0] =	vst v0  }
0xe2: {  	[tilespmem:$0x13FB0] =	vst v0  }
0xe3: {  	[tilespmem:$0xEFC0] =	vst v0  }
0xe4: {  	[tilespmem:$0x13FC0] =	vst v0  }
0xe5: {  	[tilespmem:$0xEFD0] =	vst v0  }
0xe6: {  	[tilespmem:$0x13FD0] =	vst v0  }
0xe7: {  	[tilespmem:$0xEFE0] =	vst v0  }
0xe8: {  	[tilespmem:$0x13FE0] =	vst v0  }
0xe9: {  	[tilespmem:$0xEFF0] =	vst v0  }
0xea: {  	s13 =	simm.s32 $0xA000;
	[tilespmem:$0x13FF0] =	vst v0  }
0xeb: {  	s11 =	simm.s32 $0x80;
	s12 =	simm.s32 $0x1B880;
	[bflag:$0x0] =	sbarrier.arrive $0xFFFF  }
0xec: {  	[spmem:s7] =	stream.indirect.scatter.add.f32 [tilespmem:s12], [sflag:$0x1], $0x1, s13, s11, $0xb8;
	[tilespmem:$0x1D080] =	vst v63  }
0xed: {  	s17 =	simm.s32 $0xF000  }
0xee: {  	[spmem:s2] =	stream.indirect.scatter.add.f32 [tilespmem:s12], [sflag:$0x1], $0x1, s17, s11, $0xb8;
	[tilespmem:$0x1D080] =	vst v63  }
0xef: {  	s18 =	simm.s32 $0xA080  }
0xf0: {  	[spmem:s7] =	stream.indirect.scatter.add.f32 [tilespmem:s12], [sflag:$0x1], $0x1, s18, s11, $0xb8;
	[tilespmem:$0x1D080] =	vst v63  }
0xf1: {  	s19 =	simm.s32 $0xF080  }
0xf2: {  	[spmem:s2] =	stream.indirect.scatter.add.f32 [tilespmem:s12], [sflag:$0x1], $0x1, s19, s11, $0xb8;
	[tilespmem:$0x1D080] =	vst v63  }
0xf3: {  	s20 =	simm.s32 $0xA100  }
0xf4: {  	[spmem:s7] =	stream.indirect.scatter.add.f32 [tilespmem:s12], [sflag:$0x1], $0x1, s20, s11, $0xb8;
	[tilespmem:$0x1D080] =	vst v63  }
0xf5: {  	s21 =	simm.s32 $0xF100  }
0xf6: {  	[spmem:s2] =	stream.indirect.scatter.add.f32 [tilespmem:s12], [sflag:$0x1], $0x1, s21, s11, $0xb8;
	[tilespmem:$0x1D080] =	vst v63  }
0xf7: {  	s22 =	simm.s32 $0xA180  }
0xf8: {  	[spmem:s7] =	stream.indirect.scatter.add.f32 [tilespmem:s12], [sflag:$0x1], $0x1, s22, s11, $0xb8;
	[tilespmem:$0x1D080] =	vst v63  }
0xf9: {  	s23 =	simm.s32 $0xF180  }
0xfa: {  	[spmem:s2] =	stream.indirect.scatter.add.f32 [tilespmem:s12], [sflag:$0x1], $0x1, s23, s11, $0xb8;
	[tilespmem:$0x1D080] =	vst v63  }
0xfb: {  	s24 =	simm.s32 $0xA200  }
0xfc: {  	[spmem:s7] =	stream.indirect.scatter.add.f32 [tilespmem:s12], [sflag:$0x1], $0x1, s24, s11, $0xb8;
	[tilespmem:$0x1D080] =	vst v63  }
0xfd: {  	s25 =	simm.s32 $0xF200  }
0xfe: {  	[spmem:s2] =	stream.indirect.scatter.add.f32 [tilespmem:s12], [sflag:$0x1], $0x1, s25, s11, $0xb8;
	[tilespmem:$0x1D080] =	vst v63  }
0xff: {  	s26 =	simm.s32 $0xA280  }
0x100: {  	[spmem:s7] =	stream.indirect.scatter.add.f32 [tilespmem:s12], [sflag:$0x1], $0x1, s26, s11, $0xb8;
	[tilespmem:$0x1D080] =	vst v63  }
0x101: {  	s28 =	simm.s32 $0xF280  }
0x102: {  	[spmem:s2] =	stream.indirect.scatter.add.f32 [tilespmem:s12], [sflag:$0x1], $0x1, s28, s11, $0xb8;
	[tilespmem:$0x1D080] =	vst v63  }
0x103: {  	s29 =	simm.s32 $0xA300  }
0x104: {  	[spmem:s7] =	stream.indirect.scatter.add.f32 [tilespmem:s12], [sflag:$0x1], $0x1, s29, s11, $0xb8;
	[tilespmem:$0x1D080] =	vst v63  }
0x105: {  	s30 =	simm.s32 $0xF300  }
0x106: {  	[spmem:s2] =	stream.indirect.scatter.add.f32 [tilespmem:s12], [sflag:$0x1], $0x1, s30, s11, $0xb8;
	[tilespmem:$0x1D080] =	vst v63  }
0x107: {  	s31 =	simm.s32 $0xA380  }
0x108: {  	[spmem:s7] =	stream.indirect.scatter.add.f32 [tilespmem:s12], [sflag:$0x1], $0x1, s31, s11, $0xb8;
	[tilespmem:$0x1D080] =	vst v63  }
0x109: {  	s14 =	simm.s32 $0xF380;
	s13 =	simm.s32 $0x1  }
0x10a: {  	[spmem:s2] =	stream.indirect.scatter.add.f32 [tilespmem:s12], [sflag:$0x1], $0x1, s14, s11, $0xb8;
	[tilespmem:$0x1D080] =	vst v63  }
0x10b: {  	_ =	swait.ge [sflag:s13], $0x80  }
0x10c: {  	[sflag:s13] =	ssyncset.done $0x0  }
0x10d: {  	[sflag:s13] =	ssyncadd.s32 $0xFFFFFF80  }
0x10e: {  	_ =	swait.ge [sflag:s13], $0x80  }
0x10f: {  	[sflag:s13] =	ssyncset.done $0x0  }
0x110: {  	[sflag:s13] =	ssyncadd.s32 $0xFFFFFF80  }
0x111: {  	_ =	swait.ge [sflag:s13], $0x80  }
0x112: {  	[sflag:s13] =	ssyncset.done $0x0  }
0x113: {  	[sflag:s13] =	ssyncadd.s32 $0xFFFFFF80  }
0x114: {  	_ =	swait.ge [sflag:s13], $0x80  }
0x115: {  	[sflag:s13] =	ssyncset.done $0x0  }
0x116: {  	[sflag:s13] =	ssyncadd.s32 $0xFFFFFF80  }
0x117: {  	_ =	swait.ge [sflag:s13], $0x80  }
0x118: {  	[sflag:s13] =	ssyncset.done $0x0  }
0x119: {  	[sflag:s13] =	ssyncadd.s32 $0xFFFFFF80  }
0x11a: {  	_ =	swait.ge [sflag:s13], $0x80  }
0x11b: {  	[sflag:s13] =	ssyncset.done $0x0  }
0x11c: {  	[sflag:s13] =	ssyncadd.s32 $0xFFFFFF80  }
0x11d: {  	_ =	swait.ge [sflag:s13], $0x80  }
0x11e: {  	[sflag:s13] =	ssyncset.done $0x0  }
0x11f: {  	[sflag:s13] =	ssyncadd.s32 $0xFFFFFF80  }
0x120: {  	_ =	swait.ge [sflag:s13], $0x80  }
0x121: {  	s16 =	simm.s32 $0x200;
	s17 =	simm.s32 $0x1000;
	[sflag:s13] =	ssyncset.done $0x0  }
.LBB2_3:
0x122: {  	s18 =	sadd.s32 $0xA200, s16  }
0x123: {  	[sflag:s13] =	ssyncadd.s32 $0xFFFFFF80;
	s15 =	smov.u32 s17;
	s14 =	sadd.s32 $0x800, s17  }
0x124: {  	[spmem:s7] =	stream.indirect.scatter.add.f32 [tilespmem:s12], [sflag:$0x1], $0x1, s18, s11, $0xb8;
	[tilespmem:$0x1D080] =	vst v63  }
0x125: {  	p0 =	sne.s32 s17, $0x12800;
	s17 =	sadd.s32 $0xF200, s16  }
0x126: {  	[spmem:s2] =	stream.indirect.scatter.add.f32 [tilespmem:s12], [sflag:$0x1], $0x1, s17, s11, $0xb8;
	[tilespmem:$0x1D080] =	vst v63  }
0x127: {  	s17 =	sadd.s32 $0xA280, s16  }
0x128: {  	[spmem:s7] =	stream.indirect.scatter.add.f32 [tilespmem:s12], [sflag:$0x1], $0x1, s17, s11, $0xb8;
	[tilespmem:$0x1D080] =	vst v63  }
0x129: {  	s17 =	sadd.s32 $0xF280, s16  }
0x12a: {  	[spmem:s2] =	stream.indirect.scatter.add.f32 [tilespmem:s12], [sflag:$0x1], $0x1, s17, s11, $0xb8;
	[tilespmem:$0x1D080] =	vst v63  }
0x12b: {  	s17 =	sadd.s32 $0xA300, s16  }
0x12c: {  	[spmem:s7] =	stream.indirect.scatter.add.f32 [tilespmem:s12], [sflag:$0x1], $0x1, s17, s11, $0xb8;
	[tilespmem:$0x1D080] =	vst v63  }
0x12d: {  	s17 =	sadd.s32 $0xF300, s16  }
0x12e: {  	[spmem:s2] =	stream.indirect.scatter.add.f32 [tilespmem:s12], [sflag:$0x1], $0x1, s17, s11, $0xb8;
	[tilespmem:$0x1D080] =	vst v63  }
0x12f: {  	s17 =	sadd.s32 $0xA380, s16  }
0x130: {  	[spmem:s7] =	stream.indirect.scatter.add.f32 [tilespmem:s12], [sflag:$0x1], $0x1, s17, s11, $0xb8;
	[tilespmem:$0x1D080] =	vst v63  }
0x131: {  	s16 =	sadd.s32 $0xF380, s16  }
0x132: {  	[spmem:s2] =	stream.indirect.scatter.add.f32 [tilespmem:s12], [sflag:$0x1], $0x1, s16, s11, $0xb8;
	[tilespmem:$0x1D080] =	vst v63  }
0x133: {  	_ =	swait.ge [sflag:s13], $0x80  }
0x134: {  	[sflag:s13] =	ssyncset.done $0x0  }
0x135: {  	[sflag:s13] =	ssyncadd.s32 $0xFFFFFF80  }
0x136: {  	_ =	swait.ge [sflag:s13], $0x80  }
0x137: {  	[sflag:s13] =	ssyncset.done $0x0  }
0x138: {  	[sflag:s13] =	ssyncadd.s32 $0xFFFFFF80  }
0x139: {  	_ =	swait.ge [sflag:s13], $0x80  }
0x13a: {  	[sflag:s13] =	ssyncset.done $0x0  }
0x13b: {  	[sflag:s13] =	ssyncadd.s32 $0xFFFFFF80  }
0x13c: {  	_ =	swait.ge [sflag:s13], $0x80  }
0x13d: {  	[sflag:s13] =	ssyncset.done $0x0  }
0x13e: {  	[sflag:s13] =	ssyncadd.s32 $0xFFFFFF80  }
0x13f: {  	_ =	swait.ge [sflag:s13], $0x80  }
0x140: {  	[sflag:s13] =	ssyncset.done $0x0  }
0x141: {  	[sflag:s13] =	ssyncadd.s32 $0xFFFFFF80  }
0x142: {  	_ =	swait.ge [sflag:s13], $0x80  }
0x143: {  	[sflag:s13] =	ssyncset.done $0x0  }
0x144: {  	[sflag:s13] =	ssyncadd.s32 $0xFFFFFF80  }
.Ltmp1:
0x145: {  	_ =	swait.ge [sflag:s13], $0x80;
	(pc) =	sbr.rel @p0 .LBB2_3-.Ltmp1, $4  }
0x146: {  	[sflag:s13] =	ssyncset.done $0x0  }
0x147: {  	[sflag:s13] =	ssyncadd.s32 $0xFFFFFF80  }
0x148: {  	_ =	swait.ge [sflag:s13], $0x80  }
0x149: {  	s17 =	smov.u32 s14;
	s16 =	sshra.s32 s15, $0x2;
	[sflag:s13] =	ssyncset.done $0x0  }
0x14a: {  	s14 =	sadd.s32 $0xA200, s16;
	[sflag:s13] =	ssyncadd.s32 $0xFFFFFF80  }
0x14b: {  	[spmem:s7] =	stream.indirect.scatter.add.f32 [tilespmem:s12], [sflag:$0x1], $0x1, s14, s11, $0xb8;
	[tilespmem:$0x1D080] =	vst v63  }
0x14c: {  	s26 =	sadd.s32 $0xF200, s16  }
0x14d: {  	[spmem:s2] =	stream.indirect.scatter.add.f32 [tilespmem:s12], [sflag:$0x1], $0x1, s26, s11, $0xb8;
	[tilespmem:$0x1D080] =	vst v63  }
0x14e: {  	s28 =	sadd.s32 $0xA280, s16  }
0x14f: {  	[spmem:s7] =	stream.indirect.scatter.add.f32 [tilespmem:s12], [sflag:$0x1], $0x1, s28, s11, $0xb8;
	[tilespmem:$0x1D080] =	vst v63  }
0x150: {  	s29 =	sadd.s32 $0xF280, s16  }
0x151: {  	[spmem:s2] =	stream.indirect.scatter.add.f32 [tilespmem:s12], [sflag:$0x1], $0x1, s29, s11, $0xb8;
	[tilespmem:$0x1D080] =	vst v63  }
0x152: {  	s30 =	sadd.s32 $0xA300, s16  }
0x153: {  	[spmem:s7] =	stream.indirect.scatter.add.f32 [tilespmem:s12], [sflag:$0x1], $0x1, s30, s11, $0xb8;
	[tilespmem:$0x1D080] =	vst v63  }
0x154: {  	s31 =	sadd.s32 $0xF300, s16  }
0x155: {  	[spmem:s2] =	stream.indirect.scatter.add.f32 [tilespmem:s12], [sflag:$0x1], $0x1, s31, s11, $0xb8;
	[tilespmem:$0x1D080] =	vst v63  }
0x156: {  	s15 =	sadd.s32 $0xA380, s16  }
0x157: {  	[spmem:s7] =	stream.indirect.scatter.add.f32 [tilespmem:s12], [sflag:$0x1], $0x1, s15, s11, $0xb8;
	[tilespmem:$0x1D080] =	vst v63  }
0x158: {  	s16 =	sadd.s32 $0xF380, s16  }
0x159: {  	[spmem:s2] =	stream.indirect.scatter.add.f32 [tilespmem:s12], [sflag:$0x1], $0x1, s16, s11, $0xb8;
	[tilespmem:$0x1D080] =	vst v63  }
0x15a: {  	_ =	swait.ge [sflag:s13], $0x80  }
0x15b: {  	[sflag:s13] =	ssyncset.done $0x0  }
0x15c: {  	[sflag:s13] =	ssyncadd.s32 $0xFFFFFF80  }
0x15d: {  	_ =	swait.ge [sflag:s13], $0x80  }
0x15e: {  	[sflag:s13] =	ssyncset.done $0x0  }
0x15f: {  	[sflag:s13] =	ssyncadd.s32 $0xFFFFFF80  }
0x160: {  	_ =	swait.ge [sflag:s13], $0x80  }
0x161: {  	[sflag:s13] =	ssyncset.done $0x0  }
0x162: {  	[sflag:s13] =	ssyncadd.s32 $0xFFFFFF80  }
0x163: {  	_ =	swait.ge [sflag:s13], $0x80  }
0x164: {  	[sflag:s13] =	ssyncset.done $0x0  }
0x165: {  	[sflag:s13] =	ssyncadd.s32 $0xFFFFFF80  }
0x166: {  	_ =	swait.ge [sflag:s13], $0x80  }
0x167: {  	[sflag:s13] =	ssyncset.done $0x0  }
0x168: {  	[sflag:s13] =	ssyncadd.s32 $0xFFFFFF80  }
0x169: {  	_ =	swait.ge [sflag:s13], $0x80  }
0x16a: {  	[sflag:s13] =	ssyncset.done $0x0  }
0x16b: {  	[sflag:s13] =	ssyncadd.s32 $0xFFFFFF80  }
0x16c: {  	_ =	swait.ge [sflag:s13], $0x80  }
0x16d: {  	[sflag:s13] =	ssyncset.done $0x0  }
0x16e: {  	[sflag:s13] =	ssyncadd.s32 $0xFFFFFF80  }
0x16f: {  	_ =	swait.ge [sflag:s13], $0x80  }
0x170: {  	s17 =	simm.s32 $0x80;
	[sflag:s13] =	ssyncset.done $0x0  }
0x171: {  	s18 =	simm.s32 $0xEE00;
	s19 =	simm.s32 $0x1B900;
	[sflag:s13] =	ssyncadd.s32 $0xFFFFFF80  }
0x172: {  	[spmem:s7] =	stream.indirect.scatter.add.f32 [tilespmem:s19], [sflag:$0x1], $0x1, s18, s17, $0xb8;
	[tilespmem:$0x1D080] =	vst v63  }
0x173: {  	s20 =	simm.s32 $0x13E00  }
0x174: {  	[spmem:s2] =	stream.indirect.scatter.add.f32 [tilespmem:s19], [sflag:$0x1], $0x1, s20, s17, $0xb8;
	[tilespmem:$0x1D080] =	vst v63  }
0x175: {  	s21 =	simm.s32 $0xEE80;
	s22 =	simm.s32 $0x1B980  }
0x176: {  	[spmem:s7] =	stream.indirect.scatter.add.f32 [tilespmem:s22], [sflag:$0x1], $0x1, s21, s17, $0xb8;
	[tilespmem:$0x1D080] =	vst v63  }
0x177: {  	s23 =	simm.s32 $0x13E80  }
0x178: {  	[spmem:s2] =	stream.indirect.scatter.add.f32 [tilespmem:s22], [sflag:$0x1], $0x1, s23, s17, $0xb8;
	[tilespmem:$0x1D080] =	vst v63  }
0x179: {  	s24 =	simm.s32 $0xEF00  }
0x17a: {  	[spmem:s7] =	stream.indirect.scatter.add.f32 [tilespmem:s22], [sflag:$0x1], $0x1, s24, s17, $0xb8;
	[tilespmem:$0x1D080] =	vst v63  }
0x17b: {  	s25 =	simm.s32 $0x13F00  }
0x17c: {  	[spmem:s2] =	stream.indirect.scatter.add.f32 [tilespmem:s22], [sflag:$0x1], $0x1, s25, s17, $0xb8;
	[tilespmem:$0x1D080] =	vst v63  }
0x17d: {  	s26 =	simm.s32 $0xEF80  }
0x17e: {  	[spmem:s7] =	stream.indirect.scatter.add.f32 [tilespmem:s22], [sflag:$0x1], $0x1, s26, s17, $0xb8;
	[tilespmem:$0x1D080] =	vst v63  }
0x17f: {  	s28 =	simm.s32 $0x13F80;
	s29 =	simm.s32 $0x1  }
0x180: {  	[spmem:s2] =	stream.indirect.scatter.add.f32 [tilespmem:s22], [sflag:$0x1], $0x1, s28, s17, $0xb8;
	[tilespmem:$0x1D080] =	vst v63  }
0x181: {  	_ =	swait.ge [sflag:s29], $0x80  }
0x182: {  	[sflag:s29] =	ssyncset.done $0x0  }
0x183: {  	[sflag:s29] =	ssyncadd.s32 $0xFFFFFF80  }
0x184: {  	_ =	swait.ge [sflag:s29], $0x80  }
0x185: {  	[sflag:s29] =	ssyncset.done $0x0  }
0x186: {  	[sflag:s29] =	ssyncadd.s32 $0xFFFFFF80  }
0x187: {  	_ =	swait.ge [sflag:s29], $0x80  }
0x188: {  	[sflag:s29] =	ssyncset.done $0x0  }
0x189: {  	[sflag:s29] =	ssyncadd.s32 $0xFFFFFF80  }
0x18a: {  	_ =	swait.ge [sflag:s29], $0x80  }
0x18b: {  	[sflag:s29] =	ssyncset.done $0x0  }
0x18c: {  	[sflag:s29] =	ssyncadd.s32 $0xFFFFFF80  }
0x18d: {  	_ =	swait.ge [sflag:s29], $0x80  }
0x18e: {  	[sflag:s29] =	ssyncset.done $0x0  }
0x18f: {  	[sflag:s29] =	ssyncadd.s32 $0xFFFFFF80  }
0x190: {  	_ =	swait.ge [sflag:s29], $0x80  }
0x191: {  	[sflag:s29] =	ssyncset.done $0x0  }
0x192: {  	[sflag:s29] =	ssyncadd.s32 $0xFFFFFF80  }
0x193: {  	_ =	swait.ge [sflag:s29], $0x80  }
0x194: {  	[sflag:s29] =	ssyncset.done $0x0  }
0x195: {  	[sflag:s29] =	ssyncadd.s32 $0xFFFFFF80  }
0x196: {  	_ =	swait.ge [sflag:s29], $0x80  }
0x197: {  	[sflag:s29] =	ssyncset.done $0x0  }
0x198: {  	[sflag:s29] =	ssyncadd.s32 $0xFFFFFF80  }
0x199: {  	_ =	swait.ge [sflag:s29], $0x80  }
0x19a: {  	[sflag:s29] =	ssyncset.done $0x0  }
0x19b: {  	[sflag:s29] =	ssyncadd.s32 $0xFFFFFF80  }
0x19c: {  	_ =	swait.ge [sflag:s29], $0x80  }
0x19d: {  	[sflag:s29] =	ssyncset.done $0x0  }
0x19e: {  	[sflag:s29] =	ssyncadd.s32 $0xFFFFFF80  }
0x19f: {  	_ =	swait.ge [sflag:s29], $0x80  }
0x1a0: {  	[sflag:s29] =	ssyncset.done $0x0  }
0x1a1: {  	[sflag:s29] =	ssyncadd.s32 $0xFFFFFF80  }
0x1a2: {  	_ =	swait.ge [sflag:s29], $0x80  }
0x1a3: {  	[sflag:s29] =	ssyncset.done $0x0  }
0x1a4: {  	[sflag:s29] =	ssyncadd.s32 $0xFFFFFF80  }
0x1a5: {  	_ =	swait.ge [sflag:s29], $0x80  }
0x1a6: {  	[sflag:s29] =	ssyncset.done $0x0  }
0x1a7: {  	[sflag:s29] =	ssyncadd.s32 $0xFFFFFF80  }
0x1a8: {  	_ =	swait.ge [sflag:s29], $0x80  }
0x1a9: {  	[sflag:s29] =	ssyncset.done $0x0  }
0x1aa: {  	[sflag:s29] =	ssyncadd.s32 $0xFFFFFF80  }
0x1ab: {  	_ =	swait.ge [sflag:s29], $0x80  }
0x1ac: {  	[sflag:s29] =	ssyncset.done $0x0  }
0x1ad: {  	[sflag:s29] =	ssyncadd.s32 $0xFFFFFF80  }
0x1ae: {  	_ =	swait.ge [sflag:s29], $0x80  }
0x1af: {  	[sflag:s29] =	ssyncset.done $0x0  }
0x1b0: {  	[sflag:s29] =	ssyncadd.s32 $0xFFFFFF80  }
0x1b1: {  	s30 =	simm.s32 $0x1C180;
	s31 =	simm.s32 $0x2;
	[bflag:$0x0] =	sbarrier.arrive $0xFFFF  }
0x1b2: {  	[tilespmem:s30], [sflag:$0x2] =	stream.linear.gather [spmem:s8], $0x280, $0x38;
	[tilespmem:$0x1D080] =	vst v63  }
0x1b3: {  	_ =	swait.ge [sflag:s31], $0x280  }
0x1b4: {  	[sflag:s31] =	ssyncset.done $0x0  }
0x1b5: {  	s12 =	simm.s32 $0x0;
	[sflag:s31] =	ssyncadd.s32 $0xFFFFFD80  }
0x1b6: {  	v0 =	vld [tilespmem:s12+$0x1C180];
	_ =	sdelay $0x4  }
0x1b7: {  	s11 =	simm.s32 $0x10;
	v0 =	vmax.f32 v0, $1.000000000e+00  }
0x1b8: {  	v1 =	vld [tilespmem:s11+$0x1C180];
	v2 =	vshra.s32 v0, $0x1;
	v6 =	vmul.f32 $5.000000000e-01, v0  }
0x1b9: {  	v2 =	vsub.s32 $0x5F3759DF, v2  }
0x1ba: {  	v0 =	vmul.f32 v2, v6;
	_ =	sdelay $0x1  }
0x1bb: {  	s13 =	simm.s32 $0x20;
	v3 =	vmul.f32 v2, v0  }
0x1bc: {  	v0 =	vmax.f32 v1, $1.000000000e+00;
	v1 =	vld [tilespmem:s13+$0x1C180]  }
0x1bd: {  	v4 =	vshra.s32 v0, $0x1;
	v0 =	vmul.f32 $5.000000000e-01, v0;
	v3 =	vsub.f32 $1.500000000e+00, v3  }
0x1be: {  	v4 =	vsub.s32 $0x5F3759DF, v4  }
0x1bf: {  	v5 =	vmul.f32 v4, v0;
	v3 =	vmul.f32 v2, v3;
	_ =	sdelay $0x1  }
0x1c0: {  	s14 =	simm.s32 $0x30;
	v1 =	vmax.f32 v1, $1.000000000e+00;
	v5 =	vmul.f32 v4, v5;
	v7 =	vmul.f32 v3, v6  }
0x1c1: {  	v8 =	vld [tilespmem:s14+$0x1C180];
	v9 =	vshra.s32 v1, $0x1;
	v2 =	vmul.f32 $5.000000000e-01, v1  }
0x1c2: {  	v1 =	vsub.f32 $1.500000000e+00, v5;
	v5 =	vmul.f32 v7, v3;
	v7 =	vsub.s32 $0x5F3759DF, v9  }
0x1c3: {  	v9 =	vmul.f32 v7, v2  }
0x1c4: {  	v4 =	vmul.f32 v4, v1;
	v1 =	vsub.f32 $1.500000000e+00, v5  }
0x1c5: {  	v5 =	vmul.f32 v7, v9  }
0x1c6: {  	s15 =	simm.s32 $0x40;
	v8 =	vmax.f32 v8, $1.000000000e+00;
	v9 =	vmul.f32 v4, v0;
	v1 =	vmul.f32 v1, v3  }
0x1c7: {  	v10 =	vshra.s32 v8, $0x1;
	v3 =	vmul.f32 $5.000000000e-01, v8;
	v8 =	vld [tilespmem:s15+$0x1C180];
	v11 =	vsub.f32 $1.500000000e+00, v5  }
0x1c8: {  	v9 =	vmul.f32 v9, v4;
	v5 =	vsub.s32 $0x5F3759DF, v10;
	v12 =	vmul.f32 v1, v6  }
0x1c9: {  	v10 =	vmul.f32 v5, v3  }
0x1ca: {  	s16 =	simm.s32 $0x140;
	v6 =	vmul.f32 v7, v11;
	v9 =	vsub.f32 $1.500000000e+00, v9;
	v7 =	vmul.f32 v12, v1  }
.LBB2_5:
0x1cb: {  	s17 =	smov.u32 s14  }
0x1cc: {  	v11 =	vmax.f32 v8, $1.000000000e+00;
	v10 =	vmul.f32 v5, v10;
	v12 =	vmul.f32 v6, v2;
	s14 =	smov.u32 s15;
	s15 =	sshra.s32 s16, $0x2;
	p0 =	sne.s32 s16, $0x9C0  }
.Ltmp2:
0x1cd: {  	v8 =	vld [tilespmem:s15+$0x1C180];
	v13 =	vshra.s32 v11, $0x1;
	v9 =	vmul.f32 v9, v4;
	v7 =	vsub.f32 $1.500000000e+00, v7;
	v4 =	vmovc v6;
	(pc) =	sbr.rel @p0 .LBB2_5-.Ltmp2, $4  }
0x1ce: {  	s16 =	sadd.s32 $0x40, s16;
	v11 =	vmul.f32 $5.000000000e-01, v11;
	v6 =	vsub.f32 $1.500000000e+00, v10;
	v12 =	vmul.f32 v12, v4  }
0x1cf: {  	v13 =	vsub.s32 $0x5F3759DF, v13;
	v14 =	vmul.f32 v9, v0;
	v15 =	vmul.f32 v7, v1;
	v1 =	vmovc v9;
	v0 =	vmovc v2  }
0x1d0: {  	v10 =	vmul.f32 v13, v11;
	v2 =	vmovc v3;
	v3 =	vmovc v11;
	v6 =	vmul.f32 v5, v6;
	v5 =	vmov v13  }
0x1d1: {  	v9 =	vsub.f32 $1.500000000e+00, v12;
	v7 =	vmul.f32 v14, v1;
	[tilespmem:s12+$0x1BC80] =	vst v15;
	s12 =	smov.u32 s11;
	s11 =	smov.u32 s13;
	s13 =	smov.u32 s17  }
0x1d2: {  	v8 =	vmax.f32 v8, $1.000000000e+00  }
0x1d3: {  	v11 =	vshra.s32 v8, $0x1;
	v8 =	vmul.f32 $5.000000000e-01, v8  }
0x1d4: {  	v11 =	vsub.s32 $0x5F3759DF, v11  }
0x1d5: {  	v12 =	vmul.f32 v11, v8  }
0x1d6: {  	v10 =	vmul.f32 v5, v10  }
0x1d7: {  	v12 =	vmul.f32 v11, v12  }
0x1d8: {  	v10 =	vsub.f32 $1.500000000e+00, v10  }
0x1d9: {  	v12 =	vsub.f32 $1.500000000e+00, v12  }
0x1da: {  	v5 =	vmul.f32 v5, v10  }
0x1db: {  	v10 =	vmul.f32 v6, v2;
	v11 =	vmul.f32 v11, v12  }
0x1dc: {  	v62 =	vmul.f32 v5, v3  }
0x1dd: {  	v10 =	vmul.f32 v10, v6;
	v13 =	vmul.f32 v11, v8  }
0x1de: {  	v12 =	vmul.f32 v62, v5  }
0x1df: {  	v10 =	vsub.f32 $1.500000000e+00, v10;
	v13 =	vmul.f32 v13, v11  }
0x1e0: {  	v4 =	vmul.f32 v9, v4;
	v9 =	vsub.f32 $1.500000000e+00, v12  }
0x1e1: {  	v6 =	vmul.f32 v10, v6;
	v10 =	vsub.f32 $1.500000000e+00, v13  }
0x1e2: {  	v0 =	vmul.f32 v4, v0;
	v5 =	vmul.f32 v9, v5  }
0x1e3: {  	v2 =	vmul.f32 v6, v2;
	v9 =	vmul.f32 v10, v11  }
0x1e4: {  	v0 =	vmul.f32 v0, v4;
	v3 =	vmul.f32 v5, v3  }
0x1e5: {  	v7 =	vsub.f32 $1.500000000e+00, v7;
	v2 =	vmul.f32 v2, v6;
	v8 =	vmul.f32 v9, v8  }
0x1e6: {  	v0 =	vsub.f32 $1.500000000e+00, v0;
	v3 =	vmul.f32 v3, v5  }
0x1e7: {  	v1 =	vmul.f32 v7, v1;
	v2 =	vsub.f32 $1.500000000e+00, v2;
	v7 =	vmul.f32 v8, v9  }
0x1e8: {  	v0 =	vmul.f32 v0, v4;
	v3 =	vsub.f32 $1.500000000e+00, v3  }
0x1e9: {  	[tilespmem:s12+$0x1BC80] =	vst v1;
	v1 =	vmul.f32 v2, v6;
	v2 =	vsub.f32 $1.500000000e+00, v7  }
0x1ea: {  	[tilespmem:s11+$0x1BC80] =	vst v0;
	v0 =	vmul.f32 v3, v5  }
0x1eb: {  	[tilespmem:s13+$0x1BC80] =	vst v1;
	v1 =	vmul.f32 v2, v9  }
0x1ec: {  	[tilespmem:s14+$0x1BC80] =	vst v0  }
0x1ed: {  	s30 =	simm.s32 $0x1C180;
	s31 =	simm.s32 $0x2;
	[tilespmem:s15+$0x1BC80] =	vst v1  }
0x1ee: {  	[tilespmem:s30], [sflag:$0x2] =	stream.linear.gather [spmem:s3], $0x280, $0x38;
	[tilespmem:$0x1D080] =	vst v63  }
0x1ef: {  	_ =	swait.ge [sflag:s31], $0x280  }
0x1f0: {  	[sflag:s31] =	ssyncset.done $0x0  }
0x1f1: {  	s12 =	simm.s32 $0x0;
	[sflag:s31] =	ssyncadd.s32 $0xFFFFFD80  }
0x1f2: {  	v0 =	vld [tilespmem:s12+$0x1C180];
	_ =	sdelay $0x4  }
0x1f3: {  	s11 =	simm.s32 $0x10;
	v0 =	vmax.f32 v0, $1.000000000e+00  }
0x1f4: {  	v1 =	vld [tilespmem:s11+$0x1C180];
	v2 =	vshra.s32 v0, $0x1;
	v6 =	vmul.f32 $5.000000000e-01, v0  }
0x1f5: {  	v2 =	vsub.s32 $0x5F3759DF, v2  }
0x1f6: {  	v0 =	vmul.f32 v2, v6;
	_ =	sdelay $0x1  }
0x1f7: {  	s13 =	simm.s32 $0x20;
	v3 =	vmul.f32 v2, v0  }
0x1f8: {  	v0 =	vmax.f32 v1, $1.000000000e+00;
	v1 =	vld [tilespmem:s13+$0x1C180]  }
0x1f9: {  	v4 =	vshra.s32 v0, $0x1;
	v0 =	vmul.f32 $5.000000000e-01, v0;
	v3 =	vsub.f32 $1.500000000e+00, v3  }
0x1fa: {  	v4 =	vsub.s32 $0x5F3759DF, v4  }
0x1fb: {  	v5 =	vmul.f32 v4, v0;
	v3 =	vmul.f32 v2, v3;
	_ =	sdelay $0x1  }
0x1fc: {  	s14 =	simm.s32 $0x30;
	v1 =	vmax.f32 v1, $1.000000000e+00;
	v5 =	vmul.f32 v4, v5;
	v7 =	vmul.f32 v3, v6  }
0x1fd: {  	v8 =	vld [tilespmem:s14+$0x1C180];
	v9 =	vshra.s32 v1, $0x1;
	v2 =	vmul.f32 $5.000000000e-01, v1  }
0x1fe: {  	v1 =	vsub.f32 $1.500000000e+00, v5;
	v5 =	vmul.f32 v7, v3;
	v7 =	vsub.s32 $0x5F3759DF, v9  }
0x1ff: {  	v9 =	vmul.f32 v7, v2  }
0x200: {  	v4 =	vmul.f32 v4, v1;
	v1 =	vsub.f32 $1.500000000e+00, v5  }
0x201: {  	v5 =	vmul.f32 v7, v9  }
0x202: {  	s15 =	simm.s32 $0x40;
	v8 =	vmax.f32 v8, $1.000000000e+00;
	v9 =	vmul.f32 v4, v0;
	v1 =	vmul.f32 v1, v3  }
0x203: {  	v10 =	vshra.s32 v8, $0x1;
	v3 =	vmul.f32 $5.000000000e-01, v8;
	v8 =	vld [tilespmem:s15+$0x1C180];
	v11 =	vsub.f32 $1.500000000e+00, v5  }
0x204: {  	v9 =	vmul.f32 v9, v4;
	v5 =	vsub.s32 $0x5F3759DF, v10;
	v63 =	vmul.f32 v1, v6  }
0x205: {  	v10 =	vmul.f32 v5, v3  }
0x206: {  	s16 =	simm.s32 $0x140;
	v6 =	vmul.f32 v7, v11;
	v9 =	vsub.f32 $1.500000000e+00, v9;
	v7 =	vmul.f32 v63, v1  }
.LBB2_7:
0x207: {  	s17 =	smov.u32 s14  }
0x208: {  	v11 =	vmax.f32 v8, $1.000000000e+00;
	v10 =	vmul.f32 v5, v10;
	v12 =	vmul.f32 v6, v2;
	s14 =	smov.u32 s15;
	s15 =	sshra.s32 s16, $0x2;
	p0 =	sne.s32 s16, $0x9C0  }
.Ltmp3:
0x209: {  	v8 =	vld [tilespmem:s15+$0x1C180];
	v13 =	vshra.s32 v11, $0x1;
	v9 =	vmul.f32 v9, v4;
	v7 =	vsub.f32 $1.500000000e+00, v7;
	v4 =	vmovc v6;
	(pc) =	sbr.rel @p0 .LBB2_7-.Ltmp3, $4  }
0x20a: {  	s16 =	sadd.s32 $0x40, s16;
	v11 =	vmul.f32 $5.000000000e-01, v11;
	v6 =	vsub.f32 $1.500000000e+00, v10;
	v12 =	vmul.f32 v12, v4  }
0x20b: {  	v13 =	vsub.s32 $0x5F3759DF, v13;
	v14 =	vmul.f32 v9, v0;
	v15 =	vmul.f32 v7, v1;
	v1 =	vmovc v9;
	v0 =	vmovc v2  }
0x20c: {  	v10 =	vmul.f32 v13, v11;
	v2 =	vmovc v3;
	v3 =	vmovc v11;
	v6 =	vmul.f32 v5, v6;
	v5 =	vmov v13  }
0x20d: {  	v9 =	vsub.f32 $1.500000000e+00, v12;
	v7 =	vmul.f32 v14, v1;
	[tilespmem:s12+$0x1BF00] =	vst v15;
	s12 =	smov.u32 s11;
	s11 =	smov.u32 s13;
	s13 =	smov.u32 s17  }
0x20e: {  	v8 =	vmax.f32 v8, $1.000000000e+00  }
0x20f: {  	v11 =	vshra.s32 v8, $0x1;
	v8 =	vmul.f32 $5.000000000e-01, v8  }
0x210: {  	v11 =	vsub.s32 $0x5F3759DF, v11  }
0x211: {  	v12 =	vmul.f32 v11, v8  }
0x212: {  	v10 =	vmul.f32 v5, v10  }
0x213: {  	v12 =	vmul.f32 v11, v12  }
0x214: {  	v10 =	vsub.f32 $1.500000000e+00, v10  }
0x215: {  	v12 =	vsub.f32 $1.500000000e+00, v12  }
0x216: {  	v49 =	vmul.f32 v5, v10  }
0x217: {  	v50 =	vmul.f32 v6, v2;
	v11 =	vmul.f32 v11, v12  }
0x218: {  	v51 =	vmul.f32 v49, v3  }
0x219: {  	v10 =	vmul.f32 v50, v6;
	v13 =	vmul.f32 v11, v8  }
0x21a: {  	v12 =	vmul.f32 v51, v49  }
0x21b: {  	v10 =	vsub.f32 $1.500000000e+00, v10;
	v13 =	vmul.f32 v13, v11  }
0x21c: {  	v4 =	vmul.f32 v9, v4;
	v52 =	vsub.f32 $1.500000000e+00, v12  }
0x21d: {  	v53 =	vmul.f32 v10, v6;
	v54 =	vsub.f32 $1.500000000e+00, v13  }
0x21e: {  	v0 =	vmul.f32 v4, v0;
	v5 =	vmul.f32 v52, v49  }
0x21f: {  	v55 =	vmul.f32 v53, v2;
	v56 =	vmul.f32 v54, v11  }
0x220: {  	v0 =	vmul.f32 v0, v4;
	v57 =	vmul.f32 v5, v3  }
0x221: {  	v7 =	vsub.f32 $1.500000000e+00, v7;
	v2 =	vmul.f32 v55, v53;
	v8 =	vmul.f32 v56, v8  }
0x222: {  	v0 =	vsub.f32 $1.500000000e+00, v0;
	v3 =	vmul.f32 v57, v5  }
0x223: {  	v1 =	vmul.f32 v7, v1;
	v2 =	vsub.f32 $1.500000000e+00, v2;
	v58 =	vmul.f32 v8, v56  }
0x224: {  	v0 =	vmul.f32 v0, v4;
	v3 =	vsub.f32 $1.500000000e+00, v3  }
0x225: {  	[tilespmem:s12+$0x1BF00] =	vst v1;
	v59 =	vmul.f32 v2, v53;
	v60 =	vsub.f32 $1.500000000e+00, v58  }
0x226: {  	[tilespmem:s11+$0x1BF00] =	vst v0;
	v61 =	vmul.f32 v3, v5  }
0x227: {  	[tilespmem:s13+$0x1BF00] =	vst v59;
	v62 =	vmul.f32 v60, v56  }
0x228: {  	[tilespmem:s14+$0x1BF00] =	vst v61  }
0x229: {  	s28 =	sadd.s32 s6, s10;
	s29 =	simm.s32 $0x1BF00;
	s30 =	simm.s32 $0x2;
	[tilespmem:s15+$0x1BF00] =	vst v62  }
0x22a: {  	[spmem:s28] =	stream.linear.scatter [tilespmem:s29], [sflag:$0x2], $0x280, $0x38;
	[tilespmem:$0x1D080] =	vst v63  }
0x22b: {  	_ =	swait.ge [sflag:s30], $0x280  }
0x22c: {  	[sflag:s30] =	ssyncset.done $0x0  }
0x22d: {  	s31 =	simm.s32 $0x1BA00;
	[sflag:s30] =	ssyncadd.s32 $0xFFFFFD80  }
0x22e: {  	[spmem:s8] =	stream.linear.scatter [tilespmem:s31], [sflag:$0x2], $0x280, $0x38;
	[tilespmem:$0x1D080] =	vst v63  }
0x22f: {  	_ =	swait.ge [sflag:s30], $0x280  }
0x230: {  	[sflag:s30] =	ssyncset.done $0x0  }
0x231: {  	[sflag:s30] =	ssyncadd.s32 $0xFFFFFD80  }
0x232: {  	[spmem:s3] =	stream.linear.scatter [tilespmem:s31], [sflag:$0x2], $0x280, $0x38;
	[tilespmem:$0x1D080] =	vst v63  }
0x233: {  	_ =	swait.ge [sflag:s30], $0x280  }
0x234: {  	[sflag:s30] =	ssyncset.done $0x0  }
0x235: {  	[sflag:s30] =	ssyncadd.s32 $0xFFFFFD80  }
0x236: {  	s11 =	simm.s32 $0x19000;
	[bflag:$0x0] =	sbarrier.arrive $0xFFFF  }
0x237: {  	[tilespmem:s11], [sflag:$0x2] =	stream.linear.gather [spmem:s10], $0x2800, $0x38;
	[tilespmem:$0x1D080] =	vst v63  }
0x238: {  	_ =	swait.ge [sflag:s30], $0x2800  }
0x239: {  	[sflag:s30] =	ssyncset.done $0x0  }
0x23a: {  	v63 =	vimm.f32 $0.0e+00;
	s12 =	simm.s32 $0x5040;
	[sflag:s30] =	ssyncadd.s32 $0xFFFFD800  }
0x23b: {  	s13 =	simm.s32 $0x14070;
	s14 =	simm.s32 $0x80;
	s10 =	simm.s32 $0x0;
	[tilespmem:$0x1B800] =	vst v63  }
.LBB2_9:
0x23c: {  	v0 =	vmov s12;
	_ =	sdelay $0x2  }
0x23d: {  	v1 =	vmov s13;
	s15 =	simm.s32 $0x0  }
.LBB2_10:
0x23e: {  	s16 =	sshra.s32 s15, $0x2  }
0x23f: {  	v2 =	vld.idx.msk [tilespmem:v0+s16+$0xFFFFFFC0 ss:$0x1], $0xffff;
	_ =	sdelay $0x7  }
0x240: {  	v2 =	vld.idx.msk [tilespmem:v2+s11+$0x0], $0xffff;
	_ =	sdelay $0x4  }
0x241: {  	[tilespmem:v1+s16+$0xFFFFFF90 ss:$0x1] =	vst.idx.msk $0xffff, v2  }
0x242: {  	v2 =	vld.idx.msk [tilespmem:v0+s16+$0xFFFFFFD0 ss:$0x1], $0xffff;
	_ =	sdelay $0x7  }
0x243: {  	v2 =	vld.idx.msk [tilespmem:v2+s11+$0x0], $0xffff;
	_ =	sdelay $0x4  }
0x244: {  	[tilespmem:v1+s16+$0xFFFFFFA0 ss:$0x1] =	vst.idx.msk $0xffff, v2  }
0x245: {  	v2 =	vld.idx.msk [tilespmem:v0+s16+$0xFFFFFFE0 ss:$0x1], $0xffff;
	_ =	sdelay $0x7  }
0x246: {  	v2 =	vld.idx.msk [tilespmem:v2+s11+$0x0], $0xffff;
	_ =	sdelay $0x4  }
0x247: {  	[tilespmem:v1+s16+$0xFFFFFFB0 ss:$0x1] =	vst.idx.msk $0xffff, v2  }
0x248: {  	v2 =	vld.idx.msk [tilespmem:v0+s16+$0xFFFFFFF0 ss:$0x1], $0xffff;
	_ =	sdelay $0x7  }
0x249: {  	v2 =	vld.idx.msk [tilespmem:v2+s11+$0x0], $0xffff;
	_ =	sdelay $0x4  }
0x24a: {  	[tilespmem:v1+s16+$0xFFFFFFC0 ss:$0x1] =	vst.idx.msk $0xffff, v2  }
0x24b: {  	v2 =	vld.idx.msk [tilespmem:v0+s16+$0x0 ss:$0x1], $0xffff;
	_ =	sdelay $0x7  }
0x24c: {  	v2 =	vld.idx.msk [tilespmem:v2+s11+$0x0], $0xffff;
	_ =	sdelay $0x4  }
0x24d: {  	[tilespmem:v1+s16+$0xFFFFFFD0 ss:$0x1] =	vst.idx.msk $0xffff, v2  }
0x24e: {  	v2 =	vld.idx.msk [tilespmem:v0+s16+$0x10 ss:$0x1], $0xffff;
	_ =	sdelay $0x7  }
0x24f: {  	v2 =	vld.idx.msk [tilespmem:v2+s11+$0x0], $0xffff;
	_ =	sdelay $0x4  }
0x250: {  	[tilespmem:v1+s16+$0xFFFFFFE0 ss:$0x1] =	vst.idx.msk $0xffff, v2  }
0x251: {  	v2 =	vld.idx.msk [tilespmem:v0+s16+$0x20 ss:$0x1], $0xffff;
	_ =	sdelay $0x7  }
0x252: {  	v2 =	vld.idx.msk [tilespmem:v2+s11+$0x0], $0xffff;
	_ =	sdelay $0x4  }
0x253: {  	[tilespmem:v1+s16+$0xFFFFFFF0 ss:$0x1] =	vst.idx.msk $0xffff, v2  }
0x254: {  	v2 =	vld.idx.msk [tilespmem:v0+s16+$0x30 ss:$0x1], $0xffff;
	_ =	sdelay $0x7  }
0x255: {  	p0 =	sne.s32 s15, $0xE00;
	v2 =	vld.idx.msk [tilespmem:v2+s11+$0x0], $0xffff  }
.Ltmp4:
0x256: {  	_ = 	snop;
	(pc) =	sbr.rel @p0 .LBB2_10-.Ltmp4, $2  }
0x257: {  	_ =	sdelay $0x2  }
0x258: {  	s15 =	sadd.s32 $0x200, s15;
	[tilespmem:v1+s16+$0x0 ss:$0x1] =	vst.idx.msk $0xffff, v2  }
0x259: {  	s15 =	sshll.u32 s10, $0xA  }
0x25a: {  	s16 =	sand.u32 $0x3FFFFC00, s15  }
0x25b: {  	s17 =	sadd.s32 $0x14000, s16;
	s16 =	sadd.s32 $0xA000, s16  }
0x25c: {  	[spmem:s7] =	stream.indirect.scatter.add.f32 [tilespmem:s17], [sflag:$0x1], $0x1, s16, s14, $0xb8;
	[tilespmem:$0x1D080] =	vst v63  }
0x25d: {  	s18 =	sadd.s32 $0x14080, s15;
	s19 =	sadd.s32 $0xA080, s15  }
0x25e: {  	[spmem:s7] =	stream.indirect.scatter.add.f32 [tilespmem:s18], [sflag:$0x1], $0x1, s19, s14, $0xb8;
	[tilespmem:$0x1D080] =	vst v63  }
0x25f: {  	s20 =	sadd.s32 $0x14100, s15;
	s21 =	sadd.s32 $0xA100, s15  }
0x260: {  	[spmem:s7] =	stream.indirect.scatter.add.f32 [tilespmem:s20], [sflag:$0x1], $0x1, s21, s14, $0xb8;
	[tilespmem:$0x1D080] =	vst v63  }
0x261: {  	s22 =	sadd.s32 $0x14180, s15;
	s23 =	sadd.s32 $0xA180, s15  }
0x262: {  	[spmem:s7] =	stream.indirect.scatter.add.f32 [tilespmem:s22], [sflag:$0x1], $0x1, s23, s14, $0xb8;
	[tilespmem:$0x1D080] =	vst v63  }
0x263: {  	s24 =	sadd.s32 $0x14200, s15;
	s25 =	sadd.s32 $0xA200, s15  }
0x264: {  	[spmem:s7] =	stream.indirect.scatter.add.f32 [tilespmem:s24], [sflag:$0x1], $0x1, s25, s14, $0xb8;
	[tilespmem:$0x1D080] =	vst v63  }
0x265: {  	s26 =	sadd.s32 $0x14280, s15;
	s28 =	sadd.s32 $0xA280, s15  }
0x266: {  	[spmem:s7] =	stream.indirect.scatter.add.f32 [tilespmem:s26], [sflag:$0x1], $0x1, s28, s14, $0xb8;
	[tilespmem:$0x1D080] =	vst v63  }
0x267: {  	s29 =	sadd.s32 $0x14300, s15;
	s30 =	sadd.s32 $0xA300, s15  }
0x268: {  	[spmem:s7] =	stream.indirect.scatter.add.f32 [tilespmem:s29], [sflag:$0x1], $0x1, s30, s14, $0xb8;
	[tilespmem:$0x1D080] =	vst v63  }
0x269: {  	p0 =	seq.s32 s10, $0x0;
	s31 =	sadd.s32 $0x14380, s15;
	s15 =	sadd.s32 $0xA380, s15  }
0x26a: {  	[spmem:s7] =	stream.indirect.scatter.add.f32 [tilespmem:s31], [sflag:$0x1], $0x1, s15, s14, $0xb8;
	[tilespmem:$0x1D080] =	vst v63  }
0x26b: {  	s15 =	simm.s32 @!p0 $0x1  }
0x26c: {  	_ =	swait.ge @!p0 [sflag:s15], $0x80  }
0x26d: {  	[sflag:s15] =	ssyncset.done @!p0 $0x0  }
0x26e: {  	[sflag:s15] =	ssyncadd.s32 @!p0 $0xFFFFFF80  }
0x26f: {  	_ =	swait.ge @!p0 [sflag:s15], $0x80  }
0x270: {  	[sflag:s15] =	ssyncset.done @!p0 $0x0  }
0x271: {  	[sflag:s15] =	ssyncadd.s32 @!p0 $0xFFFFFF80  }
0x272: {  	_ =	swait.ge @!p0 [sflag:s15], $0x80  }
0x273: {  	[sflag:s15] =	ssyncset.done @!p0 $0x0  }
0x274: {  	[sflag:s15] =	ssyncadd.s32 @!p0 $0xFFFFFF80  }
0x275: {  	_ =	swait.ge @!p0 [sflag:s15], $0x80  }
0x276: {  	[sflag:s15] =	ssyncset.done @!p0 $0x0  }
0x277: {  	[sflag:s15] =	ssyncadd.s32 @!p0 $0xFFFFFF80  }
0x278: {  	_ =	swait.ge @!p0 [sflag:s15], $0x80  }
0x279: {  	[sflag:s15] =	ssyncset.done @!p0 $0x0  }
0x27a: {  	[sflag:s15] =	ssyncadd.s32 @!p0 $0xFFFFFF80  }
0x27b: {  	_ =	swait.ge @!p0 [sflag:s15], $0x80  }
0x27c: {  	[sflag:s15] =	ssyncset.done @!p0 $0x0  }
0x27d: {  	s10 =	sadd.s32 $0x1, s10;
	[sflag:s15] =	ssyncadd.s32 @!p0 $0xFFFFFF80  }
0x27e: {  	p1 =	sne.s32 s10, $0x14;
	_ =	swait.ge @!p0 [sflag:s15], $0x80  }
.Ltmp5:
0x27f: {  	[sflag:s15] =	ssyncset.done @!p0 $0x0;
	(pc) =	sbr.rel @p1 .LBB2_9-.Ltmp5, $4  }
0x280: {  	[sflag:s15] =	ssyncadd.s32 @!p0 $0xFFFFFF80  }
0x281: {  	_ =	swait.ge @!p0 [sflag:s15], $0x80  }
0x282: {  	[sflag:s15] =	ssyncset.done @!p0 $0x0  }
0x283: {  	s12 =	sadd.s32 $0x400, s12;
	s13 =	sadd.s32 $0x400, s13;
	[sflag:s15] =	ssyncadd.s32 @!p0 $0xFFFFFF80  }
0x284: {  	s7 =	simm.s32 $0x1  }
0x285: {  	_ =	swait.ge [sflag:s7], $0x80  }
0x286: {  	[sflag:s7] =	ssyncset.done $0x0  }
0x287: {  	[sflag:s7] =	ssyncadd.s32 $0xFFFFFF80  }
0x288: {  	_ =	swait.ge [sflag:s7], $0x80  }
0x289: {  	[sflag:s7] =	ssyncset.done $0x0  }
0x28a: {  	[sflag:s7] =	ssyncadd.s32 $0xFFFFFF80  }
0x28b: {  	_ =	swait.ge [sflag:s7], $0x80  }
0x28c: {  	[sflag:s7] =	ssyncset.done $0x0  }
0x28d: {  	[sflag:s7] =	ssyncadd.s32 $0xFFFFFF80  }
0x28e: {  	_ =	swait.ge [sflag:s7], $0x80  }
0x28f: {  	[sflag:s7] =	ssyncset.done $0x0  }
0x290: {  	[sflag:s7] =	ssyncadd.s32 $0xFFFFFF80  }
0x291: {  	_ =	swait.ge [sflag:s7], $0x80  }
0x292: {  	[sflag:s7] =	ssyncset.done $0x0  }
0x293: {  	[sflag:s7] =	ssyncadd.s32 $0xFFFFFF80  }
0x294: {  	_ =	swait.ge [sflag:s7], $0x80  }
0x295: {  	[sflag:s7] =	ssyncset.done $0x0  }
0x296: {  	[sflag:s7] =	ssyncadd.s32 $0xFFFFFF80  }
0x297: {  	_ =	swait.ge [sflag:s7], $0x80  }
0x298: {  	[sflag:s7] =	ssyncset.done $0x0  }
0x299: {  	[sflag:s7] =	ssyncadd.s32 $0xFFFFFF80  }
0x29a: {  	_ =	swait.ge [sflag:s7], $0x80  }
0x29b: {  	[sflag:s7] =	ssyncset.done $0x0  }
0x29c: {  	[sflag:s7] =	ssyncadd.s32 $0xFFFFFF80  }
0x29d: {  	s30 =	simm.s32 $0x1C180;
	s31 =	simm.s32 $0x2;
	[bflag:$0x0] =	sbarrier.arrive $0xFFFF  }
0x29e: {  	[tilespmem:s30], [sflag:$0x2] =	stream.linear.gather [spmem:s8], $0x280, $0x38;
	[tilespmem:$0x1D080] =	vst v63  }
0x29f: {  	_ =	swait.ge [sflag:s31], $0x280  }
0x2a0: {  	[sflag:s31] =	ssyncset.done $0x0  }
0x2a1: {  	s7 =	simm.s32 $0x0;
	[sflag:s31] =	ssyncadd.s32 $0xFFFFFD80  }
0x2a2: {  	v0 =	vld [tilespmem:s7+$0x1BC80]  }
0x2a3: {  	v1 =	vld [tilespmem:s7+$0x1C180];
	_ =	sdelay $0x1  }
0x2a4: {  	v2 =	vld [tilespmem:s7+$0x1BF00];
	_ =	sdelay $0x2  }
0x2a5: {  	v1 =	vmul.f32 v1, v0  }
0x2a6: {  	s8 =	simm.s32 $0x10  }
0x2a7: {  	s10 =	simm.s32 $0x80;
	v0 =	vld [tilespmem:s8+$0x1BC80];
	[tilespmem:s7+$0x1C400] =	vst v1;
	v1 =	vmul.f32 v2, v1  }
.LBB2_13:
0x2a8: {  	p0 =	sne.s32 s10, $0x9C0;
	v2 =	vld [tilespmem:s8+$0x1C180]  }
0x2a9: {  	[tilespmem:s7+$0x1BF00] =	vst v1;
	s7 =	smov.u32 s8  }
0x2aa: {  	v1 =	vld [tilespmem:s7+$0x1BF00]  }
.Ltmp6:
0x2ab: {  	(pc) =	sbr.rel @p0 .LBB2_13-.Ltmp6, $4  }
0x2ac: {  	_ = 	snop  }
0x2ad: {  	v2 =	vmul.f32 v2, v0  }
0x2ae: {  	s8 =	sshra.s32 s10, $0x2  }
0x2af: {  	s10 =	sadd.s32 $0x40, s10;
	v0 =	vld [tilespmem:s8+$0x1BC80];
	[tilespmem:s7+$0x1C400] =	vst v2;
	v1 =	vmul.f32 v1, v2  }
0x2b0: {  	v2 =	vld [tilespmem:s8+$0x1C180]  }
0x2b1: {  	[tilespmem:s7+$0x1BF00] =	vst v1  }
0x2b2: {  	v1 =	vld [tilespmem:s8+$0x1BF00];
	_ =	sdelay $0x2  }
0x2b3: {  	v0 =	vmul.f32 v2, v0;
	_ =	sdelay $0x1  }
0x2b4: {  	v1 =	vmul.f32 v1, v0  }
0x2b5: {  	s10 =	simm.s32 $0x1C400;
	s7 =	sshrl.u32 s6, $0x3;
	[tilespmem:s8+$0x1C400] =	vst v0  }
0x2b6: {  	s29 =	simm.s32 $0x2;
	s9 =	sadd.s32 s9, s7;
	[tilespmem:s8+$0x1BF00] =	vst v1;
	s8 =	simm.s32 $0x0  }
0x2b7: {  	[hbm4b:s9+s8] =	stream.linear.scatter [tilespmem:s10], [sflag:$0x2], $0x280, $0x38;
	[tilespmem:$0x1D080] =	vst v63  }
0x2b8: {  	_ =	swait.ge [sflag:s29], $0x280  }
0x2b9: {  	[sflag:s29] =	ssyncset.done $0x0  }
0x2ba: {  	s30 =	sadd.s32 s6, s5;
	s31 =	simm.s32 $0x1BF00;
	[sflag:s29] =	ssyncadd.s32 $0xFFFFFD80  }
0x2bb: {  	[spmem:s30] =	stream.linear.scatter [tilespmem:s31], [sflag:$0x2], $0x280, $0x38;
	[tilespmem:$0x1D080] =	vst v63  }
0x2bc: {  	_ =	swait.ge [sflag:s29], $0x280  }
0x2bd: {  	[sflag:s29] =	ssyncset.done $0x0  }
0x2be: {  	[sflag:s29] =	ssyncadd.s32 $0xFFFFFD80  }
0x2bf: {  	s6 =	simm.s32 $0x19000;
	[bflag:$0x0] =	sbarrier.arrive $0xFFFF  }
0x2c0: {  	[tilespmem:s6], [sflag:$0x2] =	stream.linear.gather [spmem:s5], $0x2800, $0x38;
	[tilespmem:$0x1D080] =	vst v63  }
0x2c1: {  	_ =	swait.ge [sflag:s29], $0x2800  }
0x2c2: {  	[sflag:s29] =	ssyncset.done $0x0  }
0x2c3: {  	v63 =	vimm.f32 $0.0e+00;
	[sflag:s29] =	ssyncadd.s32 $0xFFFFD800  }
0x2c4: {  	s9 =	simm.s32 $0x14070;
	s10 =	simm.s32 $0x80;
	s5 =	simm.s32 $0x5040;
	[tilespmem:$0x1B800] =	vst v63  }
.LBB2_15:
0x2c5: {  	v0 =	vmov s5;
	_ =	sdelay $0x2  }
0x2c6: {  	v1 =	vmov s9;
	s11 =	simm.s32 $0x0  }
.LBB2_16:
0x2c7: {  	s12 =	sshra.s32 s11, $0x2  }
0x2c8: {  	v2 =	vld.idx.msk [tilespmem:v0+s12+$0xFFFFFFC0 ss:$0x1], $0xffff;
	_ =	sdelay $0x7  }
0x2c9: {  	v2 =	vld.idx.msk [tilespmem:v2+s6+$0x0], $0xffff;
	_ =	sdelay $0x4  }
0x2ca: {  	[tilespmem:v1+s12+$0xFFFFFF90 ss:$0x1] =	vst.idx.msk $0xffff, v2  }
0x2cb: {  	v2 =	vld.idx.msk [tilespmem:v0+s12+$0xFFFFFFD0 ss:$0x1], $0xffff;
	_ =	sdelay $0x7  }
0x2cc: {  	v2 =	vld.idx.msk [tilespmem:v2+s6+$0x0], $0xffff;
	_ =	sdelay $0x4  }
0x2cd: {  	[tilespmem:v1+s12+$0xFFFFFFA0 ss:$0x1] =	vst.idx.msk $0xffff, v2  }
0x2ce: {  	v2 =	vld.idx.msk [tilespmem:v0+s12+$0xFFFFFFE0 ss:$0x1], $0xffff;
	_ =	sdelay $0x7  }
0x2cf: {  	v2 =	vld.idx.msk [tilespmem:v2+s6+$0x0], $0xffff;
	_ =	sdelay $0x4  }
0x2d0: {  	[tilespmem:v1+s12+$0xFFFFFFB0 ss:$0x1] =	vst.idx.msk $0xffff, v2  }
0x2d1: {  	v2 =	vld.idx.msk [tilespmem:v0+s12+$0xFFFFFFF0 ss:$0x1], $0xffff;
	_ =	sdelay $0x7  }
0x2d2: {  	v2 =	vld.idx.msk [tilespmem:v2+s6+$0x0], $0xffff;
	_ =	sdelay $0x4  }
0x2d3: {  	[tilespmem:v1+s12+$0xFFFFFFC0 ss:$0x1] =	vst.idx.msk $0xffff, v2  }
0x2d4: {  	v2 =	vld.idx.msk [tilespmem:v0+s12+$0x0 ss:$0x1], $0xffff;
	_ =	sdelay $0x7  }
0x2d5: {  	v2 =	vld.idx.msk [tilespmem:v2+s6+$0x0], $0xffff;
	_ =	sdelay $0x4  }
0x2d6: {  	[tilespmem:v1+s12+$0xFFFFFFD0 ss:$0x1] =	vst.idx.msk $0xffff, v2  }
0x2d7: {  	v2 =	vld.idx.msk [tilespmem:v0+s12+$0x10 ss:$0x1], $0xffff;
	_ =	sdelay $0x7  }
0x2d8: {  	v2 =	vld.idx.msk [tilespmem:v2+s6+$0x0], $0xffff;
	_ =	sdelay $0x4  }
0x2d9: {  	[tilespmem:v1+s12+$0xFFFFFFE0 ss:$0x1] =	vst.idx.msk $0xffff, v2  }
0x2da: {  	v2 =	vld.idx.msk [tilespmem:v0+s12+$0x20 ss:$0x1], $0xffff;
	_ =	sdelay $0x7  }
0x2db: {  	v2 =	vld.idx.msk [tilespmem:v2+s6+$0x0], $0xffff;
	_ =	sdelay $0x4  }
0x2dc: {  	[tilespmem:v1+s12+$0xFFFFFFF0 ss:$0x1] =	vst.idx.msk $0xffff, v2  }
0x2dd: {  	v2 =	vld.idx.msk [tilespmem:v0+s12+$0x30 ss:$0x1], $0xffff;
	_ =	sdelay $0x7  }
0x2de: {  	p0 =	sne.s32 s11, $0xE00;
	v2 =	vld.idx.msk [tilespmem:v2+s6+$0x0], $0xffff  }
.Ltmp7:
0x2df: {  	_ = 	snop;
	(pc) =	sbr.rel @p0 .LBB2_16-.Ltmp7, $2  }
0x2e0: {  	_ =	sdelay $0x2  }
0x2e1: {  	s11 =	sadd.s32 $0x200, s11;
	[tilespmem:v1+s12+$0x0 ss:$0x1] =	vst.idx.msk $0xffff, v2  }
0x2e2: {  	s11 =	sshll.u32 s8, $0xA  }
0x2e3: {  	s12 =	sand.u32 $0x3FFFFC00, s11  }
0x2e4: {  	s13 =	sadd.s32 $0x14000, s12;
	s12 =	sadd.s32 $0xA000, s12  }
0x2e5: {  	[spmem:s2] =	stream.indirect.scatter.add.f32 [tilespmem:s13], [sflag:$0x1], $0x1, s12, s10, $0xb8;
	[tilespmem:$0x1D080] =	vst v63  }
0x2e6: {  	s18 =	sadd.s32 $0x14080, s11;
	s19 =	sadd.s32 $0xA080, s11  }
0x2e7: {  	[spmem:s2] =	stream.indirect.scatter.add.f32 [tilespmem:s18], [sflag:$0x1], $0x1, s19, s10, $0xb8;
	[tilespmem:$0x1D080] =	vst v63  }
0x2e8: {  	s20 =	sadd.s32 $0x14100, s11;
	s21 =	sadd.s32 $0xA100, s11  }
0x2e9: {  	[spmem:s2] =	stream.indirect.scatter.add.f32 [tilespmem:s20], [sflag:$0x1], $0x1, s21, s10, $0xb8;
	[tilespmem:$0x1D080] =	vst v63  }
0x2ea: {  	s22 =	sadd.s32 $0x14180, s11;
	s23 =	sadd.s32 $0xA180, s11  }
0x2eb: {  	[spmem:s2] =	stream.indirect.scatter.add.f32 [tilespmem:s22], [sflag:$0x1], $0x1, s23, s10, $0xb8;
	[tilespmem:$0x1D080] =	vst v63  }
0x2ec: {  	s24 =	sadd.s32 $0x14200, s11;
	s25 =	sadd.s32 $0xA200, s11  }
0x2ed: {  	[spmem:s2] =	stream.indirect.scatter.add.f32 [tilespmem:s24], [sflag:$0x1], $0x1, s25, s10, $0xb8;
	[tilespmem:$0x1D080] =	vst v63  }
0x2ee: {  	s26 =	sadd.s32 $0x14280, s11;
	s28 =	sadd.s32 $0xA280, s11  }
0x2ef: {  	[spmem:s2] =	stream.indirect.scatter.add.f32 [tilespmem:s26], [sflag:$0x1], $0x1, s28, s10, $0xb8;
	[tilespmem:$0x1D080] =	vst v63  }
0x2f0: {  	s29 =	sadd.s32 $0x14300, s11;
	s30 =	sadd.s32 $0xA300, s11  }
0x2f1: {  	[spmem:s2] =	stream.indirect.scatter.add.f32 [tilespmem:s29], [sflag:$0x1], $0x1, s30, s10, $0xb8;
	[tilespmem:$0x1D080] =	vst v63  }
0x2f2: {  	p0 =	seq.s32 s8, $0x0;
	s31 =	sadd.s32 $0x14380, s11;
	s11 =	sadd.s32 $0xA380, s11  }
0x2f3: {  	[spmem:s2] =	stream.indirect.scatter.add.f32 [tilespmem:s31], [sflag:$0x1], $0x1, s11, s10, $0xb8;
	[tilespmem:$0x1D080] =	vst v63  }
0x2f4: {  	s11 =	simm.s32 @!p0 $0x1  }
0x2f5: {  	_ =	swait.ge @!p0 [sflag:s11], $0x80  }
0x2f6: {  	[sflag:s11] =	ssyncset.done @!p0 $0x0  }
0x2f7: {  	[sflag:s11] =	ssyncadd.s32 @!p0 $0xFFFFFF80  }
0x2f8: {  	_ =	swait.ge @!p0 [sflag:s11], $0x80  }
0x2f9: {  	[sflag:s11] =	ssyncset.done @!p0 $0x0  }
0x2fa: {  	[sflag:s11] =	ssyncadd.s32 @!p0 $0xFFFFFF80  }
0x2fb: {  	_ =	swait.ge @!p0 [sflag:s11], $0x80  }
0x2fc: {  	[sflag:s11] =	ssyncset.done @!p0 $0x0  }
0x2fd: {  	[sflag:s11] =	ssyncadd.s32 @!p0 $0xFFFFFF80  }
0x2fe: {  	_ =	swait.ge @!p0 [sflag:s11], $0x80  }
0x2ff: {  	[sflag:s11] =	ssyncset.done @!p0 $0x0  }
0x300: {  	[sflag:s11] =	ssyncadd.s32 @!p0 $0xFFFFFF80  }
0x301: {  	_ =	swait.ge @!p0 [sflag:s11], $0x80  }
0x302: {  	[sflag:s11] =	ssyncset.done @!p0 $0x0  }
0x303: {  	[sflag:s11] =	ssyncadd.s32 @!p0 $0xFFFFFF80  }
0x304: {  	_ =	swait.ge @!p0 [sflag:s11], $0x80  }
0x305: {  	[sflag:s11] =	ssyncset.done @!p0 $0x0  }
0x306: {  	s8 =	sadd.s32 $0x1, s8;
	[sflag:s11] =	ssyncadd.s32 @!p0 $0xFFFFFF80  }
0x307: {  	p1 =	sne.s32 s8, $0x14;
	_ =	swait.ge @!p0 [sflag:s11], $0x80  }
.Ltmp8:
0x308: {  	[sflag:s11] =	ssyncset.done @!p0 $0x0;
	(pc) =	sbr.rel @p1 .LBB2_15-.Ltmp8, $4  }
0x309: {  	[sflag:s11] =	ssyncadd.s32 @!p0 $0xFFFFFF80  }
0x30a: {  	_ =	swait.ge @!p0 [sflag:s11], $0x80  }
0x30b: {  	[sflag:s11] =	ssyncset.done @!p0 $0x0  }
0x30c: {  	s5 =	sadd.s32 $0x400, s5;
	s9 =	sadd.s32 $0x400, s9;
	[sflag:s11] =	ssyncadd.s32 @!p0 $0xFFFFFF80  }
0x30d: {  	s2 =	simm.s32 $0x1  }
0x30e: {  	_ =	swait.ge [sflag:s2], $0x80  }
0x30f: {  	[sflag:s2] =	ssyncset.done $0x0  }
0x310: {  	[sflag:s2] =	ssyncadd.s32 $0xFFFFFF80  }
0x311: {  	_ =	swait.ge [sflag:s2], $0x80  }
0x312: {  	[sflag:s2] =	ssyncset.done $0x0  }
0x313: {  	[sflag:s2] =	ssyncadd.s32 $0xFFFFFF80  }
0x314: {  	_ =	swait.ge [sflag:s2], $0x80  }
0x315: {  	[sflag:s2] =	ssyncset.done $0x0  }
0x316: {  	[sflag:s2] =	ssyncadd.s32 $0xFFFFFF80  }
0x317: {  	_ =	swait.ge [sflag:s2], $0x80  }
0x318: {  	[sflag:s2] =	ssyncset.done $0x0  }
0x319: {  	[sflag:s2] =	ssyncadd.s32 $0xFFFFFF80  }
0x31a: {  	_ =	swait.ge [sflag:s2], $0x80  }
0x31b: {  	[sflag:s2] =	ssyncset.done $0x0  }
0x31c: {  	[sflag:s2] =	ssyncadd.s32 $0xFFFFFF80  }
0x31d: {  	_ =	swait.ge [sflag:s2], $0x80  }
0x31e: {  	[sflag:s2] =	ssyncset.done $0x0  }
0x31f: {  	[sflag:s2] =	ssyncadd.s32 $0xFFFFFF80  }
0x320: {  	_ =	swait.ge [sflag:s2], $0x80  }
0x321: {  	[sflag:s2] =	ssyncset.done $0x0  }
0x322: {  	[sflag:s2] =	ssyncadd.s32 $0xFFFFFF80  }
0x323: {  	_ =	swait.ge [sflag:s2], $0x80  }
0x324: {  	[sflag:s2] =	ssyncset.done $0x0  }
0x325: {  	[sflag:s2] =	ssyncadd.s32 $0xFFFFFF80  }
0x326: {  	s30 =	simm.s32 $0x1C180;
	s31 =	simm.s32 $0x2;
	[bflag:$0x0] =	sbarrier.arrive $0xFFFF  }
0x327: {  	[tilespmem:s30], [sflag:$0x2] =	stream.linear.gather [spmem:s3], $0x280, $0x38;
	[tilespmem:$0x1D080] =	vst v63  }
0x328: {  	_ =	swait.ge [sflag:s31], $0x280  }
0x329: {  	[sflag:s31] =	ssyncset.done $0x0  }
0x32a: {  	s2 =	simm.s32 $0x0;
	[sflag:s31] =	ssyncadd.s32 $0xFFFFFD80  }
0x32b: {  	v0 =	vld [tilespmem:s2+$0x1BC80]  }
0x32c: {  	s3 =	simm.s32 $0x40;
	v1 =	vld [tilespmem:s2+$0x1C180]  }
.LBB2_19:
0x32d: {  	_ = 	snop  }
0x32e: {  	p0 =	sne.s32 s3, $0x9C0  }
.Ltmp9:
0x32f: {  	_ = 	snop;
	(pc) =	sbr.rel @p0 .LBB2_19-.Ltmp9, $4  }
0x330: {  	_ = 	snop  }
0x331: {  	s5 =	sshra.s32 s3, $0x2;
	v2 =	vmul.f32 v1, v0  }
0x332: {  	v0 =	vld [tilespmem:s5+$0x1BC80]  }
0x333: {  	s3 =	sadd.s32 $0x40, s3;
	v1 =	vld [tilespmem:s5+$0x1C180];
	[tilespmem:s2+$0x1C400] =	vst v2;
	s2 =	smov.u32 s5  }
0x334: {  	_ =	sdelay $0x3  }
0x335: {  	v0 =	vmul.f32 v1, v0  }
0x336: {  	s29 =	sadd.s32 s4, s7  }
0x337: {  	s3 =	simm.s32 $0x0;
	s30 =	simm.s32 $0x1C400;
	s31 =	simm.s32 $0x2;
	[tilespmem:s2+$0x1C400] =	vst v0  }
0x338: {  	[hbm4b:s29+s3] =	stream.linear.scatter [tilespmem:s30], [sflag:$0x2], $0x280, $0x38;
	[tilespmem:$0x1D080] =	vst v63  }
0x339: {  	_ =	swait.ge [sflag:s31], $0x280  }
0x33a: {  	[sflag:s31] =	ssyncset.done $0x0  }
0x33b: {  	[sflag:s31] =	ssyncadd.s32 $0xFFFFFD80  }
0x33c: {  	_ =	sfence.sel $0x180000  }
0x33d: {  	[bflag:$0x0] =	sbarrier.arrive $0xFFFF  }
0x33e: {  	p0 =	sne.s32 s1, $0x0;
	_ =	strace $0x90000047  }
0x33f: {  	s0 =	sadd.s32 @!p0 $0x100000, s0;
	[bflag:$0x2] =	sbarrier.arrive $0xFFFF  }
0x340: {  	[sflag:s0] =	ssyncadd.tile.s32 @!p0 $0x1;
	_ =	shalt  }
.Lfunc_end2:
_tile_overlayer_lowered:
.L_overlay_start_2:
0x341: {  	(tag) =	ssettag $0x2  }
0x342: {  	s0 =	rddreg [dreg:$0x0];
	s2 =	stileid.u32  }
0x343: {  	s1 =	rddreg [dreg:$0x1];
	p0 =	sne.s32 s2, $0x0  }
0x344: {  	s3 =	rddreg [dreg:$0x2];
	[bflag:$0x3] =	sbarrier.arrive $0xFFFF;
	s2 =	simm.s32 @!p0 $0x1C02  }
0x345: {  	[timem:s3], [sflag:s2] =	dma.local @!p0 [hbm:s0], s1  }
0x346: {  	s0 =	simm.s32 @!p0 $0x2  }
0x347: {  	_ =	swait.ge @!p0 [sflag:s0], s1  }
0x348: {  	s1 =	ssub.s32 @!p0 $0x0, s1;
	[sflag:s0] =	ssyncset.done @!p0 $0x0  }
0x349: {  	[sflag:s0] =	ssyncadd.s32 @!p0 s1  }
0x34a: {  	[bflag:$0x3] =	sbarrier.arrive $0xFFFF  }
0x34b: {  	_ =	shalt  }

</sc_bundles>
